<compile_context>
chip_gen: v7x
topology: tpu7x:2x2x1
jax: 0.10.2.dev20260603
libtpu: 0.0.44.dev20260713+nightly
codegen_flags: <defaults>
</compile_context>

<pallas_src>
import functools

import jax
import jax.numpy as jnp
from jax import lax
from jax.experimental import pallas as pl
from jax.experimental.pallas import tpu as pltpu
from jax.experimental.pallas import tpu_sc as plsc

N_CORES = 2
N_SUBCORES = 16
NTILES = N_CORES * N_SUBCORES
EB = 128
DCH = 80
DEGW = 128
ZR = 40
BM = 400


def _round_up(x, m):
    return (x + m - 1) // m * m


def _sc_degree(dst_grp, ones_hbm, zer_hbm, np_):
    ntiles, nch, dch = dst_grp.shape
    rows_per_sub = np_ // N_SUBCORES
    nz = rows_per_sub // ZR
    mesh = plsc.VectorSubcoreMesh(core_axis_name="c", subcore_axis_name="s")

    @functools.partial(
        pl.kernel,
        out_type=jax.ShapeDtypeStruct((N_CORES, np_, DEGW), jnp.float32),
        mesh=mesh,
        scratch_types=[
            pltpu.VMEM((nch, dch), jnp.int32),
            pltpu.VMEM((dch, DEGW), jnp.float32),
            pltpu.VMEM((ZR, DEGW), jnp.float32),
            pltpu.VMEM_SHARED((np_, DEGW), jnp.float32),
        ],
    )
    def deg_kernel(dst_hbm, ones_h, zer_h, out_hbm, idx_v, ones_v, zbuf, acc):
        cid = lax.axis_index("c")
        sid = lax.axis_index("s")
        wid = sid * N_CORES + cid

        pltpu.sync_copy(dst_hbm.at[wid], idx_v)
        pltpu.sync_copy(ones_h, ones_v)
        pltpu.sync_copy(zer_h, zbuf)

        for k in range(nz):
            pltpu.sync_copy(zbuf, acc.at[pl.ds(sid * rows_per_sub + k * ZR, ZR)])
        plsc.subcore_barrier()

        @pl.loop(0, nch)
        def _(j):
            pltpu.sync_copy(ones_v, acc.at[idx_v.at[j]], add=True)

        plsc.subcore_barrier()
        pltpu.sync_copy(
            acc.at[pl.ds(sid * rows_per_sub, rows_per_sub)],
            out_hbm.at[cid, pl.ds(sid * rows_per_sub, rows_per_sub)],
        )

    return deg_kernel(dst_grp, ones_hbm, zer_hbm)


def _sc_propagate(g, ei_pack, zer_hbm, np_):
    ngrp_total, _, eb = ei_pack.shape
    ngrp = ngrp_total // NTILES
    f = g.shape[1]
    rows_per_sub = np_ // N_SUBCORES
    nz = rows_per_sub // ZR
    mesh = plsc.VectorSubcoreMesh(core_axis_name="c", subcore_axis_name="s")

    @functools.partial(
        pl.kernel,
        out_type=jax.ShapeDtypeStruct((N_CORES, np_, f), jnp.float32),
        mesh=mesh,
        scratch_types=[
            pltpu.VMEM((2, eb), jnp.int32),
            pltpu.VMEM((eb, f), jnp.float32),
            pltpu.VMEM((ZR, f), jnp.float32),
            pltpu.VMEM_SHARED((np_, f), jnp.float32),
            pltpu.SemaphoreType.DMA,
        ],
    )
    def prop_kernel(g_hbm, ei_hbm, zer_h, out_hbm, idxb, rows, zbuf,
                    acc, sem0):
        cid = lax.axis_index("c")
        sid = lax.axis_index("s")
        wid = sid * N_CORES + cid
        base = wid * ngrp

        pltpu.sync_copy(zer_h, zbuf)

        for k in range(nz):
            pltpu.sync_copy(zbuf, acc.at[pl.ds(sid * rows_per_sub + k * ZR, ZR)])
        plsc.subcore_barrier()

        @pl.loop(0, ngrp)
        def _(j):
            pltpu.sync_copy(ei_hbm.at[base + j], idxb)
            pltpu.async_copy(g_hbm.at[idxb.at[0]], rows, sem0)
            pltpu.make_async_copy(g_hbm.at[idxb.at[0]], rows, sem0).wait()
            pltpu.sync_copy(rows, acc.at[idxb.at[1]], add=True)

        plsc.subcore_barrier()
        pltpu.sync_copy(
            acc.at[pl.ds(sid * rows_per_sub, rows_per_sub)],
            out_hbm.at[cid, pl.ds(sid * rows_per_sub, rows_per_sub)],
        )

    return prop_kernel(g, ei_pack, zer_hbm)


def _mm_body(x_ref, w_ref, o_ref):
    o_ref[...] = jnp.dot(x_ref[...], w_ref[...],
                         preferred_element_type=jnp.float32)


def _tc_matmul(x, w):
    m, k = x.shape
    f = w.shape[1]
    return pl.pallas_call(
        _mm_body,
        grid=(m // BM,),
        in_specs=[
            pl.BlockSpec((BM, k), lambda i: (i, 0)),
            pl.BlockSpec((k, f), lambda i: (0, 0)),
        ],
        out_specs=pl.BlockSpec((BM, f), lambda i: (i, 0)),
        out_shape=jax.ShapeDtypeStruct((m, f), jnp.float32),
    )(x, w)


def _dinv_of(deg_ref):
    d = deg_ref[0][:, :1] + deg_ref[1][:, :1] + 1.0
    return lax.rsqrt(d)


def _scale_body(deg_ref, h_ref, o_ref):
    o_ref[...] = h_ref[...] * _dinv_of(deg_ref)


def _tc_scale(degp, h):
    m, f = h.shape
    return pl.pallas_call(
        _scale_body,
        grid=(m // BM,),
        in_specs=[
            pl.BlockSpec((2, BM, DEGW), lambda i: (0, i, 0)),
            pl.BlockSpec((BM, f), lambda i: (i, 0)),
        ],
        out_specs=pl.BlockSpec((BM, f), lambda i: (i, 0)),
        out_shape=jax.ShapeDtypeStruct((m, f), jnp.float32),
    )(degp, h)


def _mid_body(s_ref, deg_ref, h_ref, b_ref, w_ref, h2_ref, g2_ref):
    dinv = _dinv_of(deg_ref)
    s = (s_ref[0] + s_ref[1]) * dinv + h_ref[...] * (dinv * dinv) + b_ref[...]
    z = jnp.maximum(s, 0.0)
    h2 = jnp.dot(z, w_ref[...], preferred_element_type=jnp.float32)
    h2_ref[...] = h2
    g2_ref[...] = jnp.concatenate([h2 * dinv, jnp.zeros_like(h2)], axis=1)


def _tc_mid(s1, degp, h1, b1, w2):
    m, f = h1.shape
    c = w2.shape[1]
    return pl.pallas_call(
        _mid_body,
        grid=(m // BM,),
        in_specs=[
            pl.BlockSpec((2, BM, f), lambda i: (0, i, 0)),
            pl.BlockSpec((2, BM, DEGW), lambda i: (0, i, 0)),
            pl.BlockSpec((BM, f), lambda i: (i, 0)),
            pl.BlockSpec((1, f), lambda i: (0, 0)),
            pl.BlockSpec((f, c), lambda i: (0, 0)),
        ],
        out_specs=[
            pl.BlockSpec((BM, c), lambda i: (i, 0)),
            pl.BlockSpec((BM, 2 * c), lambda i: (i, 0)),
        ],
        out_shape=[
            jax.ShapeDtypeStruct((m, c), jnp.float32),
            jax.ShapeDtypeStruct((m, 2 * c), jnp.float32),
        ],
    )(s1, degp, h1, b1, w2)


def _out_body(s_ref, deg_ref, h_ref, b_ref, o_ref):
    dinv = _dinv_of(deg_ref)
    c = h_ref.shape[-1]
    s = (s_ref[0] + s_ref[1])[:, :c] * dinv \
        + h_ref[...] * (dinv * dinv) + b_ref[...]
    m = jnp.max(s, axis=1, keepdims=True)
    e = jnp.exp(s - m)
    lse = jnp.log(jnp.sum(e, axis=1, keepdims=True))
    o_ref[...] = s - m - lse


def _tc_out(s2, degp, h2, b2):
    m, c = h2.shape
    sw = s2.shape[2]
    return pl.pallas_call(
        _out_body,
        grid=(m // BM,),
        in_specs=[
            pl.BlockSpec((2, BM, sw), lambda i: (0, i, 0)),
            pl.BlockSpec((2, BM, DEGW), lambda i: (0, i, 0)),
            pl.BlockSpec((BM, c), lambda i: (i, 0)),
            pl.BlockSpec((1, c), lambda i: (0, 0)),
        ],
        out_specs=pl.BlockSpec((BM, c), lambda i: (i, 0)),
        out_shape=jax.ShapeDtypeStruct((m, c), jnp.float32),
    )(s2, degp, h2, b2)


def kernel(x, edge_index, W1, b1, W2, b2):
    n = x.shape[0]
    e = edge_index.shape[1]
    np_ = _round_up(n, N_SUBCORES * DCH)

    src = edge_index[0].astype(jnp.int32)
    dst = edge_index[1].astype(jnp.int32)
    ept = e // NTILES
    deg_g = dst.reshape(NTILES, ept // DCH, DCH)

    epad = _round_up(e, NTILES * EB)
    pad = epad - e
    src_flat = jnp.concatenate([src, jnp.zeros((pad,), jnp.int32)])
    dst_flat = jnp.concatenate([dst, jnp.full((pad,), n, jnp.int32)])
    ei_pack = jnp.concatenate(
        [src_flat.reshape(-1, 1, EB), dst_flat.reshape(-1, 1, EB)], axis=1)

    ones16 = jnp.ones((DCH, DEGW), jnp.float32)
    zer16 = jnp.zeros((ZR, DEGW), jnp.float32)
    zer128 = jnp.zeros((ZR, 128), jnp.float32)

    degp = _sc_degree(deg_g, ones16, zer16, np_)
    h1 = _tc_matmul(x, W1)

    g1 = _tc_scale(degp, h1)
    s1 = _sc_propagate(g1, ei_pack, zer128, np_)
    h2, g2 = _tc_mid(s1, degp, h1, b1.reshape(1, -1), W2)
    s2 = _sc_propagate(g2, ei_pack, zer128, np_)
    return _tc_out(s2, degp, h2, b2.reshape(1, -1))

# --- scband reference (transcript-rebuilt; emitter-appended) ---
"""Pipeline reference for scband-gcn-27659589386355 (READ-ONLY COPY).

The authoritative reference and input builder live on the scoring server;
editing this copy changes nothing except your own understanding.
"""

import jax, jax.numpy as jnp
import numpy as np

NFEAT = 128
NHID = 128
NCLASS = 64
N_NODES = 10000
N_EDGES = 320000


def setup_inputs(seed: int = 0) -> dict:
    key = jax.random.key(seed)
    k1, k2, k3, k4, k5, k6 = jax.random.split(key, 6)
    x = jax.random.normal(k1, (N_NODES, NFEAT), dtype=jnp.float32)
    edge_index = jax.random.randint(k2, (2, N_EDGES), 0, N_NODES, dtype=jnp.int64)
    W1 = jax.random.normal(k3, (NFEAT, NHID), dtype=jnp.float32) * (1.0 / np.sqrt(NFEAT))
    b1 = jnp.zeros((NHID,), dtype=jnp.float32)
    W2 = jax.random.normal(k4, (NHID, NCLASS), dtype=jnp.float32) * (1.0 / np.sqrt(NHID))
    b2 = jnp.zeros((NCLASS,), dtype=jnp.float32)
    return {"x": x, "edge_index": edge_index, "W1": W1, "b1": b1, "W2": W2, "b2": b2}


def gcn_conv(x, src, dst, W, b, num_nodes):
    # linear transform first (as in PyG GCNConv)
    h = x @ W
    # symmetric normalization with self-loops already included in src/dst
    ones = jnp.ones_like(src, dtype=h.dtype)
    deg = jax.ops.segment_sum(ones, dst, num_segments=num_nodes)
    deg_inv_sqrt = jnp.where(deg > 0, jax.lax.rsqrt(deg), 0.0)
    norm = deg_inv_sqrt[src] * deg_inv_sqrt[dst]
    msg = h[src] * norm[:, None]
    out = jax.ops.segment_sum(msg, dst, num_segments=num_nodes)
    return out + b


def reference(x, edge_index, W1, b1, W2, b2):
    num_nodes = x.shape[0]
    loop = jnp.arange(num_nodes, dtype=edge_index.dtype)
    src = jnp.concatenate([edge_index[0], loop])
    dst = jnp.concatenate([edge_index[1], loop])
    h = gcn_conv(x, src, dst, W1, b1, num_nodes)
    h = jax.nn.relu(h)
    # dropout is identity in eval mode
    out = gcn_conv(h, src, dst, W2, b2, num_nodes)
    return jax.nn.log_softmax(out, axis=1)

if __name__ == "__main__":
    import jax
    _d = setup_inputs()
    print(jax.jit(kernel)(*tuple(_d.values())))

</pallas_src>

<mosaic_0001>
#map = affine_map<(d0, d1) -> (0, 0, 0)>
#map1 = affine_map<(d0, d1) -> (0, 0)>
module attributes {stable_mosaic.version = 14 : i64} {
  func.func @deg_kernel(%arg0: i32, %arg1: i32, %arg2: memref<32x125x80xi32, #tpu.memory_space<hbm>>, %arg3: memref<80x128xf32, #tpu.memory_space<hbm>>, %arg4: memref<40x128xf32, #tpu.memory_space<hbm>>, %arg5: memref<2x10240x128xf32, #tpu.memory_space<hbm>>, %arg6: memref<125x80xi32, #tpu.memory_space<vmem>>, %arg7: memref<80x128xf32, #tpu.memory_space<vmem>>, %arg8: memref<40x128xf32, #tpu.memory_space<vmem>>, %arg9: memref<10240x128xf32, #tpu.memory_space<vmem_shared>>) attributes {dimension_semantics = [#tpu.dimension_semantics<core_parallel>, #tpu.dimension_semantics<subcore_parallel>], iteration_bounds = array<i64: 2, 16>, scalar_prefetch = 0 : i64, scratch_operands = 4 : i64, tpu.core_type = #tpu.core_type<sc_vector_subcore>, window_params = [{transform_indices = #map}, {transform_indices = #map1}, {transform_indices = #map1}, {transform_indices = #map}]} {
    %mul3A = arith.constant 2 : i32
    %mul3A_0 = arith.muli %arg1, %mul3A : i32
    %add3A = arith.addi %mul3A_0, %arg0 : i32
    "tpu.region"() ({
      %run_scoped3A = tpu.sem_alloc : memref<!tpu.dma_semaphore, #tpu.memory_space<semaphore_mem>>
      %dma_start3A = arith.constant 0 : i32
      %dma_start3A_74 = arith.constant 0 : i32
      %dma_start3A_75 = tpu.memref_slice %arg2[%add3A, %dma_start3A, %dma_start3A_74] : memref<32x125x80xi32, #tpu.memory_space<hbm>> -> memref<1x125x80xi32, #tpu.memory_space<hbm>>
      %dma_start3A_76 = tpu.memref_squeeze %dma_start3A_75 : memref<1x125x80xi32, #tpu.memory_space<hbm>> -> memref<125x80xi32, #tpu.memory_space<hbm>>
      %dma_start3A_77 = arith.constant 0 : i32
      %dma_start3A_78 = arith.constant 0 : i32
      %dma_start3A_79 = tpu.memref_slice %arg2[%add3A, %dma_start3A_77, %dma_start3A_78] : memref<32x125x80xi32, #tpu.memory_space<hbm>> -> memref<1x125x80xi32, #tpu.memory_space<hbm>>
      %dma_start3A_80 = tpu.memref_squeeze %dma_start3A_79 : memref<1x125x80xi32, #tpu.memory_space<hbm>> -> memref<125x80xi32, #tpu.memory_space<hbm>>
      tpu.enqueue_dma source(%dma_start3A_80 : memref<125x80xi32, #tpu.memory_space<hbm>>) target(%arg6 : memref<125x80xi32, #tpu.memory_space<vmem>>) target_semaphore(%run_scoped3A : memref<!tpu.dma_semaphore, #tpu.memory_space<semaphore_mem>>)
      %dma_wait3A = arith.constant 0 : i32
      %dma_wait3A_81 = arith.constant 0 : i32
      %dma_wait3A_82 = tpu.memref_slice %arg2[%add3A, %dma_wait3A, %dma_wait3A_81] : memref<32x125x80xi32, #tpu.memory_space<hbm>> -> memref<1x125x80xi32, #tpu.memory_space<hbm>>
      %dma_wait3A_83 = tpu.memref_squeeze %dma_wait3A_82 : memref<1x125x80xi32, #tpu.memory_space<hbm>> -> memref<125x80xi32, #tpu.memory_space<hbm>>
      %dma_wait3A_84 = arith.constant 0 : i32
      %dma_wait3A_85 = arith.constant 0 : i32
      %dma_wait3A_86 = tpu.memref_slice %arg2[%add3A, %dma_wait3A_84, %dma_wait3A_85] : memref<32x125x80xi32, #tpu.memory_space<hbm>> -> memref<1x125x80xi32, #tpu.memory_space<hbm>>
      %dma_wait3A_87 = tpu.memref_squeeze %dma_wait3A_86 : memref<1x125x80xi32, #tpu.memory_space<hbm>> -> memref<125x80xi32, #tpu.memory_space<hbm>>
      tpu.wait_dma2 semaphore(%run_scoped3A : memref<!tpu.dma_semaphore, #tpu.memory_space<semaphore_mem>>) src(%dma_wait3A_87 : memref<125x80xi32, #tpu.memory_space<hbm>>) dst(%arg6 : memref<125x80xi32, #tpu.memory_space<vmem>>)
      tpu.yield
    }) : () -> ()
    "tpu.region"() ({
      %run_scoped3A = tpu.sem_alloc : memref<!tpu.dma_semaphore, #tpu.memory_space<semaphore_mem>>
      tpu.enqueue_dma source(%arg3 : memref<80x128xf32, #tpu.memory_space<hbm>>) target(%arg7 : memref<80x128xf32, #tpu.memory_space<vmem>>) target_semaphore(%run_scoped3A : memref<!tpu.dma_semaphore, #tpu.memory_space<semaphore_mem>>)
      tpu.wait_dma2 semaphore(%run_scoped3A : memref<!tpu.dma_semaphore, #tpu.memory_space<semaphore_mem>>) src(%arg3 : memref<80x128xf32, #tpu.memory_space<hbm>>) dst(%arg7 : memref<80x128xf32, #tpu.memory_space<vmem>>)
      tpu.yield
    }) : () -> ()
    "tpu.region"() ({
      %run_scoped3A = tpu.sem_alloc : memref<!tpu.dma_semaphore, #tpu.memory_space<semaphore_mem>>
      tpu.enqueue_dma source(%arg4 : memref<40x128xf32, #tpu.memory_space<hbm>>) target(%arg8 : memref<40x128xf32, #tpu.memory_space<vmem>>) target_semaphore(%run_scoped3A : memref<!tpu.dma_semaphore, #tpu.memory_space<semaphore_mem>>)
      tpu.wait_dma2 semaphore(%run_scoped3A : memref<!tpu.dma_semaphore, #tpu.memory_space<semaphore_mem>>) src(%arg4 : memref<40x128xf32, #tpu.memory_space<hbm>>) dst(%arg8 : memref<40x128xf32, #tpu.memory_space<vmem>>)
      tpu.yield
    }) : () -> ()
    %mul3A_1 = arith.constant 640 : i32
    %mul3A_2 = arith.muli %arg1, %mul3A_1 : i32
    %add3A_3 = arith.constant 0 : i32
    %add3A_4 = arith.addi %mul3A_2, %add3A_3 : i32
    "tpu.region"() ({
      %run_scoped3A = tpu.sem_alloc : memref<!tpu.dma_semaphore, #tpu.memory_space<semaphore_mem>>
      %dma_start3A = arith.constant 0 : i32
      %dma_start3A_74 = tpu.memref_slice %arg9[%add3A_4, %dma_start3A] : memref<10240x128xf32, #tpu.memory_space<vmem_shared>> -> memref<40x128xf32, #tpu.memory_space<vmem_shared>>
      %dma_start3A_75 = arith.constant 0 : i32
      %dma_start3A_76 = tpu.memref_slice %arg9[%add3A_4, %dma_start3A_75] : memref<10240x128xf32, #tpu.memory_space<vmem_shared>> -> memref<40x128xf32, #tpu.memory_space<vmem_shared>>
      tpu.enqueue_dma source(%arg8 : memref<40x128xf32, #tpu.memory_space<vmem>>) target(%dma_start3A_76 : memref<40x128xf32, #tpu.memory_space<vmem_shared>>) target_semaphore(%run_scoped3A : memref<!tpu.dma_semaphore, #tpu.memory_space<semaphore_mem>>)
      %dma_wait3A = arith.constant 0 : i32
      %dma_wait3A_77 = tpu.memref_slice %arg9[%add3A_4, %dma_wait3A] : memref<10240x128xf32, #tpu.memory_space<vmem_shared>> -> memref<40x128xf32, #tpu.memory_space<vmem_shared>>
      %dma_wait3A_78 = arith.constant 0 : i32
      %dma_wait3A_79 = tpu.memref_slice %arg9[%add3A_4, %dma_wait3A_78] : memref<10240x128xf32, #tpu.memory_space<vmem_shared>> -> memref<40x128xf32, #tpu.memory_space<vmem_shared>>
      tpu.wait_dma2 semaphore(%run_scoped3A : memref<!tpu.dma_semaphore, #tpu.memory_space<semaphore_mem>>) src(%arg8 : memref<40x128xf32, #tpu.memory_space<vmem>>) dst(%dma_wait3A_79 : memref<40x128xf32, #tpu.memory_space<vmem_shared>>)
      tpu.yield
    }) : () -> ()
    %mul3A_5 = arith.constant 640 : i32
    %mul3A_6 = arith.muli %arg1, %mul3A_5 : i32
    %add3A_7 = arith.constant 40 : i32
    %add3A_8 = arith.addi %mul3A_6, %add3A_7 : i32
    "tpu.region"() ({
      %run_scoped3A = tpu.sem_alloc : memref<!tpu.dma_semaphore, #tpu.memory_space<semaphore_mem>>
      %dma_start3A = arith.constant 0 : i32
      %dma_start3A_74 = tpu.memref_slice %arg9[%add3A_8, %dma_start3A] : memref<10240x128xf32, #tpu.memory_space<vmem_shared>> -> memref<40x128xf32, #tpu.memory_space<vmem_shared>>
      %dma_start3A_75 = arith.constant 0 : i32
      %dma_start3A_76 = tpu.memref_slice %arg9[%add3A_8, %dma_start3A_75] : memref<10240x128xf32, #tpu.memory_space<vmem_shared>> -> memref<40x128xf32, #tpu.memory_space<vmem_shared>>
      tpu.enqueue_dma source(%arg8 : memref<40x128xf32, #tpu.memory_space<vmem>>) target(%dma_start3A_76 : memref<40x128xf32, #tpu.memory_space<vmem_shared>>) target_semaphore(%run_scoped3A : memref<!tpu.dma_semaphore, #tpu.memory_space<semaphore_mem>>)
      %dma_wait3A = arith.constant 0 : i32
      %dma_wait3A_77 = tpu.memref_slice %arg9[%add3A_8, %dma_wait3A] : memref<10240x128xf32, #tpu.memory_space<vmem_shared>> -> memref<40x128xf32, #tpu.memory_space<vmem_shared>>
      %dma_wait3A_78 = arith.constant 0 : i32
      %dma_wait3A_79 = tpu.memref_slice %arg9[%add3A_8, %dma_wait3A_78] : memref<10240x128xf32, #tpu.memory_space<vmem_shared>> -> memref<40x128xf32, #tpu.memory_space<vmem_shared>>
      tpu.wait_dma2 semaphore(%run_scoped3A : memref<!tpu.dma_semaphore, #tpu.memory_space<semaphore_mem>>) src(%arg8 : memref<40x128xf32, #tpu.memory_space<vmem>>) dst(%dma_wait3A_79 : memref<40x128xf32, #tpu.memory_space<vmem_shared>>)
      tpu.yield
    }) : () -> ()
    %mul3A_9 = arith.constant 640 : i32
    %mul3A_10 = arith.muli %arg1, %mul3A_9 : i32
    %add3A_11 = arith.constant 80 : i32
    %add3A_12 = arith.addi %mul3A_10, %add3A_11 : i32
    "tpu.region"() ({
      %run_scoped3A = tpu.sem_alloc : memref<!tpu.dma_semaphore, #tpu.memory_space<semaphore_mem>>
      %dma_start3A = arith.constant 0 : i32
      %dma_start3A_74 = tpu.memref_slice %arg9[%add3A_12, %dma_start3A] : memref<10240x128xf32, #tpu.memory_space<vmem_shared>> -> memref<40x128xf32, #tpu.memory_space<vmem_shared>>
      %dma_start3A_75 = arith.constant 0 : i32
      %dma_start3A_76 = tpu.memref_slice %arg9[%add3A_12, %dma_start3A_75] : memref<10240x128xf32, #tpu.memory_space<vmem_shared>> -> memref<40x128xf32, #tpu.memory_space<vmem_shared>>
      tpu.enqueue_dma source(%arg8 : memref<40x128xf32, #tpu.memory_space<vmem>>) target(%dma_start3A_76 : memref<40x128xf32, #tpu.memory_space<vmem_shared>>) target_semaphore(%run_scoped3A : memref<!tpu.dma_semaphore, #tpu.memory_space<semaphore_mem>>)
      %dma_wait3A = arith.constant 0 : i32
      %dma_wait3A_77 = tpu.memref_slice %arg9[%add3A_12, %dma_wait3A] : memref<10240x128xf32, #tpu.memory_space<vmem_shared>> -> memref<40x128xf32, #tpu.memory_space<vmem_shared>>
      %dma_wait3A_78 = arith.constant 0 : i32
      %dma_wait3A_79 = tpu.memref_slice %arg9[%add3A_12, %dma_wait3A_78] : memref<10240x128xf32, #tpu.memory_space<vmem_shared>> -> memref<40x128xf32, #tpu.memory_space<vmem_shared>>
      tpu.wait_dma2 semaphore(%run_scoped3A : memref<!tpu.dma_semaphore, #tpu.memory_space<semaphore_mem>>) src(%arg8 : memref<40x128xf32, #tpu.memory_space<vmem>>) dst(%dma_wait3A_79 : memref<40x128xf32, #tpu.memory_space<vmem_shared>>)
      tpu.yield
    }) : () -> ()
    %mul3A_13 = arith.constant 640 : i32
    %mul3A_14 = arith.muli %arg1, %mul3A_13 : i32
    %add3A_15 = arith.constant 120 : i32
    %add3A_16 = arith.addi %mul3A_14, %add3A_15 : i32
    "tpu.region"() ({
      %run_scoped3A = tpu.sem_alloc : memref<!tpu.dma_semaphore, #tpu.memory_space<semaphore_mem>>
      %dma_start3A = arith.constant 0 : i32
      %dma_start3A_74 = tpu.memref_slice %arg9[%add3A_16, %dma_start3A] : memref<10240x128xf32, #tpu.memory_space<vmem_shared>> -> memref<40x128xf32, #tpu.memory_space<vmem_shared>>
      %dma_start3A_75 = arith.constant 0 : i32
      %dma_start3A_76 = tpu.memref_slice %arg9[%add3A_16, %dma_start3A_75] : memref<10240x128xf32, #tpu.memory_space<vmem_shared>> -> memref<40x128xf32, #tpu.memory_space<vmem_shared>>
      tpu.enqueue_dma source(%arg8 : memref<40x128xf32, #tpu.memory_space<vmem>>) target(%dma_start3A_76 : memref<40x128xf32, #tpu.memory_space<vmem_shared>>) target_semaphore(%run_scoped3A : memref<!tpu.dma_semaphore, #tpu.memory_space<semaphore_mem>>)
      %dma_wait3A = arith.constant 0 : i32
      %dma_wait3A_77 = tpu.memref_slice %arg9[%add3A_16, %dma_wait3A] : memref<10240x128xf32, #tpu.memory_space<vmem_shared>> -> memref<40x128xf32, #tpu.memory_space<vmem_shared>>
      %dma_wait3A_78 = arith.constant 0 : i32
      %dma_wait3A_79 = tpu.memref_slice %arg9[%add3A_16, %dma_wait3A_78] : memref<10240x128xf32, #tpu.memory_space<vmem_shared>> -> memref<40x128xf32, #tpu.memory_space<vmem_shared>>
      tpu.wait_dma2 semaphore(%run_scoped3A : memref<!tpu.dma_semaphore, #tpu.memory_space<semaphore_mem>>) src(%arg8 : memref<40x128xf32, #tpu.memory_space<vmem>>) dst(%dma_wait3A_79 : memref<40x128xf32, #tpu.memory_space<vmem_shared>>)
      tpu.yield
    }) : () -> ()
    %mul3A_17 = arith.constant 640 : i32
    %mul3A_18 = arith.muli %arg1, %mul3A_17 : i32
    %add3A_19 = arith.constant 160 : i32
    %add3A_20 = arith.addi %mul3A_18, %add3A_19 : i32
    "tpu.region"() ({
      %run_scoped3A = tpu.sem_alloc : memref<!tpu.dma_semaphore, #tpu.memory_space<semaphore_mem>>
      %dma_start3A = arith.constant 0 : i32
      %dma_start3A_74 = tpu.memref_slice %arg9[%add3A_20, %dma_start3A] : memref<10240x128xf32, #tpu.memory_space<vmem_shared>> -> memref<40x128xf32, #tpu.memory_space<vmem_shared>>
      %dma_start3A_75 = arith.constant 0 : i32
      %dma_start3A_76 = tpu.memref_slice %arg9[%add3A_20, %dma_start3A_75] : memref<10240x128xf32, #tpu.memory_space<vmem_shared>> -> memref<40x128xf32, #tpu.memory_space<vmem_shared>>
      tpu.enqueue_dma source(%arg8 : memref<40x128xf32, #tpu.memory_space<vmem>>) target(%dma_start3A_76 : memref<40x128xf32, #tpu.memory_space<vmem_shared>>) target_semaphore(%run_scoped3A : memref<!tpu.dma_semaphore, #tpu.memory_space<semaphore_mem>>)
      %dma_wait3A = arith.constant 0 : i32
      %dma_wait3A_77 = tpu.memref_slice %arg9[%add3A_20, %dma_wait3A] : memref<10240x128xf32, #tpu.memory_space<vmem_shared>> -> memref<40x128xf32, #tpu.memory_space<vmem_shared>>
      %dma_wait3A_78 = arith.constant 0 : i32
      %dma_wait3A_79 = tpu.memref_slice %arg9[%add3A_20, %dma_wait3A_78] : memref<10240x128xf32, #tpu.memory_space<vmem_shared>> -> memref<40x128xf32, #tpu.memory_space<vmem_shared>>
      tpu.wait_dma2 semaphore(%run_scoped3A : memref<!tpu.dma_semaphore, #tpu.memory_space<semaphore_mem>>) src(%arg8 : memref<40x128xf32, #tpu.memory_space<vmem>>) dst(%dma_wait3A_79 : memref<40x128xf32, #tpu.memory_space<vmem_shared>>)
      tpu.yield
    }) : () -> ()
    %mul3A_21 = arith.constant 640 : i32
    %mul3A_22 = arith.muli %arg1, %mul3A_21 : i32
    %add3A_23 = arith.constant 200 : i32
    %add3A_24 = arith.addi %mul3A_22, %add3A_23 : i32
    "tpu.region"() ({
      %run_scoped3A = tpu.sem_alloc : memref<!tpu.dma_semaphore, #tpu.memory_space<semaphore_mem>>
      %dma_start3A = arith.constant 0 : i32
      %dma_start3A_74 = tpu.memref_slice %arg9[%add3A_24, %dma_start3A] : memref<10240x128xf32, #tpu.memory_space<vmem_shared>> -> memref<40x128xf32, #tpu.memory_space<vmem_shared>>
      %dma_start3A_75 = arith.constant 0 : i32
      %dma_start3A_76 = tpu.memref_slice %arg9[%add3A_24, %dma_start3A_75] : memref<10240x128xf32, #tpu.memory_space<vmem_shared>> -> memref<40x128xf32, #tpu.memory_space<vmem_shared>>
      tpu.enqueue_dma source(%arg8 : memref<40x128xf32, #tpu.memory_space<vmem>>) target(%dma_start3A_76 : memref<40x128xf32, #tpu.memory_space<vmem_shared>>) target_semaphore(%run_scoped3A : memref<!tpu.dma_semaphore, #tpu.memory_space<semaphore_mem>>)
      %dma_wait3A = arith.constant 0 : i32
      %dma_wait3A_77 = tpu.memref_slice %arg9[%add3A_24, %dma_wait3A] : memref<10240x128xf32, #tpu.memory_space<vmem_shared>> -> memref<40x128xf32, #tpu.memory_space<vmem_shared>>
      %dma_wait3A_78 = arith.constant 0 : i32
      %dma_wait3A_79 = tpu.memref_slice %arg9[%add3A_24, %dma_wait3A_78] : memref<10240x128xf32, #tpu.memory_space<vmem_shared>> -> memref<40x128xf32, #tpu.memory_space<vmem_shared>>
      tpu.wait_dma2 semaphore(%run_scoped3A : memref<!tpu.dma_semaphore, #tpu.memory_space<semaphore_mem>>) src(%arg8 : memref<40x128xf32, #tpu.memory_space<vmem>>) dst(%dma_wait3A_79 : memref<40x128xf32, #tpu.memory_space<vmem_shared>>)
      tpu.yield
    }) : () -> ()
    %mul3A_25 = arith.constant 640 : i32
    %mul3A_26 = arith.muli %arg1, %mul3A_25 : i32
    %add3A_27 = arith.constant 240 : i32
    %add3A_28 = arith.addi %mul3A_26, %add3A_27 : i32
    "tpu.region"() ({
      %run_scoped3A = tpu.sem_alloc : memref<!tpu.dma_semaphore, #tpu.memory_space<semaphore_mem>>
      %dma_start3A = arith.constant 0 : i32
      %dma_start3A_74 = tpu.memref_slice %arg9[%add3A_28, %dma_start3A] : memref<10240x128xf32, #tpu.memory_space<vmem_shared>> -> memref<40x128xf32, #tpu.memory_space<vmem_shared>>
      %dma_start3A_75 = arith.constant 0 : i32
      %dma_start3A_76 = tpu.memref_slice %arg9[%add3A_28, %dma_start3A_75] : memref<10240x128xf32, #tpu.memory_space<vmem_shared>> -> memref<40x128xf32, #tpu.memory_space<vmem_shared>>
      tpu.enqueue_dma source(%arg8 : memref<40x128xf32, #tpu.memory_space<vmem>>) target(%dma_start3A_76 : memref<40x128xf32, #tpu.memory_space<vmem_shared>>) target_semaphore(%run_scoped3A : memref<!tpu.dma_semaphore, #tpu.memory_space<semaphore_mem>>)
      %dma_wait3A = arith.constant 0 : i32
      %dma_wait3A_77 = tpu.memref_slice %arg9[%add3A_28, %dma_wait3A] : memref<10240x128xf32, #tpu.memory_space<vmem_shared>> -> memref<40x128xf32, #tpu.memory_space<vmem_shared>>
      %dma_wait3A_78 = arith.constant 0 : i32
      %dma_wait3A_79 = tpu.memref_slice %arg9[%add3A_28, %dma_wait3A_78] : memref<10240x128xf32, #tpu.memory_space<vmem_shared>> -> memref<40x128xf32, #tpu.memory_space<vmem_shared>>
      tpu.wait_dma2 semaphore(%run_scoped3A : memref<!tpu.dma_semaphore, #tpu.memory_space<semaphore_mem>>) src(%arg8 : memref<40x128xf32, #tpu.memory_space<vmem>>) dst(%dma_wait3A_79 : memref<40x128xf32, #tpu.memory_space<vmem_shared>>)
      tpu.yield
    }) : () -> ()
    %mul3A_29 = arith.constant 640 : i32
    %mul3A_30 = arith.muli %arg1, %mul3A_29 : i32
    %add3A_31 = arith.constant 280 : i32
    %add3A_32 = arith.addi %mul3A_30, %add3A_31 : i32
    "tpu.region"() ({
      %run_scoped3A = tpu.sem_alloc : memref<!tpu.dma_semaphore, #tpu.memory_space<semaphore_mem>>
      %dma_start3A = arith.constant 0 : i32
      %dma_start3A_74 = tpu.memref_slice %arg9[%add3A_32, %dma_start3A] : memref<10240x128xf32, #tpu.memory_space<vmem_shared>> -> memref<40x128xf32, #tpu.memory_space<vmem_shared>>
      %dma_start3A_75 = arith.constant 0 : i32
      %dma_start3A_76 = tpu.memref_slice %arg9[%add3A_32, %dma_start3A_75] : memref<10240x128xf32, #tpu.memory_space<vmem_shared>> -> memref<40x128xf32, #tpu.memory_space<vmem_shared>>
      tpu.enqueue_dma source(%arg8 : memref<40x128xf32, #tpu.memory_space<vmem>>) target(%dma_start3A_76 : memref<40x128xf32, #tpu.memory_space<vmem_shared>>) target_semaphore(%run_scoped3A : memref<!tpu.dma_semaphore, #tpu.memory_space<semaphore_mem>>)
      %dma_wait3A = arith.constant 0 : i32
      %dma_wait3A_77 = tpu.memref_slice %arg9[%add3A_32, %dma_wait3A] : memref<10240x128xf32, #tpu.memory_space<vmem_shared>> -> memref<40x128xf32, #tpu.memory_space<vmem_shared>>
      %dma_wait3A_78 = arith.constant 0 : i32
      %dma_wait3A_79 = tpu.memref_slice %arg9[%add3A_32, %dma_wait3A_78] : memref<10240x128xf32, #tpu.memory_space<vmem_shared>> -> memref<40x128xf32, #tpu.memory_space<vmem_shared>>
      tpu.wait_dma2 semaphore(%run_scoped3A : memref<!tpu.dma_semaphore, #tpu.memory_space<semaphore_mem>>) src(%arg8 : memref<40x128xf32, #tpu.memory_space<vmem>>) dst(%dma_wait3A_79 : memref<40x128xf32, #tpu.memory_space<vmem_shared>>)
      tpu.yield
    }) : () -> ()
    %mul3A_33 = arith.constant 640 : i32
    %mul3A_34 = arith.muli %arg1, %mul3A_33 : i32
    %add3A_35 = arith.constant 320 : i32
    %add3A_36 = arith.addi %mul3A_34, %add3A_35 : i32
    "tpu.region"() ({
      %run_scoped3A = tpu.sem_alloc : memref<!tpu.dma_semaphore, #tpu.memory_space<semaphore_mem>>
      %dma_start3A = arith.constant 0 : i32
      %dma_start3A_74 = tpu.memref_slice %arg9[%add3A_36, %dma_start3A] : memref<10240x128xf32, #tpu.memory_space<vmem_shared>> -> memref<40x128xf32, #tpu.memory_space<vmem_shared>>
      %dma_start3A_75 = arith.constant 0 : i32
      %dma_start3A_76 = tpu.memref_slice %arg9[%add3A_36, %dma_start3A_75] : memref<10240x128xf32, #tpu.memory_space<vmem_shared>> -> memref<40x128xf32, #tpu.memory_space<vmem_shared>>
      tpu.enqueue_dma source(%arg8 : memref<40x128xf32, #tpu.memory_space<vmem>>) target(%dma_start3A_76 : memref<40x128xf32, #tpu.memory_space<vmem_shared>>) target_semaphore(%run_scoped3A : memref<!tpu.dma_semaphore, #tpu.memory_space<semaphore_mem>>)
      %dma_wait3A = arith.constant 0 : i32
      %dma_wait3A_77 = tpu.memref_slice %arg9[%add3A_36, %dma_wait3A] : memref<10240x128xf32, #tpu.memory_space<vmem_shared>> -> memref<40x128xf32, #tpu.memory_space<vmem_shared>>
      %dma_wait3A_78 = arith.constant 0 : i32
      %dma_wait3A_79 = tpu.memref_slice %arg9[%add3A_36, %dma_wait3A_78] : memref<10240x128xf32, #tpu.memory_space<vmem_shared>> -> memref<40x128xf32, #tpu.memory_space<vmem_shared>>
      tpu.wait_dma2 semaphore(%run_scoped3A : memref<!tpu.dma_semaphore, #tpu.memory_space<semaphore_mem>>) src(%arg8 : memref<40x128xf32, #tpu.memory_space<vmem>>) dst(%dma_wait3A_79 : memref<40x128xf32, #tpu.memory_space<vmem_shared>>)
      tpu.yield
    }) : () -> ()
    %mul3A_37 = arith.constant 640 : i32
    %mul3A_38 = arith.muli %arg1, %mul3A_37 : i32
    %add3A_39 = arith.constant 360 : i32
    %add3A_40 = arith.addi %mul3A_38, %add3A_39 : i32
    "tpu.region"() ({
      %run_scoped3A = tpu.sem_alloc : memref<!tpu.dma_semaphore, #tpu.memory_space<semaphore_mem>>
      %dma_start3A = arith.constant 0 : i32
      %dma_start3A_74 = tpu.memref_slice %arg9[%add3A_40, %dma_start3A] : memref<10240x128xf32, #tpu.memory_space<vmem_shared>> -> memref<40x128xf32, #tpu.memory_space<vmem_shared>>
      %dma_start3A_75 = arith.constant 0 : i32
      %dma_start3A_76 = tpu.memref_slice %arg9[%add3A_40, %dma_start3A_75] : memref<10240x128xf32, #tpu.memory_space<vmem_shared>> -> memref<40x128xf32, #tpu.memory_space<vmem_shared>>
      tpu.enqueue_dma source(%arg8 : memref<40x128xf32, #tpu.memory_space<vmem>>) target(%dma_start3A_76 : memref<40x128xf32, #tpu.memory_space<vmem_shared>>) target_semaphore(%run_scoped3A : memref<!tpu.dma_semaphore, #tpu.memory_space<semaphore_mem>>)
      %dma_wait3A = arith.constant 0 : i32
      %dma_wait3A_77 = tpu.memref_slice %arg9[%add3A_40, %dma_wait3A] : memref<10240x128xf32, #tpu.memory_space<vmem_shared>> -> memref<40x128xf32, #tpu.memory_space<vmem_shared>>
      %dma_wait3A_78 = arith.constant 0 : i32
      %dma_wait3A_79 = tpu.memref_slice %arg9[%add3A_40, %dma_wait3A_78] : memref<10240x128xf32, #tpu.memory_space<vmem_shared>> -> memref<40x128xf32, #tpu.memory_space<vmem_shared>>
      tpu.wait_dma2 semaphore(%run_scoped3A : memref<!tpu.dma_semaphore, #tpu.memory_space<semaphore_mem>>) src(%arg8 : memref<40x128xf32, #tpu.memory_space<vmem>>) dst(%dma_wait3A_79 : memref<40x128xf32, #tpu.memory_space<vmem_shared>>)
      tpu.yield
    }) : () -> ()
    %mul3A_41 = arith.constant 640 : i32
    %mul3A_42 = arith.muli %arg1, %mul3A_41 : i32
    %add3A_43 = arith.constant 400 : i32
    %add3A_44 = arith.addi %mul3A_42, %add3A_43 : i32
    "tpu.region"() ({
      %run_scoped3A = tpu.sem_alloc : memref<!tpu.dma_semaphore, #tpu.memory_space<semaphore_mem>>
      %dma_start3A = arith.constant 0 : i32
      %dma_start3A_74 = tpu.memref_slice %arg9[%add3A_44, %dma_start3A] : memref<10240x128xf32, #tpu.memory_space<vmem_shared>> -> memref<40x128xf32, #tpu.memory_space<vmem_shared>>
      %dma_start3A_75 = arith.constant 0 : i32
      %dma_start3A_76 = tpu.memref_slice %arg9[%add3A_44, %dma_start3A_75] : memref<10240x128xf32, #tpu.memory_space<vmem_shared>> -> memref<40x128xf32, #tpu.memory_space<vmem_shared>>
      tpu.enqueue_dma source(%arg8 : memref<40x128xf32, #tpu.memory_space<vmem>>) target(%dma_start3A_76 : memref<40x128xf32, #tpu.memory_space<vmem_shared>>) target_semaphore(%run_scoped3A : memref<!tpu.dma_semaphore, #tpu.memory_space<semaphore_mem>>)
      %dma_wait3A = arith.constant 0 : i32
      %dma_wait3A_77 = tpu.memref_slice %arg9[%add3A_44, %dma_wait3A] : memref<10240x128xf32, #tpu.memory_space<vmem_shared>> -> memref<40x128xf32, #tpu.memory_space<vmem_shared>>
      %dma_wait3A_78 = arith.constant 0 : i32
      %dma_wait3A_79 = tpu.memref_slice %arg9[%add3A_44, %dma_wait3A_78] : memref<10240x128xf32, #tpu.memory_space<vmem_shared>> -> memref<40x128xf32, #tpu.memory_space<vmem_shared>>
      tpu.wait_dma2 semaphore(%run_scoped3A : memref<!tpu.dma_semaphore, #tpu.memory_space<semaphore_mem>>) src(%arg8 : memref<40x128xf32, #tpu.memory_space<vmem>>) dst(%dma_wait3A_79 : memref<40x128xf32, #tpu.memory_space<vmem_shared>>)
      tpu.yield
    }) : () -> ()
    %mul3A_45 = arith.constant 640 : i32
    %mul3A_46 = arith.muli %arg1, %mul3A_45 : i32
    %add3A_47 = arith.constant 440 : i32
    %add3A_48 = arith.addi %mul3A_46, %add3A_47 : i32
    "tpu.region"() ({
      %run_scoped3A = tpu.sem_alloc : memref<!tpu.dma_semaphore, #tpu.memory_space<semaphore_mem>>
      %dma_start3A = arith.constant 0 : i32
      %dma_start3A_74 = tpu.memref_slice %arg9[%add3A_48, %dma_start3A] : memref<10240x128xf32, #tpu.memory_space<vmem_shared>> -> memref<40x128xf32, #tpu.memory_space<vmem_shared>>
      %dma_start3A_75 = arith.constant 0 : i32
      %dma_start3A_76 = tpu.memref_slice %arg9[%add3A_48, %dma_start3A_75] : memref<10240x128xf32, #tpu.memory_space<vmem_shared>> -> memref<40x128xf32, #tpu.memory_space<vmem_shared>>
      tpu.enqueue_dma source(%arg8 : memref<40x128xf32, #tpu.memory_space<vmem>>) target(%dma_start3A_76 : memref<40x128xf32, #tpu.memory_space<vmem_shared>>) target_semaphore(%run_scoped3A : memref<!tpu.dma_semaphore, #tpu.memory_space<semaphore_mem>>)
      %dma_wait3A = arith.constant 0 : i32
      %dma_wait3A_77 = tpu.memref_slice %arg9[%add3A_48, %dma_wait3A] : memref<10240x128xf32, #tpu.memory_space<vmem_shared>> -> memref<40x128xf32, #tpu.memory_space<vmem_shared>>
      %dma_wait3A_78 = arith.constant 0 : i32
      %dma_wait3A_79 = tpu.memref_slice %arg9[%add3A_48, %dma_wait3A_78] : memref<10240x128xf32, #tpu.memory_space<vmem_shared>> -> memref<40x128xf32, #tpu.memory_space<vmem_shared>>
      tpu.wait_dma2 semaphore(%run_scoped3A : memref<!tpu.dma_semaphore, #tpu.memory_space<semaphore_mem>>) src(%arg8 : memref<40x128xf32, #tpu.memory_space<vmem>>) dst(%dma_wait3A_79 : memref<40x128xf32, #tpu.memory_space<vmem_shared>>)
      tpu.yield
    }) : () -> ()
    %mul3A_49 = arith.constant 640 : i32
    %mul3A_50 = arith.muli %arg1, %mul3A_49 : i32
    %add3A_51 = arith.constant 480 : i32
    %add3A_52 = arith.addi %mul3A_50, %add3A_51 : i32
    "tpu.region"() ({
      %run_scoped3A = tpu.sem_alloc : memref<!tpu.dma_semaphore, #tpu.memory_space<semaphore_mem>>
      %dma_start3A = arith.constant 0 : i32
      %dma_start3A_74 = tpu.memref_slice %arg9[%add3A_52, %dma_start3A] : memref<10240x128xf32, #tpu.memory_space<vmem_shared>> -> memref<40x128xf32, #tpu.memory_space<vmem_shared>>
      %dma_start3A_75 = arith.constant 0 : i32
      %dma_start3A_76 = tpu.memref_slice %arg9[%add3A_52, %dma_start3A_75] : memref<10240x128xf32, #tpu.memory_space<vmem_shared>> -> memref<40x128xf32, #tpu.memory_space<vmem_shared>>
      tpu.enqueue_dma source(%arg8 : memref<40x128xf32, #tpu.memory_space<vmem>>) target(%dma_start3A_76 : memref<40x128xf32, #tpu.memory_space<vmem_shared>>) target_semaphore(%run_scoped3A : memref<!tpu.dma_semaphore, #tpu.memory_space<semaphore_mem>>)
      %dma_wait3A = arith.constant 0 : i32
      %dma_wait3A_77 = tpu.memref_slice %arg9[%add3A_52, %dma_wait3A] : memref<10240x128xf32, #tpu.memory_space<vmem_shared>> -> memref<40x128xf32, #tpu.memory_space<vmem_shared>>
      %dma_wait3A_78 = arith.constant 0 : i32
      %dma_wait3A_79 = tpu.memref_slice %arg9[%add3A_52, %dma_wait3A_78] : memref<10240x128xf32, #tpu.memory_space<vmem_shared>> -> memref<40x128xf32, #tpu.memory_space<vmem_shared>>
      tpu.wait_dma2 semaphore(%run_scoped3A : memref<!tpu.dma_semaphore, #tpu.memory_space<semaphore_mem>>) src(%arg8 : memref<40x128xf32, #tpu.memory_space<vmem>>) dst(%dma_wait3A_79 : memref<40x128xf32, #tpu.memory_space<vmem_shared>>)
      tpu.yield
    }) : () -> ()
    %mul3A_53 = arith.constant 640 : i32
    %mul3A_54 = arith.muli %arg1, %mul3A_53 : i32
    %add3A_55 = arith.constant 520 : i32
    %add3A_56 = arith.addi %mul3A_54, %add3A_55 : i32
    "tpu.region"() ({
      %run_scoped3A = tpu.sem_alloc : memref<!tpu.dma_semaphore, #tpu.memory_space<semaphore_mem>>
      %dma_start3A = arith.constant 0 : i32
      %dma_start3A_74 = tpu.memref_slice %arg9[%add3A_56, %dma_start3A] : memref<10240x128xf32, #tpu.memory_space<vmem_shared>> -> memref<40x128xf32, #tpu.memory_space<vmem_shared>>
      %dma_start3A_75 = arith.constant 0 : i32
      %dma_start3A_76 = tpu.memref_slice %arg9[%add3A_56, %dma_start3A_75] : memref<10240x128xf32, #tpu.memory_space<vmem_shared>> -> memref<40x128xf32, #tpu.memory_space<vmem_shared>>
      tpu.enqueue_dma source(%arg8 : memref<40x128xf32, #tpu.memory_space<vmem>>) target(%dma_start3A_76 : memref<40x128xf32, #tpu.memory_space<vmem_shared>>) target_semaphore(%run_scoped3A : memref<!tpu.dma_semaphore, #tpu.memory_space<semaphore_mem>>)
      %dma_wait3A = arith.constant 0 : i32
      %dma_wait3A_77 = tpu.memref_slice %arg9[%add3A_56, %dma_wait3A] : memref<10240x128xf32, #tpu.memory_space<vmem_shared>> -> memref<40x128xf32, #tpu.memory_space<vmem_shared>>
      %dma_wait3A_78 = arith.constant 0 : i32
      %dma_wait3A_79 = tpu.memref_slice %arg9[%add3A_56, %dma_wait3A_78] : memref<10240x128xf32, #tpu.memory_space<vmem_shared>> -> memref<40x128xf32, #tpu.memory_space<vmem_shared>>
      tpu.wait_dma2 semaphore(%run_scoped3A : memref<!tpu.dma_semaphore, #tpu.memory_space<semaphore_mem>>) src(%arg8 : memref<40x128xf32, #tpu.memory_space<vmem>>) dst(%dma_wait3A_79 : memref<40x128xf32, #tpu.memory_space<vmem_shared>>)
      tpu.yield
    }) : () -> ()
    %mul3A_57 = arith.constant 640 : i32
    %mul3A_58 = arith.muli %arg1, %mul3A_57 : i32
    %add3A_59 = arith.constant 560 : i32
    %add3A_60 = arith.addi %mul3A_58, %add3A_59 : i32
    "tpu.region"() ({
      %run_scoped3A = tpu.sem_alloc : memref<!tpu.dma_semaphore, #tpu.memory_space<semaphore_mem>>
      %dma_start3A = arith.constant 0 : i32
      %dma_start3A_74 = tpu.memref_slice %arg9[%add3A_60, %dma_start3A] : memref<10240x128xf32, #tpu.memory_space<vmem_shared>> -> memref<40x128xf32, #tpu.memory_space<vmem_shared>>
      %dma_start3A_75 = arith.constant 0 : i32
      %dma_start3A_76 = tpu.memref_slice %arg9[%add3A_60, %dma_start3A_75] : memref<10240x128xf32, #tpu.memory_space<vmem_shared>> -> memref<40x128xf32, #tpu.memory_space<vmem_shared>>
      tpu.enqueue_dma source(%arg8 : memref<40x128xf32, #tpu.memory_space<vmem>>) target(%dma_start3A_76 : memref<40x128xf32, #tpu.memory_space<vmem_shared>>) target_semaphore(%run_scoped3A : memref<!tpu.dma_semaphore, #tpu.memory_space<semaphore_mem>>)
      %dma_wait3A = arith.constant 0 : i32
      %dma_wait3A_77 = tpu.memref_slice %arg9[%add3A_60, %dma_wait3A] : memref<10240x128xf32, #tpu.memory_space<vmem_shared>> -> memref<40x128xf32, #tpu.memory_space<vmem_shared>>
      %dma_wait3A_78 = arith.constant 0 : i32
      %dma_wait3A_79 = tpu.memref_slice %arg9[%add3A_60, %dma_wait3A_78] : memref<10240x128xf32, #tpu.memory_space<vmem_shared>> -> memref<40x128xf32, #tpu.memory_space<vmem_shared>>
      tpu.wait_dma2 semaphore(%run_scoped3A : memref<!tpu.dma_semaphore, #tpu.memory_space<semaphore_mem>>) src(%arg8 : memref<40x128xf32, #tpu.memory_space<vmem>>) dst(%dma_wait3A_79 : memref<40x128xf32, #tpu.memory_space<vmem_shared>>)
      tpu.yield
    }) : () -> ()
    %mul3A_61 = arith.constant 640 : i32
    %mul3A_62 = arith.muli %arg1, %mul3A_61 : i32
    %add3A_63 = arith.constant 600 : i32
    %add3A_64 = arith.addi %mul3A_62, %add3A_63 : i32
    "tpu.region"() ({
      %run_scoped3A = tpu.sem_alloc : memref<!tpu.dma_semaphore, #tpu.memory_space<semaphore_mem>>
      %dma_start3A = arith.constant 0 : i32
      %dma_start3A_74 = tpu.memref_slice %arg9[%add3A_64, %dma_start3A] : memref<10240x128xf32, #tpu.memory_space<vmem_shared>> -> memref<40x128xf32, #tpu.memory_space<vmem_shared>>
      %dma_start3A_75 = arith.constant 0 : i32
      %dma_start3A_76 = tpu.memref_slice %arg9[%add3A_64, %dma_start3A_75] : memref<10240x128xf32, #tpu.memory_space<vmem_shared>> -> memref<40x128xf32, #tpu.memory_space<vmem_shared>>
      tpu.enqueue_dma source(%arg8 : memref<40x128xf32, #tpu.memory_space<vmem>>) target(%dma_start3A_76 : memref<40x128xf32, #tpu.memory_space<vmem_shared>>) target_semaphore(%run_scoped3A : memref<!tpu.dma_semaphore, #tpu.memory_space<semaphore_mem>>)
      %dma_wait3A = arith.constant 0 : i32
      %dma_wait3A_77 = tpu.memref_slice %arg9[%add3A_64, %dma_wait3A] : memref<10240x128xf32, #tpu.memory_space<vmem_shared>> -> memref<40x128xf32, #tpu.memory_space<vmem_shared>>
      %dma_wait3A_78 = arith.constant 0 : i32
      %dma_wait3A_79 = tpu.memref_slice %arg9[%add3A_64, %dma_wait3A_78] : memref<10240x128xf32, #tpu.memory_space<vmem_shared>> -> memref<40x128xf32, #tpu.memory_space<vmem_shared>>
      tpu.wait_dma2 semaphore(%run_scoped3A : memref<!tpu.dma_semaphore, #tpu.memory_space<semaphore_mem>>) src(%arg8 : memref<40x128xf32, #tpu.memory_space<vmem>>) dst(%dma_wait3A_79 : memref<40x128xf32, #tpu.memory_space<vmem_shared>>)
      tpu.yield
    }) : () -> ()
    %barrier3A = arith.constant 0 : index
    tpu.barrier barrier_id(%barrier3A)
    %scan3A = arith.constant 0 : i32
    %scan3A_65 = arith.constant 125 : i32
    %scan3A_66 = arith.addi %scan3A, %scan3A_65 : i32
    %scan3A_67 = arith.constant 1 : i32
    scf.for %scan3A_74 = %scan3A to %scan3A_66 step %scan3A_67  : i32 {
      %mul3A_75 = arith.constant 1 : i32
      %mul3A_76 = arith.muli %scan3A_74, %mul3A_75 : i32
      %add3A_77 = arith.constant 0 : i32
      %add3A_78 = arith.addi %add3A_77, %mul3A_76 : i32
      "tpu.region"() ({
        %run_scoped3A = tpu.sem_alloc : memref<!tpu.dma_semaphore, #tpu.memory_space<semaphore_mem>>
        %dma_start3A = arith.constant 0 : i32
        %dma_start3A_79 = tpu.memref_slice %arg6[%add3A_78, %dma_start3A] : memref<125x80xi32, #tpu.memory_space<vmem>> -> memref<1x80xi32, #tpu.memory_space<vmem>>
        %dma_start3A_80 = tpu.memref_squeeze %dma_start3A_79 : memref<1x80xi32, #tpu.memory_space<vmem>> -> memref<80xi32, #tpu.memory_space<vmem>>
        %dma_start3A_81 = arith.constant 0 : i32
        %dma_start3A_82 = arith.constant 0 : i32
        %dma_start3A_83 = tpu.memref_slice %arg9[%dma_start3A_81, %dma_start3A_82] : memref<10240x128xf32, #tpu.memory_space<vmem_shared>> -> memref<10240x128xf32, #tpu.memory_space<vmem_shared>>
        tpu.enqueue_indirect_dma source(%arg7 : memref<80x128xf32, #tpu.memory_space<vmem>>) target(%dma_start3A_83 : memref<10240x128xf32, #tpu.memory_space<vmem_shared>>) offsets(%dma_start3A_80 : memref<80xi32, #tpu.memory_space<vmem>>) semaphore(%run_scoped3A : memref<!tpu.dma_semaphore, #tpu.memory_space<semaphore_mem>>) {add = true}
        %dma_wait3A = arith.constant 0 : i32
        %dma_wait3A_84 = tpu.memref_slice %arg6[%add3A_78, %dma_wait3A] : memref<125x80xi32, #tpu.memory_space<vmem>> -> memref<1x80xi32, #tpu.memory_space<vmem>>
        %dma_wait3A_85 = tpu.memref_squeeze %dma_wait3A_84 : memref<1x80xi32, #tpu.memory_space<vmem>> -> memref<80xi32, #tpu.memory_space<vmem>>
        %dma_wait3A_86 = arith.constant 0 : i32
        %dma_wait3A_87 = arith.constant 0 : i32
        %dma_wait3A_88 = tpu.memref_slice %arg9[%dma_wait3A_86, %dma_wait3A_87] : memref<10240x128xf32, #tpu.memory_space<vmem_shared>> -> memref<10240x128xf32, #tpu.memory_space<vmem_shared>>
        tpu.wait_indirect_dma semaphore(%run_scoped3A : memref<!tpu.dma_semaphore, #tpu.memory_space<semaphore_mem>>) src(%arg7 : memref<80x128xf32, #tpu.memory_space<vmem>>) dst(%dma_wait3A_88 : memref<10240x128xf32, #tpu.memory_space<vmem_shared>>)
        tpu.yield
      }) : () -> ()
    }
    %scan3A_68 = arith.constant 125 : i32
    %barrier3A_69 = arith.constant 0 : index
    tpu.barrier barrier_id(%barrier3A_69)
    %mul3A_70 = arith.constant 640 : i32
    %mul3A_71 = arith.muli %arg1, %mul3A_70 : i32
    %mul3A_72 = arith.constant 640 : i32
    %mul3A_73 = arith.muli %arg1, %mul3A_72 : i32
    "tpu.region"() ({
      %run_scoped3A = tpu.sem_alloc : memref<!tpu.dma_semaphore, #tpu.memory_space<semaphore_mem>>
      %dma_start3A = arith.constant 0 : i32
      %dma_start3A_74 = tpu.memref_slice %arg5[%arg0, %mul3A_73, %dma_start3A] : memref<2x10240x128xf32, #tpu.memory_space<hbm>> -> memref<1x640x128xf32, #tpu.memory_space<hbm>>
      %dma_start3A_75 = tpu.memref_squeeze %dma_start3A_74 : memref<1x640x128xf32, #tpu.memory_space<hbm>> -> memref<640x128xf32, #tpu.memory_space<hbm>>
      %dma_start3A_76 = arith.constant 0 : i32
      %dma_start3A_77 = tpu.memref_slice %arg9[%mul3A_71, %dma_start3A_76] : memref<10240x128xf32, #tpu.memory_space<vmem_shared>> -> memref<640x128xf32, #tpu.memory_space<vmem_shared>>
      tpu.enqueue_dma source(%dma_start3A_77 : memref<640x128xf32, #tpu.memory_space<vmem_shared>>) target(%dma_start3A_75 : memref<640x128xf32, #tpu.memory_space<hbm>>) target_semaphore(%run_scoped3A : memref<!tpu.dma_semaphore, #tpu.memory_space<semaphore_mem>>)
      %dma_wait3A = arith.constant 0 : i32
      %dma_wait3A_78 = tpu.memref_slice %arg5[%arg0, %mul3A_73, %dma_wait3A] : memref<2x10240x128xf32, #tpu.memory_space<hbm>> -> memref<1x640x128xf32, #tpu.memory_space<hbm>>
      %dma_wait3A_79 = tpu.memref_squeeze %dma_wait3A_78 : memref<1x640x128xf32, #tpu.memory_space<hbm>> -> memref<640x128xf32, #tpu.memory_space<hbm>>
      %dma_wait3A_80 = arith.constant 0 : i32
      %dma_wait3A_81 = tpu.memref_slice %arg9[%mul3A_71, %dma_wait3A_80] : memref<10240x128xf32, #tpu.memory_space<vmem_shared>> -> memref<640x128xf32, #tpu.memory_space<vmem_shared>>
      tpu.wait_dma2 semaphore(%run_scoped3A : memref<!tpu.dma_semaphore, #tpu.memory_space<semaphore_mem>>) src(%dma_wait3A_81 : memref<640x128xf32, #tpu.memory_space<vmem_shared>>) dst(%dma_wait3A_79 : memref<640x128xf32, #tpu.memory_space<hbm>>)
      tpu.yield
    }) : () -> ()
    return
  }
}

#map = affine_map<(d0, d1) -> (0, 0)>
#map1 = affine_map<(d0, d1) -> (0, 0, 0)>
module attributes {stable_mosaic.version = 14 : i64} {
  func.func @prop_kernel(%arg0: i32, %arg1: i32, %arg2: memref<10000x128xf32, #tpu.memory_space<hbm>>, %arg3: memref<2528x2x128xi32, #tpu.memory_space<hbm>>, %arg4: memref<40x128xf32, #tpu.memory_space<hbm>>, %arg5: memref<2x10240x128xf32, #tpu.memory_space<hbm>>, %arg6: memref<2x128xi32, #tpu.memory_space<vmem>>, %arg7: memref<128x128xf32, #tpu.memory_space<vmem>>, %arg8: memref<40x128xf32, #tpu.memory_space<vmem>>, %arg9: memref<10240x128xf32, #tpu.memory_space<vmem_shared>>, %arg10: memref<!tpu.dma_semaphore, #tpu.memory_space<semaphore_mem>>) attributes {dimension_semantics = [#tpu.dimension_semantics<core_parallel>, #tpu.dimension_semantics<subcore_parallel>], iteration_bounds = array<i64: 2, 16>, scalar_prefetch = 0 : i64, scratch_operands = 5 : i64, tpu.core_type = #tpu.core_type<sc_vector_subcore>, window_params = [{transform_indices = #map}, {transform_indices = #map1}, {transform_indices = #map}, {transform_indices = #map1}]} {
    %mul3A = arith.constant 2 : i32
    %mul3A_0 = arith.muli %arg1, %mul3A : i32
    %add3A = arith.addi %mul3A_0, %arg0 : i32
    %mul3A_1 = arith.constant 79 : i32
    %mul3A_2 = arith.muli %add3A, %mul3A_1 : i32
    "tpu.region"() ({
      %run_scoped3A = tpu.sem_alloc : memref<!tpu.dma_semaphore, #tpu.memory_space<semaphore_mem>>
      tpu.enqueue_dma source(%arg4 : memref<40x128xf32, #tpu.memory_space<hbm>>) target(%arg8 : memref<40x128xf32, #tpu.memory_space<vmem>>) target_semaphore(%run_scoped3A : memref<!tpu.dma_semaphore, #tpu.memory_space<semaphore_mem>>)
      tpu.wait_dma2 semaphore(%run_scoped3A : memref<!tpu.dma_semaphore, #tpu.memory_space<semaphore_mem>>) src(%arg4 : memref<40x128xf32, #tpu.memory_space<hbm>>) dst(%arg8 : memref<40x128xf32, #tpu.memory_space<vmem>>)
      tpu.yield
    }) : () -> ()
    %mul3A_3 = arith.constant 640 : i32
    %mul3A_4 = arith.muli %arg1, %mul3A_3 : i32
    %add3A_5 = arith.constant 0 : i32
    %add3A_6 = arith.addi %mul3A_4, %add3A_5 : i32
    "tpu.region"() ({
      %run_scoped3A = tpu.sem_alloc : memref<!tpu.dma_semaphore, #tpu.memory_space<semaphore_mem>>
      %dma_start3A = arith.constant 0 : i32
      %dma_start3A_76 = tpu.memref_slice %arg9[%add3A_6, %dma_start3A] : memref<10240x128xf32, #tpu.memory_space<vmem_shared>> -> memref<40x128xf32, #tpu.memory_space<vmem_shared>>
      %dma_start3A_77 = arith.constant 0 : i32
      %dma_start3A_78 = tpu.memref_slice %arg9[%add3A_6, %dma_start3A_77] : memref<10240x128xf32, #tpu.memory_space<vmem_shared>> -> memref<40x128xf32, #tpu.memory_space<vmem_shared>>
      tpu.enqueue_dma source(%arg8 : memref<40x128xf32, #tpu.memory_space<vmem>>) target(%dma_start3A_78 : memref<40x128xf32, #tpu.memory_space<vmem_shared>>) target_semaphore(%run_scoped3A : memref<!tpu.dma_semaphore, #tpu.memory_space<semaphore_mem>>)
      %dma_wait3A = arith.constant 0 : i32
      %dma_wait3A_79 = tpu.memref_slice %arg9[%add3A_6, %dma_wait3A] : memref<10240x128xf32, #tpu.memory_space<vmem_shared>> -> memref<40x128xf32, #tpu.memory_space<vmem_shared>>
      %dma_wait3A_80 = arith.constant 0 : i32
      %dma_wait3A_81 = tpu.memref_slice %arg9[%add3A_6, %dma_wait3A_80] : memref<10240x128xf32, #tpu.memory_space<vmem_shared>> -> memref<40x128xf32, #tpu.memory_space<vmem_shared>>
      tpu.wait_dma2 semaphore(%run_scoped3A : memref<!tpu.dma_semaphore, #tpu.memory_space<semaphore_mem>>) src(%arg8 : memref<40x128xf32, #tpu.memory_space<vmem>>) dst(%dma_wait3A_81 : memref<40x128xf32, #tpu.memory_space<vmem_shared>>)
      tpu.yield
    }) : () -> ()
    %mul3A_7 = arith.constant 640 : i32
    %mul3A_8 = arith.muli %arg1, %mul3A_7 : i32
    %add3A_9 = arith.constant 40 : i32
    %add3A_10 = arith.addi %mul3A_8, %add3A_9 : i32
    "tpu.region"() ({
      %run_scoped3A = tpu.sem_alloc : memref<!tpu.dma_semaphore, #tpu.memory_space<semaphore_mem>>
      %dma_start3A = arith.constant 0 : i32
      %dma_start3A_76 = tpu.memref_slice %arg9[%add3A_10, %dma_start3A] : memref<10240x128xf32, #tpu.memory_space<vmem_shared>> -> memref<40x128xf32, #tpu.memory_space<vmem_shared>>
      %dma_start3A_77 = arith.constant 0 : i32
      %dma_start3A_78 = tpu.memref_slice %arg9[%add3A_10, %dma_start3A_77] : memref<10240x128xf32, #tpu.memory_space<vmem_shared>> -> memref<40x128xf32, #tpu.memory_space<vmem_shared>>
      tpu.enqueue_dma source(%arg8 : memref<40x128xf32, #tpu.memory_space<vmem>>) target(%dma_start3A_78 : memref<40x128xf32, #tpu.memory_space<vmem_shared>>) target_semaphore(%run_scoped3A : memref<!tpu.dma_semaphore, #tpu.memory_space<semaphore_mem>>)
      %dma_wait3A = arith.constant 0 : i32
      %dma_wait3A_79 = tpu.memref_slice %arg9[%add3A_10, %dma_wait3A] : memref<10240x128xf32, #tpu.memory_space<vmem_shared>> -> memref<40x128xf32, #tpu.memory_space<vmem_shared>>
      %dma_wait3A_80 = arith.constant 0 : i32
      %dma_wait3A_81 = tpu.memref_slice %arg9[%add3A_10, %dma_wait3A_80] : memref<10240x128xf32, #tpu.memory_space<vmem_shared>> -> memref<40x128xf32, #tpu.memory_space<vmem_shared>>
      tpu.wait_dma2 semaphore(%run_scoped3A : memref<!tpu.dma_semaphore, #tpu.memory_space<semaphore_mem>>) src(%arg8 : memref<40x128xf32, #tpu.memory_space<vmem>>) dst(%dma_wait3A_81 : memref<40x128xf32, #tpu.memory_space<vmem_shared>>)
      tpu.yield
    }) : () -> ()
    %mul3A_11 = arith.constant 640 : i32
    %mul3A_12 = arith.muli %arg1, %mul3A_11 : i32
    %add3A_13 = arith.constant 80 : i32
    %add3A_14 = arith.addi %mul3A_12, %add3A_13 : i32
    "tpu.region"() ({
      %run_scoped3A = tpu.sem_alloc : memref<!tpu.dma_semaphore, #tpu.memory_space<semaphore_mem>>
      %dma_start3A = arith.constant 0 : i32
      %dma_start3A_76 = tpu.memref_slice %arg9[%add3A_14, %dma_start3A] : memref<10240x128xf32, #tpu.memory_space<vmem_shared>> -> memref<40x128xf32, #tpu.memory_space<vmem_shared>>
      %dma_start3A_77 = arith.constant 0 : i32
      %dma_start3A_78 = tpu.memref_slice %arg9[%add3A_14, %dma_start3A_77] : memref<10240x128xf32, #tpu.memory_space<vmem_shared>> -> memref<40x128xf32, #tpu.memory_space<vmem_shared>>
      tpu.enqueue_dma source(%arg8 : memref<40x128xf32, #tpu.memory_space<vmem>>) target(%dma_start3A_78 : memref<40x128xf32, #tpu.memory_space<vmem_shared>>) target_semaphore(%run_scoped3A : memref<!tpu.dma_semaphore, #tpu.memory_space<semaphore_mem>>)
      %dma_wait3A = arith.constant 0 : i32
      %dma_wait3A_79 = tpu.memref_slice %arg9[%add3A_14, %dma_wait3A] : memref<10240x128xf32, #tpu.memory_space<vmem_shared>> -> memref<40x128xf32, #tpu.memory_space<vmem_shared>>
      %dma_wait3A_80 = arith.constant 0 : i32
      %dma_wait3A_81 = tpu.memref_slice %arg9[%add3A_14, %dma_wait3A_80] : memref<10240x128xf32, #tpu.memory_space<vmem_shared>> -> memref<40x128xf32, #tpu.memory_space<vmem_shared>>
      tpu.wait_dma2 semaphore(%run_scoped3A : memref<!tpu.dma_semaphore, #tpu.memory_space<semaphore_mem>>) src(%arg8 : memref<40x128xf32, #tpu.memory_space<vmem>>) dst(%dma_wait3A_81 : memref<40x128xf32, #tpu.memory_space<vmem_shared>>)
      tpu.yield
    }) : () -> ()
    %mul3A_15 = arith.constant 640 : i32
    %mul3A_16 = arith.muli %arg1, %mul3A_15 : i32
    %add3A_17 = arith.constant 120 : i32
    %add3A_18 = arith.addi %mul3A_16, %add3A_17 : i32
    "tpu.region"() ({
      %run_scoped3A = tpu.sem_alloc : memref<!tpu.dma_semaphore, #tpu.memory_space<semaphore_mem>>
      %dma_start3A = arith.constant 0 : i32
      %dma_start3A_76 = tpu.memref_slice %arg9[%add3A_18, %dma_start3A] : memref<10240x128xf32, #tpu.memory_space<vmem_shared>> -> memref<40x128xf32, #tpu.memory_space<vmem_shared>>
      %dma_start3A_77 = arith.constant 0 : i32
      %dma_start3A_78 = tpu.memref_slice %arg9[%add3A_18, %dma_start3A_77] : memref<10240x128xf32, #tpu.memory_space<vmem_shared>> -> memref<40x128xf32, #tpu.memory_space<vmem_shared>>
      tpu.enqueue_dma source(%arg8 : memref<40x128xf32, #tpu.memory_space<vmem>>) target(%dma_start3A_78 : memref<40x128xf32, #tpu.memory_space<vmem_shared>>) target_semaphore(%run_scoped3A : memref<!tpu.dma_semaphore, #tpu.memory_space<semaphore_mem>>)
      %dma_wait3A = arith.constant 0 : i32
      %dma_wait3A_79 = tpu.memref_slice %arg9[%add3A_18, %dma_wait3A] : memref<10240x128xf32, #tpu.memory_space<vmem_shared>> -> memref<40x128xf32, #tpu.memory_space<vmem_shared>>
      %dma_wait3A_80 = arith.constant 0 : i32
      %dma_wait3A_81 = tpu.memref_slice %arg9[%add3A_18, %dma_wait3A_80] : memref<10240x128xf32, #tpu.memory_space<vmem_shared>> -> memref<40x128xf32, #tpu.memory_space<vmem_shared>>
      tpu.wait_dma2 semaphore(%run_scoped3A : memref<!tpu.dma_semaphore, #tpu.memory_space<semaphore_mem>>) src(%arg8 : memref<40x128xf32, #tpu.memory_space<vmem>>) dst(%dma_wait3A_81 : memref<40x128xf32, #tpu.memory_space<vmem_shared>>)
      tpu.yield
    }) : () -> ()
    %mul3A_19 = arith.constant 640 : i32
    %mul3A_20 = arith.muli %arg1, %mul3A_19 : i32
    %add3A_21 = arith.constant 160 : i32
    %add3A_22 = arith.addi %mul3A_20, %add3A_21 : i32
    "tpu.region"() ({
      %run_scoped3A = tpu.sem_alloc : memref<!tpu.dma_semaphore, #tpu.memory_space<semaphore_mem>>
      %dma_start3A = arith.constant 0 : i32
      %dma_start3A_76 = tpu.memref_slice %arg9[%add3A_22, %dma_start3A] : memref<10240x128xf32, #tpu.memory_space<vmem_shared>> -> memref<40x128xf32, #tpu.memory_space<vmem_shared>>
      %dma_start3A_77 = arith.constant 0 : i32
      %dma_start3A_78 = tpu.memref_slice %arg9[%add3A_22, %dma_start3A_77] : memref<10240x128xf32, #tpu.memory_space<vmem_shared>> -> memref<40x128xf32, #tpu.memory_space<vmem_shared>>
      tpu.enqueue_dma source(%arg8 : memref<40x128xf32, #tpu.memory_space<vmem>>) target(%dma_start3A_78 : memref<40x128xf32, #tpu.memory_space<vmem_shared>>) target_semaphore(%run_scoped3A : memref<!tpu.dma_semaphore, #tpu.memory_space<semaphore_mem>>)
      %dma_wait3A = arith.constant 0 : i32
      %dma_wait3A_79 = tpu.memref_slice %arg9[%add3A_22, %dma_wait3A] : memref<10240x128xf32, #tpu.memory_space<vmem_shared>> -> memref<40x128xf32, #tpu.memory_space<vmem_shared>>
      %dma_wait3A_80 = arith.constant 0 : i32
      %dma_wait3A_81 = tpu.memref_slice %arg9[%add3A_22, %dma_wait3A_80] : memref<10240x128xf32, #tpu.memory_space<vmem_shared>> -> memref<40x128xf32, #tpu.memory_space<vmem_shared>>
      tpu.wait_dma2 semaphore(%run_scoped3A : memref<!tpu.dma_semaphore, #tpu.memory_space<semaphore_mem>>) src(%arg8 : memref<40x128xf32, #tpu.memory_space<vmem>>) dst(%dma_wait3A_81 : memref<40x128xf32, #tpu.memory_space<vmem_shared>>)
      tpu.yield
    }) : () -> ()
    %mul3A_23 = arith.constant 640 : i32
    %mul3A_24 = arith.muli %arg1, %mul3A_23 : i32
    %add3A_25 = arith.constant 200 : i32
    %add3A_26 = arith.addi %mul3A_24, %add3A_25 : i32
    "tpu.region"() ({
      %run_scoped3A = tpu.sem_alloc : memref<!tpu.dma_semaphore, #tpu.memory_space<semaphore_mem>>
      %dma_start3A = arith.constant 0 : i32
      %dma_start3A_76 = tpu.memref_slice %arg9[%add3A_26, %dma_start3A] : memref<10240x128xf32, #tpu.memory_space<vmem_shared>> -> memref<40x128xf32, #tpu.memory_space<vmem_shared>>
      %dma_start3A_77 = arith.constant 0 : i32
      %dma_start3A_78 = tpu.memref_slice %arg9[%add3A_26, %dma_start3A_77] : memref<10240x128xf32, #tpu.memory_space<vmem_shared>> -> memref<40x128xf32, #tpu.memory_space<vmem_shared>>
      tpu.enqueue_dma source(%arg8 : memref<40x128xf32, #tpu.memory_space<vmem>>) target(%dma_start3A_78 : memref<40x128xf32, #tpu.memory_space<vmem_shared>>) target_semaphore(%run_scoped3A : memref<!tpu.dma_semaphore, #tpu.memory_space<semaphore_mem>>)
      %dma_wait3A = arith.constant 0 : i32
      %dma_wait3A_79 = tpu.memref_slice %arg9[%add3A_26, %dma_wait3A] : memref<10240x128xf32, #tpu.memory_space<vmem_shared>> -> memref<40x128xf32, #tpu.memory_space<vmem_shared>>
      %dma_wait3A_80 = arith.constant 0 : i32
      %dma_wait3A_81 = tpu.memref_slice %arg9[%add3A_26, %dma_wait3A_80] : memref<10240x128xf32, #tpu.memory_space<vmem_shared>> -> memref<40x128xf32, #tpu.memory_space<vmem_shared>>
      tpu.wait_dma2 semaphore(%run_scoped3A : memref<!tpu.dma_semaphore, #tpu.memory_space<semaphore_mem>>) src(%arg8 : memref<40x128xf32, #tpu.memory_space<vmem>>) dst(%dma_wait3A_81 : memref<40x128xf32, #tpu.memory_space<vmem_shared>>)
      tpu.yield
    }) : () -> ()
    %mul3A_27 = arith.constant 640 : i32
    %mul3A_28 = arith.muli %arg1, %mul3A_27 : i32
    %add3A_29 = arith.constant 240 : i32
    %add3A_30 = arith.addi %mul3A_28, %add3A_29 : i32
    "tpu.region"() ({
      %run_scoped3A = tpu.sem_alloc : memref<!tpu.dma_semaphore, #tpu.memory_space<semaphore_mem>>
      %dma_start3A = arith.constant 0 : i32
      %dma_start3A_76 = tpu.memref_slice %arg9[%add3A_30, %dma_start3A] : memref<10240x128xf32, #tpu.memory_space<vmem_shared>> -> memref<40x128xf32, #tpu.memory_space<vmem_shared>>
      %dma_start3A_77 = arith.constant 0 : i32
      %dma_start3A_78 = tpu.memref_slice %arg9[%add3A_30, %dma_start3A_77] : memref<10240x128xf32, #tpu.memory_space<vmem_shared>> -> memref<40x128xf32, #tpu.memory_space<vmem_shared>>
      tpu.enqueue_dma source(%arg8 : memref<40x128xf32, #tpu.memory_space<vmem>>) target(%dma_start3A_78 : memref<40x128xf32, #tpu.memory_space<vmem_shared>>) target_semaphore(%run_scoped3A : memref<!tpu.dma_semaphore, #tpu.memory_space<semaphore_mem>>)
      %dma_wait3A = arith.constant 0 : i32
      %dma_wait3A_79 = tpu.memref_slice %arg9[%add3A_30, %dma_wait3A] : memref<10240x128xf32, #tpu.memory_space<vmem_shared>> -> memref<40x128xf32, #tpu.memory_space<vmem_shared>>
      %dma_wait3A_80 = arith.constant 0 : i32
      %dma_wait3A_81 = tpu.memref_slice %arg9[%add3A_30, %dma_wait3A_80] : memref<10240x128xf32, #tpu.memory_space<vmem_shared>> -> memref<40x128xf32, #tpu.memory_space<vmem_shared>>
      tpu.wait_dma2 semaphore(%run_scoped3A : memref<!tpu.dma_semaphore, #tpu.memory_space<semaphore_mem>>) src(%arg8 : memref<40x128xf32, #tpu.memory_space<vmem>>) dst(%dma_wait3A_81 : memref<40x128xf32, #tpu.memory_space<vmem_shared>>)
      tpu.yield
    }) : () -> ()
    %mul3A_31 = arith.constant 640 : i32
    %mul3A_32 = arith.muli %arg1, %mul3A_31 : i32
    %add3A_33 = arith.constant 280 : i32
    %add3A_34 = arith.addi %mul3A_32, %add3A_33 : i32
    "tpu.region"() ({
      %run_scoped3A = tpu.sem_alloc : memref<!tpu.dma_semaphore, #tpu.memory_space<semaphore_mem>>
      %dma_start3A = arith.constant 0 : i32
      %dma_start3A_76 = tpu.memref_slice %arg9[%add3A_34, %dma_start3A] : memref<10240x128xf32, #tpu.memory_space<vmem_shared>> -> memref<40x128xf32, #tpu.memory_space<vmem_shared>>
      %dma_start3A_77 = arith.constant 0 : i32
      %dma_start3A_78 = tpu.memref_slice %arg9[%add3A_34, %dma_start3A_77] : memref<10240x128xf32, #tpu.memory_space<vmem_shared>> -> memref<40x128xf32, #tpu.memory_space<vmem_shared>>
      tpu.enqueue_dma source(%arg8 : memref<40x128xf32, #tpu.memory_space<vmem>>) target(%dma_start3A_78 : memref<40x128xf32, #tpu.memory_space<vmem_shared>>) target_semaphore(%run_scoped3A : memref<!tpu.dma_semaphore, #tpu.memory_space<semaphore_mem>>)
      %dma_wait3A = arith.constant 0 : i32
      %dma_wait3A_79 = tpu.memref_slice %arg9[%add3A_34, %dma_wait3A] : memref<10240x128xf32, #tpu.memory_space<vmem_shared>> -> memref<40x128xf32, #tpu.memory_space<vmem_shared>>
      %dma_wait3A_80 = arith.constant 0 : i32
      %dma_wait3A_81 = tpu.memref_slice %arg9[%add3A_34, %dma_wait3A_80] : memref<10240x128xf32, #tpu.memory_space<vmem_shared>> -> memref<40x128xf32, #tpu.memory_space<vmem_shared>>
      tpu.wait_dma2 semaphore(%run_scoped3A : memref<!tpu.dma_semaphore, #tpu.memory_space<semaphore_mem>>) src(%arg8 : memref<40x128xf32, #tpu.memory_space<vmem>>) dst(%dma_wait3A_81 : memref<40x128xf32, #tpu.memory_space<vmem_shared>>)
      tpu.yield
    }) : () -> ()
    %mul3A_35 = arith.constant 640 : i32
    %mul3A_36 = arith.muli %arg1, %mul3A_35 : i32
    %add3A_37 = arith.constant 320 : i32
    %add3A_38 = arith.addi %mul3A_36, %add3A_37 : i32
    "tpu.region"() ({
      %run_scoped3A = tpu.sem_alloc : memref<!tpu.dma_semaphore, #tpu.memory_space<semaphore_mem>>
      %dma_start3A = arith.constant 0 : i32
      %dma_start3A_76 = tpu.memref_slice %arg9[%add3A_38, %dma_start3A] : memref<10240x128xf32, #tpu.memory_space<vmem_shared>> -> memref<40x128xf32, #tpu.memory_space<vmem_shared>>
      %dma_start3A_77 = arith.constant 0 : i32
      %dma_start3A_78 = tpu.memref_slice %arg9[%add3A_38, %dma_start3A_77] : memref<10240x128xf32, #tpu.memory_space<vmem_shared>> -> memref<40x128xf32, #tpu.memory_space<vmem_shared>>
      tpu.enqueue_dma source(%arg8 : memref<40x128xf32, #tpu.memory_space<vmem>>) target(%dma_start3A_78 : memref<40x128xf32, #tpu.memory_space<vmem_shared>>) target_semaphore(%run_scoped3A : memref<!tpu.dma_semaphore, #tpu.memory_space<semaphore_mem>>)
      %dma_wait3A = arith.constant 0 : i32
      %dma_wait3A_79 = tpu.memref_slice %arg9[%add3A_38, %dma_wait3A] : memref<10240x128xf32, #tpu.memory_space<vmem_shared>> -> memref<40x128xf32, #tpu.memory_space<vmem_shared>>
      %dma_wait3A_80 = arith.constant 0 : i32
      %dma_wait3A_81 = tpu.memref_slice %arg9[%add3A_38, %dma_wait3A_80] : memref<10240x128xf32, #tpu.memory_space<vmem_shared>> -> memref<40x128xf32, #tpu.memory_space<vmem_shared>>
      tpu.wait_dma2 semaphore(%run_scoped3A : memref<!tpu.dma_semaphore, #tpu.memory_space<semaphore_mem>>) src(%arg8 : memref<40x128xf32, #tpu.memory_space<vmem>>) dst(%dma_wait3A_81 : memref<40x128xf32, #tpu.memory_space<vmem_shared>>)
      tpu.yield
    }) : () -> ()
    %mul3A_39 = arith.constant 640 : i32
    %mul3A_40 = arith.muli %arg1, %mul3A_39 : i32
    %add3A_41 = arith.constant 360 : i32
    %add3A_42 = arith.addi %mul3A_40, %add3A_41 : i32
    "tpu.region"() ({
      %run_scoped3A = tpu.sem_alloc : memref<!tpu.dma_semaphore, #tpu.memory_space<semaphore_mem>>
      %dma_start3A = arith.constant 0 : i32
      %dma_start3A_76 = tpu.memref_slice %arg9[%add3A_42, %dma_start3A] : memref<10240x128xf32, #tpu.memory_space<vmem_shared>> -> memref<40x128xf32, #tpu.memory_space<vmem_shared>>
      %dma_start3A_77 = arith.constant 0 : i32
      %dma_start3A_78 = tpu.memref_slice %arg9[%add3A_42, %dma_start3A_77] : memref<10240x128xf32, #tpu.memory_space<vmem_shared>> -> memref<40x128xf32, #tpu.memory_space<vmem_shared>>
      tpu.enqueue_dma source(%arg8 : memref<40x128xf32, #tpu.memory_space<vmem>>) target(%dma_start3A_78 : memref<40x128xf32, #tpu.memory_space<vmem_shared>>) target_semaphore(%run_scoped3A : memref<!tpu.dma_semaphore, #tpu.memory_space<semaphore_mem>>)
      %dma_wait3A = arith.constant 0 : i32
      %dma_wait3A_79 = tpu.memref_slice %arg9[%add3A_42, %dma_wait3A] : memref<10240x128xf32, #tpu.memory_space<vmem_shared>> -> memref<40x128xf32, #tpu.memory_space<vmem_shared>>
      %dma_wait3A_80 = arith.constant 0 : i32
      %dma_wait3A_81 = tpu.memref_slice %arg9[%add3A_42, %dma_wait3A_80] : memref<10240x128xf32, #tpu.memory_space<vmem_shared>> -> memref<40x128xf32, #tpu.memory_space<vmem_shared>>
      tpu.wait_dma2 semaphore(%run_scoped3A : memref<!tpu.dma_semaphore, #tpu.memory_space<semaphore_mem>>) src(%arg8 : memref<40x128xf32, #tpu.memory_space<vmem>>) dst(%dma_wait3A_81 : memref<40x128xf32, #tpu.memory_space<vmem_shared>>)
      tpu.yield
    }) : () -> ()
    %mul3A_43 = arith.constant 640 : i32
    %mul3A_44 = arith.muli %arg1, %mul3A_43 : i32
    %add3A_45 = arith.constant 400 : i32
    %add3A_46 = arith.addi %mul3A_44, %add3A_45 : i32
    "tpu.region"() ({
      %run_scoped3A = tpu.sem_alloc : memref<!tpu.dma_semaphore, #tpu.memory_space<semaphore_mem>>
      %dma_start3A = arith.constant 0 : i32
      %dma_start3A_76 = tpu.memref_slice %arg9[%add3A_46, %dma_start3A] : memref<10240x128xf32, #tpu.memory_space<vmem_shared>> -> memref<40x128xf32, #tpu.memory_space<vmem_shared>>
      %dma_start3A_77 = arith.constant 0 : i32
      %dma_start3A_78 = tpu.memref_slice %arg9[%add3A_46, %dma_start3A_77] : memref<10240x128xf32, #tpu.memory_space<vmem_shared>> -> memref<40x128xf32, #tpu.memory_space<vmem_shared>>
      tpu.enqueue_dma source(%arg8 : memref<40x128xf32, #tpu.memory_space<vmem>>) target(%dma_start3A_78 : memref<40x128xf32, #tpu.memory_space<vmem_shared>>) target_semaphore(%run_scoped3A : memref<!tpu.dma_semaphore, #tpu.memory_space<semaphore_mem>>)
      %dma_wait3A = arith.constant 0 : i32
      %dma_wait3A_79 = tpu.memref_slice %arg9[%add3A_46, %dma_wait3A] : memref<10240x128xf32, #tpu.memory_space<vmem_shared>> -> memref<40x128xf32, #tpu.memory_space<vmem_shared>>
      %dma_wait3A_80 = arith.constant 0 : i32
      %dma_wait3A_81 = tpu.memref_slice %arg9[%add3A_46, %dma_wait3A_80] : memref<10240x128xf32, #tpu.memory_space<vmem_shared>> -> memref<40x128xf32, #tpu.memory_space<vmem_shared>>
      tpu.wait_dma2 semaphore(%run_scoped3A : memref<!tpu.dma_semaphore, #tpu.memory_space<semaphore_mem>>) src(%arg8 : memref<40x128xf32, #tpu.memory_space<vmem>>) dst(%dma_wait3A_81 : memref<40x128xf32, #tpu.memory_space<vmem_shared>>)
      tpu.yield
    }) : () -> ()
    %mul3A_47 = arith.constant 640 : i32
    %mul3A_48 = arith.muli %arg1, %mul3A_47 : i32
    %add3A_49 = arith.constant 440 : i32
    %add3A_50 = arith.addi %mul3A_48, %add3A_49 : i32
    "tpu.region"() ({
      %run_scoped3A = tpu.sem_alloc : memref<!tpu.dma_semaphore, #tpu.memory_space<semaphore_mem>>
      %dma_start3A = arith.constant 0 : i32
      %dma_start3A_76 = tpu.memref_slice %arg9[%add3A_50, %dma_start3A] : memref<10240x128xf32, #tpu.memory_space<vmem_shared>> -> memref<40x128xf32, #tpu.memory_space<vmem_shared>>
      %dma_start3A_77 = arith.constant 0 : i32
      %dma_start3A_78 = tpu.memref_slice %arg9[%add3A_50, %dma_start3A_77] : memref<10240x128xf32, #tpu.memory_space<vmem_shared>> -> memref<40x128xf32, #tpu.memory_space<vmem_shared>>
      tpu.enqueue_dma source(%arg8 : memref<40x128xf32, #tpu.memory_space<vmem>>) target(%dma_start3A_78 : memref<40x128xf32, #tpu.memory_space<vmem_shared>>) target_semaphore(%run_scoped3A : memref<!tpu.dma_semaphore, #tpu.memory_space<semaphore_mem>>)
      %dma_wait3A = arith.constant 0 : i32
      %dma_wait3A_79 = tpu.memref_slice %arg9[%add3A_50, %dma_wait3A] : memref<10240x128xf32, #tpu.memory_space<vmem_shared>> -> memref<40x128xf32, #tpu.memory_space<vmem_shared>>
      %dma_wait3A_80 = arith.constant 0 : i32
      %dma_wait3A_81 = tpu.memref_slice %arg9[%add3A_50, %dma_wait3A_80] : memref<10240x128xf32, #tpu.memory_space<vmem_shared>> -> memref<40x128xf32, #tpu.memory_space<vmem_shared>>
      tpu.wait_dma2 semaphore(%run_scoped3A : memref<!tpu.dma_semaphore, #tpu.memory_space<semaphore_mem>>) src(%arg8 : memref<40x128xf32, #tpu.memory_space<vmem>>) dst(%dma_wait3A_81 : memref<40x128xf32, #tpu.memory_space<vmem_shared>>)
      tpu.yield
    }) : () -> ()
    %mul3A_51 = arith.constant 640 : i32
    %mul3A_52 = arith.muli %arg1, %mul3A_51 : i32
    %add3A_53 = arith.constant 480 : i32
    %add3A_54 = arith.addi %mul3A_52, %add3A_53 : i32
    "tpu.region"() ({
      %run_scoped3A = tpu.sem_alloc : memref<!tpu.dma_semaphore, #tpu.memory_space<semaphore_mem>>
      %dma_start3A = arith.constant 0 : i32
      %dma_start3A_76 = tpu.memref_slice %arg9[%add3A_54, %dma_start3A] : memref<10240x128xf32, #tpu.memory_space<vmem_shared>> -> memref<40x128xf32, #tpu.memory_space<vmem_shared>>
      %dma_start3A_77 = arith.constant 0 : i32
      %dma_start3A_78 = tpu.memref_slice %arg9[%add3A_54, %dma_start3A_77] : memref<10240x128xf32, #tpu.memory_space<vmem_shared>> -> memref<40x128xf32, #tpu.memory_space<vmem_shared>>
      tpu.enqueue_dma source(%arg8 : memref<40x128xf32, #tpu.memory_space<vmem>>) target(%dma_start3A_78 : memref<40x128xf32, #tpu.memory_space<vmem_shared>>) target_semaphore(%run_scoped3A : memref<!tpu.dma_semaphore, #tpu.memory_space<semaphore_mem>>)
      %dma_wait3A = arith.constant 0 : i32
      %dma_wait3A_79 = tpu.memref_slice %arg9[%add3A_54, %dma_wait3A] : memref<10240x128xf32, #tpu.memory_space<vmem_shared>> -> memref<40x128xf32, #tpu.memory_space<vmem_shared>>
      %dma_wait3A_80 = arith.constant 0 : i32
      %dma_wait3A_81 = tpu.memref_slice %arg9[%add3A_54, %dma_wait3A_80] : memref<10240x128xf32, #tpu.memory_space<vmem_shared>> -> memref<40x128xf32, #tpu.memory_space<vmem_shared>>
      tpu.wait_dma2 semaphore(%run_scoped3A : memref<!tpu.dma_semaphore, #tpu.memory_space<semaphore_mem>>) src(%arg8 : memref<40x128xf32, #tpu.memory_space<vmem>>) dst(%dma_wait3A_81 : memref<40x128xf32, #tpu.memory_space<vmem_shared>>)
      tpu.yield
    }) : () -> ()
    %mul3A_55 = arith.constant 640 : i32
    %mul3A_56 = arith.muli %arg1, %mul3A_55 : i32
    %add3A_57 = arith.constant 520 : i32
    %add3A_58 = arith.addi %mul3A_56, %add3A_57 : i32
    "tpu.region"() ({
      %run_scoped3A = tpu.sem_alloc : memref<!tpu.dma_semaphore, #tpu.memory_space<semaphore_mem>>
      %dma_start3A = arith.constant 0 : i32
      %dma_start3A_76 = tpu.memref_slice %arg9[%add3A_58, %dma_start3A] : memref<10240x128xf32, #tpu.memory_space<vmem_shared>> -> memref<40x128xf32, #tpu.memory_space<vmem_shared>>
      %dma_start3A_77 = arith.constant 0 : i32
      %dma_start3A_78 = tpu.memref_slice %arg9[%add3A_58, %dma_start3A_77] : memref<10240x128xf32, #tpu.memory_space<vmem_shared>> -> memref<40x128xf32, #tpu.memory_space<vmem_shared>>
      tpu.enqueue_dma source(%arg8 : memref<40x128xf32, #tpu.memory_space<vmem>>) target(%dma_start3A_78 : memref<40x128xf32, #tpu.memory_space<vmem_shared>>) target_semaphore(%run_scoped3A : memref<!tpu.dma_semaphore, #tpu.memory_space<semaphore_mem>>)
      %dma_wait3A = arith.constant 0 : i32
      %dma_wait3A_79 = tpu.memref_slice %arg9[%add3A_58, %dma_wait3A] : memref<10240x128xf32, #tpu.memory_space<vmem_shared>> -> memref<40x128xf32, #tpu.memory_space<vmem_shared>>
      %dma_wait3A_80 = arith.constant 0 : i32
      %dma_wait3A_81 = tpu.memref_slice %arg9[%add3A_58, %dma_wait3A_80] : memref<10240x128xf32, #tpu.memory_space<vmem_shared>> -> memref<40x128xf32, #tpu.memory_space<vmem_shared>>
      tpu.wait_dma2 semaphore(%run_scoped3A : memref<!tpu.dma_semaphore, #tpu.memory_space<semaphore_mem>>) src(%arg8 : memref<40x128xf32, #tpu.memory_space<vmem>>) dst(%dma_wait3A_81 : memref<40x128xf32, #tpu.memory_space<vmem_shared>>)
      tpu.yield
    }) : () -> ()
    %mul3A_59 = arith.constant 640 : i32
    %mul3A_60 = arith.muli %arg1, %mul3A_59 : i32
    %add3A_61 = arith.constant 560 : i32
    %add3A_62 = arith.addi %mul3A_60, %add3A_61 : i32
    "tpu.region"() ({
      %run_scoped3A = tpu.sem_alloc : memref<!tpu.dma_semaphore, #tpu.memory_space<semaphore_mem>>
      %dma_start3A = arith.constant 0 : i32
      %dma_start3A_76 = tpu.memref_slice %arg9[%add3A_62, %dma_start3A] : memref<10240x128xf32, #tpu.memory_space<vmem_shared>> -> memref<40x128xf32, #tpu.memory_space<vmem_shared>>
      %dma_start3A_77 = arith.constant 0 : i32
      %dma_start3A_78 = tpu.memref_slice %arg9[%add3A_62, %dma_start3A_77] : memref<10240x128xf32, #tpu.memory_space<vmem_shared>> -> memref<40x128xf32, #tpu.memory_space<vmem_shared>>
      tpu.enqueue_dma source(%arg8 : memref<40x128xf32, #tpu.memory_space<vmem>>) target(%dma_start3A_78 : memref<40x128xf32, #tpu.memory_space<vmem_shared>>) target_semaphore(%run_scoped3A : memref<!tpu.dma_semaphore, #tpu.memory_space<semaphore_mem>>)
      %dma_wait3A = arith.constant 0 : i32
      %dma_wait3A_79 = tpu.memref_slice %arg9[%add3A_62, %dma_wait3A] : memref<10240x128xf32, #tpu.memory_space<vmem_shared>> -> memref<40x128xf32, #tpu.memory_space<vmem_shared>>
      %dma_wait3A_80 = arith.constant 0 : i32
      %dma_wait3A_81 = tpu.memref_slice %arg9[%add3A_62, %dma_wait3A_80] : memref<10240x128xf32, #tpu.memory_space<vmem_shared>> -> memref<40x128xf32, #tpu.memory_space<vmem_shared>>
      tpu.wait_dma2 semaphore(%run_scoped3A : memref<!tpu.dma_semaphore, #tpu.memory_space<semaphore_mem>>) src(%arg8 : memref<40x128xf32, #tpu.memory_space<vmem>>) dst(%dma_wait3A_81 : memref<40x128xf32, #tpu.memory_space<vmem_shared>>)
      tpu.yield
    }) : () -> ()
    %mul3A_63 = arith.constant 640 : i32
    %mul3A_64 = arith.muli %arg1, %mul3A_63 : i32
    %add3A_65 = arith.constant 600 : i32
    %add3A_66 = arith.addi %mul3A_64, %add3A_65 : i32
    "tpu.region"() ({
      %run_scoped3A = tpu.sem_alloc : memref<!tpu.dma_semaphore, #tpu.memory_space<semaphore_mem>>
      %dma_start3A = arith.constant 0 : i32
      %dma_start3A_76 = tpu.memref_slice %arg9[%add3A_66, %dma_start3A] : memref<10240x128xf32, #tpu.memory_space<vmem_shared>> -> memref<40x128xf32, #tpu.memory_space<vmem_shared>>
      %dma_start3A_77 = arith.constant 0 : i32
      %dma_start3A_78 = tpu.memref_slice %arg9[%add3A_66, %dma_start3A_77] : memref<10240x128xf32, #tpu.memory_space<vmem_shared>> -> memref<40x128xf32, #tpu.memory_space<vmem_shared>>
      tpu.enqueue_dma source(%arg8 : memref<40x128xf32, #tpu.memory_space<vmem>>) target(%dma_start3A_78 : memref<40x128xf32, #tpu.memory_space<vmem_shared>>) target_semaphore(%run_scoped3A : memref<!tpu.dma_semaphore, #tpu.memory_space<semaphore_mem>>)
      %dma_wait3A = arith.constant 0 : i32
      %dma_wait3A_79 = tpu.memref_slice %arg9[%add3A_66, %dma_wait3A] : memref<10240x128xf32, #tpu.memory_space<vmem_shared>> -> memref<40x128xf32, #tpu.memory_space<vmem_shared>>
      %dma_wait3A_80 = arith.constant 0 : i32
      %dma_wait3A_81 = tpu.memref_slice %arg9[%add3A_66, %dma_wait3A_80] : memref<10240x128xf32, #tpu.memory_space<vmem_shared>> -> memref<40x128xf32, #tpu.memory_space<vmem_shared>>
      tpu.wait_dma2 semaphore(%run_scoped3A : memref<!tpu.dma_semaphore, #tpu.memory_space<semaphore_mem>>) src(%arg8 : memref<40x128xf32, #tpu.memory_space<vmem>>) dst(%dma_wait3A_81 : memref<40x128xf32, #tpu.memory_space<vmem_shared>>)
      tpu.yield
    }) : () -> ()
    %barrier3A = arith.constant 0 : index
    tpu.barrier barrier_id(%barrier3A)
    %scan3A = arith.constant 0 : i32
    %scan3A_67 = arith.constant 79 : i32
    %scan3A_68 = arith.addi %scan3A, %scan3A_67 : i32
    %scan3A_69 = arith.constant 1 : i32
    scf.for %scan3A_76 = %scan3A to %scan3A_68 step %scan3A_69  : i32 {
      %mul3A_77 = arith.constant 1 : i32
      %mul3A_78 = arith.muli %scan3A_76, %mul3A_77 : i32
      %add3A_79 = arith.constant 0 : i32
      %add3A_80 = arith.addi %add3A_79, %mul3A_78 : i32
      %add3A_81 = arith.addi %mul3A_2, %add3A_80 : i32
      "tpu.region"() ({
        %run_scoped3A_94 = tpu.sem_alloc : memref<!tpu.dma_semaphore, #tpu.memory_space<semaphore_mem>>
        %dma_start3A_95 = arith.constant 0 : i32
        %dma_start3A_96 = arith.constant 0 : i32
        %dma_start3A_97 = tpu.memref_slice %arg3[%add3A_81, %dma_start3A_95, %dma_start3A_96] : memref<2528x2x128xi32, #tpu.memory_space<hbm>> -> memref<1x2x128xi32, #tpu.memory_space<hbm>>
        %dma_start3A_98 = tpu.memref_squeeze %dma_start3A_97 : memref<1x2x128xi32, #tpu.memory_space<hbm>> -> memref<2x128xi32, #tpu.memory_space<hbm>>
        %dma_start3A_99 = arith.constant 0 : i32
        %dma_start3A_100 = arith.constant 0 : i32
        %dma_start3A_101 = tpu.memref_slice %arg3[%add3A_81, %dma_start3A_99, %dma_start3A_100] : memref<2528x2x128xi32, #tpu.memory_space<hbm>> -> memref<1x2x128xi32, #tpu.memory_space<hbm>>
        %dma_start3A_102 = tpu.memref_squeeze %dma_start3A_101 : memref<1x2x128xi32, #tpu.memory_space<hbm>> -> memref<2x128xi32, #tpu.memory_space<hbm>>
        tpu.enqueue_dma source(%dma_start3A_102 : memref<2x128xi32, #tpu.memory_space<hbm>>) target(%arg6 : memref<2x128xi32, #tpu.memory_space<vmem>>) target_semaphore(%run_scoped3A_94 : memref<!tpu.dma_semaphore, #tpu.memory_space<semaphore_mem>>)
        %dma_wait3A_103 = arith.constant 0 : i32
        %dma_wait3A_104 = arith.constant 0 : i32
        %dma_wait3A_105 = tpu.memref_slice %arg3[%add3A_81, %dma_wait3A_103, %dma_wait3A_104] : memref<2528x2x128xi32, #tpu.memory_space<hbm>> -> memref<1x2x128xi32, #tpu.memory_space<hbm>>
        %dma_wait3A_106 = tpu.memref_squeeze %dma_wait3A_105 : memref<1x2x128xi32, #tpu.memory_space<hbm>> -> memref<2x128xi32, #tpu.memory_space<hbm>>
        %dma_wait3A_107 = arith.constant 0 : i32
        %dma_wait3A_108 = arith.constant 0 : i32
        %dma_wait3A_109 = tpu.memref_slice %arg3[%add3A_81, %dma_wait3A_107, %dma_wait3A_108] : memref<2528x2x128xi32, #tpu.memory_space<hbm>> -> memref<1x2x128xi32, #tpu.memory_space<hbm>>
        %dma_wait3A_110 = tpu.memref_squeeze %dma_wait3A_109 : memref<1x2x128xi32, #tpu.memory_space<hbm>> -> memref<2x128xi32, #tpu.memory_space<hbm>>
        tpu.wait_dma2 semaphore(%run_scoped3A_94 : memref<!tpu.dma_semaphore, #tpu.memory_space<semaphore_mem>>) src(%dma_wait3A_110 : memref<2x128xi32, #tpu.memory_space<hbm>>) dst(%arg6 : memref<2x128xi32, #tpu.memory_space<vmem>>)
        tpu.yield
      }) : () -> ()
      %dma_start3A = arith.constant 0 : i32
      %dma_start3A_82 = arith.constant 0 : i32
      %dma_start3A_83 = tpu.memref_slice %arg6[%dma_start3A, %dma_start3A_82] : memref<2x128xi32, #tpu.memory_space<vmem>> -> memref<1x128xi32, #tpu.memory_space<vmem>>
      %dma_start3A_84 = tpu.memref_squeeze %dma_start3A_83 : memref<1x128xi32, #tpu.memory_space<vmem>> -> memref<128xi32, #tpu.memory_space<vmem>>
      %dma_start3A_85 = arith.constant 0 : i32
      %dma_start3A_86 = arith.constant 0 : i32
      %dma_start3A_87 = tpu.memref_slice %arg2[%dma_start3A_85, %dma_start3A_86] : memref<10000x128xf32, #tpu.memory_space<hbm>> -> memref<10000x128xf32, #tpu.memory_space<hbm>>
      tpu.enqueue_indirect_dma source(%dma_start3A_87 : memref<10000x128xf32, #tpu.memory_space<hbm>>) target(%arg7 : memref<128x128xf32, #tpu.memory_space<vmem>>) offsets(%dma_start3A_84 : memref<128xi32, #tpu.memory_space<vmem>>) semaphore(%arg10 : memref<!tpu.dma_semaphore, #tpu.memory_space<semaphore_mem>>)
      %dma_wait3A = arith.constant 0 : i32
      %dma_wait3A_88 = arith.constant 0 : i32
      %dma_wait3A_89 = tpu.memref_slice %arg6[%dma_wait3A, %dma_wait3A_88] : memref<2x128xi32, #tpu.memory_space<vmem>> -> memref<1x128xi32, #tpu.memory_space<vmem>>
      %dma_wait3A_90 = tpu.memref_squeeze %dma_wait3A_89 : memref<1x128xi32, #tpu.memory_space<vmem>> -> memref<128xi32, #tpu.memory_space<vmem>>
      %dma_wait3A_91 = arith.constant 0 : i32
      %dma_wait3A_92 = arith.constant 0 : i32
      %dma_wait3A_93 = tpu.memref_slice %arg2[%dma_wait3A_91, %dma_wait3A_92] : memref<10000x128xf32, #tpu.memory_space<hbm>> -> memref<10000x128xf32, #tpu.memory_space<hbm>>
      tpu.wait_indirect_dma semaphore(%arg10 : memref<!tpu.dma_semaphore, #tpu.memory_space<semaphore_mem>>) src(%dma_wait3A_93 : memref<10000x128xf32, #tpu.memory_space<hbm>>) dst(%arg7 : memref<128x128xf32, #tpu.memory_space<vmem>>)
      %run_scoped3A = arith.constant 1 : i32
      "tpu.region"() ({
        %run_scoped3A_94 = tpu.sem_alloc : memref<!tpu.dma_semaphore, #tpu.memory_space<semaphore_mem>>
        %dma_start3A_95 = arith.constant 0 : i32
        %dma_start3A_96 = tpu.memref_slice %arg6[%run_scoped3A, %dma_start3A_95] : memref<2x128xi32, #tpu.memory_space<vmem>> -> memref<1x128xi32, #tpu.memory_space<vmem>>
        %dma_start3A_97 = tpu.memref_squeeze %dma_start3A_96 : memref<1x128xi32, #tpu.memory_space<vmem>> -> memref<128xi32, #tpu.memory_space<vmem>>
        %dma_start3A_98 = arith.constant 0 : i32
        %dma_start3A_99 = arith.constant 0 : i32
        %dma_start3A_100 = tpu.memref_slice %arg9[%dma_start3A_98, %dma_start3A_99] : memref<10240x128xf32, #tpu.memory_space<vmem_shared>> -> memref<10240x128xf32, #tpu.memory_space<vmem_shared>>
        tpu.enqueue_indirect_dma source(%arg7 : memref<128x128xf32, #tpu.memory_space<vmem>>) target(%dma_start3A_100 : memref<10240x128xf32, #tpu.memory_space<vmem_shared>>) offsets(%dma_start3A_97 : memref<128xi32, #tpu.memory_space<vmem>>) semaphore(%run_scoped3A_94 : memref<!tpu.dma_semaphore, #tpu.memory_space<semaphore_mem>>) {add = true}
        %dma_wait3A_101 = arith.constant 0 : i32
        %dma_wait3A_102 = tpu.memref_slice %arg6[%run_scoped3A, %dma_wait3A_101] : memref<2x128xi32, #tpu.memory_space<vmem>> -> memref<1x128xi32, #tpu.memory_space<vmem>>
        %dma_wait3A_103 = tpu.memref_squeeze %dma_wait3A_102 : memref<1x128xi32, #tpu.memory_space<vmem>> -> memref<128xi32, #tpu.memory_space<vmem>>
        %dma_wait3A_104 = arith.constant 0 : i32
        %dma_wait3A_105 = arith.constant 0 : i32
        %dma_wait3A_106 = tpu.memref_slice %arg9[%dma_wait3A_104, %dma_wait3A_105] : memref<10240x128xf32, #tpu.memory_space<vmem_shared>> -> memref<10240x128xf32, #tpu.memory_space<vmem_shared>>
        tpu.wait_indirect_dma semaphore(%run_scoped3A_94 : memref<!tpu.dma_semaphore, #tpu.memory_space<semaphore_mem>>) src(%arg7 : memref<128x128xf32, #tpu.memory_space<vmem>>) dst(%dma_wait3A_106 : memref<10240x128xf32, #tpu.memory_space<vmem_shared>>)
        tpu.yield
      }) : () -> ()
    }
    %scan3A_70 = arith.constant 79 : i32
    %barrier3A_71 = arith.constant 0 : index
    tpu.barrier barrier_id(%barrier3A_71)
    %mul3A_72 = arith.constant 640 : i32
    %mul3A_73 = arith.muli %arg1, %mul3A_72 : i32
    %mul3A_74 = arith.constant 640 : i32
    %mul3A_75 = arith.muli %arg1, %mul3A_74 : i32
    "tpu.region"() ({
      %run_scoped3A = tpu.sem_alloc : memref<!tpu.dma_semaphore, #tpu.memory_space<semaphore_mem>>
      %dma_start3A = arith.constant 0 : i32
      %dma_start3A_76 = tpu.memref_slice %arg5[%arg0, %mul3A_75, %dma_start3A] : memref<2x10240x128xf32, #tpu.memory_space<hbm>> -> memref<1x640x128xf32, #tpu.memory_space<hbm>>
      %dma_start3A_77 = tpu.memref_squeeze %dma_start3A_76 : memref<1x640x128xf32, #tpu.memory_space<hbm>> -> memref<640x128xf32, #tpu.memory_space<hbm>>
      %dma_start3A_78 = arith.constant 0 : i32
      %dma_start3A_79 = tpu.memref_slice %arg9[%mul3A_73, %dma_start3A_78] : memref<10240x128xf32, #tpu.memory_space<vmem_shared>> -> memref<640x128xf32, #tpu.memory_space<vmem_shared>>
      tpu.enqueue_dma source(%dma_start3A_79 : memref<640x128xf32, #tpu.memory_space<vmem_shared>>) target(%dma_start3A_77 : memref<640x128xf32, #tpu.memory_space<hbm>>) target_semaphore(%run_scoped3A : memref<!tpu.dma_semaphore, #tpu.memory_space<semaphore_mem>>)
      %dma_wait3A = arith.constant 0 : i32
      %dma_wait3A_80 = tpu.memref_slice %arg5[%arg0, %mul3A_75, %dma_wait3A] : memref<2x10240x128xf32, #tpu.memory_space<hbm>> -> memref<1x640x128xf32, #tpu.memory_space<hbm>>
      %dma_wait3A_81 = tpu.memref_squeeze %dma_wait3A_80 : memref<1x640x128xf32, #tpu.memory_space<hbm>> -> memref<640x128xf32, #tpu.memory_space<hbm>>
      %dma_wait3A_82 = arith.constant 0 : i32
      %dma_wait3A_83 = tpu.memref_slice %arg9[%mul3A_73, %dma_wait3A_82] : memref<10240x128xf32, #tpu.memory_space<vmem_shared>> -> memref<640x128xf32, #tpu.memory_space<vmem_shared>>
      tpu.wait_dma2 semaphore(%run_scoped3A : memref<!tpu.dma_semaphore, #tpu.memory_space<semaphore_mem>>) src(%dma_wait3A_83 : memref<640x128xf32, #tpu.memory_space<vmem_shared>>) dst(%dma_wait3A_81 : memref<640x128xf32, #tpu.memory_space<hbm>>)
      tpu.yield
    }) : () -> ()
    return
  }
}

#map = affine_map<(d0, d1) -> (0, 0)>
#map1 = affine_map<(d0, d1) -> (0, 0, 0)>
module attributes {stable_mosaic.version = 14 : i64} {
  func.func @prop_kernel(%arg0: i32, %arg1: i32, %arg2: memref<10000x128xf32, #tpu.memory_space<hbm>>, %arg3: memref<2528x2x128xi32, #tpu.memory_space<hbm>>, %arg4: memref<40x128xf32, #tpu.memory_space<hbm>>, %arg5: memref<2x10240x128xf32, #tpu.memory_space<hbm>>, %arg6: memref<2x128xi32, #tpu.memory_space<vmem>>, %arg7: memref<128x128xf32, #tpu.memory_space<vmem>>, %arg8: memref<40x128xf32, #tpu.memory_space<vmem>>, %arg9: memref<10240x128xf32, #tpu.memory_space<vmem_shared>>, %arg10: memref<!tpu.dma_semaphore, #tpu.memory_space<semaphore_mem>>) attributes {dimension_semantics = [#tpu.dimension_semantics<core_parallel>, #tpu.dimension_semantics<subcore_parallel>], iteration_bounds = array<i64: 2, 16>, scalar_prefetch = 0 : i64, scratch_operands = 5 : i64, tpu.core_type = #tpu.core_type<sc_vector_subcore>, window_params = [{transform_indices = #map}, {transform_indices = #map1}, {transform_indices = #map}, {transform_indices = #map1}]} {
    %mul3A = arith.constant 2 : i32
    %mul3A_0 = arith.muli %arg1, %mul3A : i32
    %add3A = arith.addi %mul3A_0, %arg0 : i32
    %mul3A_1 = arith.constant 79 : i32
    %mul3A_2 = arith.muli %add3A, %mul3A_1 : i32
    "tpu.region"() ({
      %run_scoped3A = tpu.sem_alloc : memref<!tpu.dma_semaphore, #tpu.memory_space<semaphore_mem>>
      tpu.enqueue_dma source(%arg4 : memref<40x128xf32, #tpu.memory_space<hbm>>) target(%arg8 : memref<40x128xf32, #tpu.memory_space<vmem>>) target_semaphore(%run_scoped3A : memref<!tpu.dma_semaphore, #tpu.memory_space<semaphore_mem>>)
      tpu.wait_dma2 semaphore(%run_scoped3A : memref<!tpu.dma_semaphore, #tpu.memory_space<semaphore_mem>>) src(%arg4 : memref<40x128xf32, #tpu.memory_space<hbm>>) dst(%arg8 : memref<40x128xf32, #tpu.memory_space<vmem>>)
      tpu.yield
    }) : () -> ()
    %mul3A_3 = arith.constant 640 : i32
    %mul3A_4 = arith.muli %arg1, %mul3A_3 : i32
    %add3A_5 = arith.constant 0 : i32
    %add3A_6 = arith.addi %mul3A_4, %add3A_5 : i32
    "tpu.region"() ({
      %run_scoped3A = tpu.sem_alloc : memref<!tpu.dma_semaphore, #tpu.memory_space<semaphore_mem>>
      %dma_start3A = arith.constant 0 : i32
      %dma_start3A_76 = tpu.memref_slice %arg9[%add3A_6, %dma_start3A] : memref<10240x128xf32, #tpu.memory_space<vmem_shared>> -> memref<40x128xf32, #tpu.memory_space<vmem_shared>>
      %dma_start3A_77 = arith.constant 0 : i32
      %dma_start3A_78 = tpu.memref_slice %arg9[%add3A_6, %dma_start3A_77] : memref<10240x128xf32, #tpu.memory_space<vmem_shared>> -> memref<40x128xf32, #tpu.memory_space<vmem_shared>>
      tpu.enqueue_dma source(%arg8 : memref<40x128xf32, #tpu.memory_space<vmem>>) target(%dma_start3A_78 : memref<40x128xf32, #tpu.memory_space<vmem_shared>>) target_semaphore(%run_scoped3A : memref<!tpu.dma_semaphore, #tpu.memory_space<semaphore_mem>>)
      %dma_wait3A = arith.constant 0 : i32
      %dma_wait3A_79 = tpu.memref_slice %arg9[%add3A_6, %dma_wait3A] : memref<10240x128xf32, #tpu.memory_space<vmem_shared>> -> memref<40x128xf32, #tpu.memory_space<vmem_shared>>
      %dma_wait3A_80 = arith.constant 0 : i32
      %dma_wait3A_81 = tpu.memref_slice %arg9[%add3A_6, %dma_wait3A_80] : memref<10240x128xf32, #tpu.memory_space<vmem_shared>> -> memref<40x128xf32, #tpu.memory_space<vmem_shared>>
      tpu.wait_dma2 semaphore(%run_scoped3A : memref<!tpu.dma_semaphore, #tpu.memory_space<semaphore_mem>>) src(%arg8 : memref<40x128xf32, #tpu.memory_space<vmem>>) dst(%dma_wait3A_81 : memref<40x128xf32, #tpu.memory_space<vmem_shared>>)
      tpu.yield
    }) : () -> ()
    %mul3A_7 = arith.constant 640 : i32
    %mul3A_8 = arith.muli %arg1, %mul3A_7 : i32
    %add3A_9 = arith.constant 40 : i32
    %add3A_10 = arith.addi %mul3A_8, %add3A_9 : i32
    "tpu.region"() ({
      %run_scoped3A = tpu.sem_alloc : memref<!tpu.dma_semaphore, #tpu.memory_space<semaphore_mem>>
      %dma_start3A = arith.constant 0 : i32
      %dma_start3A_76 = tpu.memref_slice %arg9[%add3A_10, %dma_start3A] : memref<10240x128xf32, #tpu.memory_space<vmem_shared>> -> memref<40x128xf32, #tpu.memory_space<vmem_shared>>
      %dma_start3A_77 = arith.constant 0 : i32
      %dma_start3A_78 = tpu.memref_slice %arg9[%add3A_10, %dma_start3A_77] : memref<10240x128xf32, #tpu.memory_space<vmem_shared>> -> memref<40x128xf32, #tpu.memory_space<vmem_shared>>
      tpu.enqueue_dma source(%arg8 : memref<40x128xf32, #tpu.memory_space<vmem>>) target(%dma_start3A_78 : memref<40x128xf32, #tpu.memory_space<vmem_shared>>) target_semaphore(%run_scoped3A : memref<!tpu.dma_semaphore, #tpu.memory_space<semaphore_mem>>)
      %dma_wait3A = arith.constant 0 : i32
      %dma_wait3A_79 = tpu.memref_slice %arg9[%add3A_10, %dma_wait3A] : memref<10240x128xf32, #tpu.memory_space<vmem_shared>> -> memref<40x128xf32, #tpu.memory_space<vmem_shared>>
      %dma_wait3A_80 = arith.constant 0 : i32
      %dma_wait3A_81 = tpu.memref_slice %arg9[%add3A_10, %dma_wait3A_80] : memref<10240x128xf32, #tpu.memory_space<vmem_shared>> -> memref<40x128xf32, #tpu.memory_space<vmem_shared>>
      tpu.wait_dma2 semaphore(%run_scoped3A : memref<!tpu.dma_semaphore, #tpu.memory_space<semaphore_mem>>) src(%arg8 : memref<40x128xf32, #tpu.memory_space<vmem>>) dst(%dma_wait3A_81 : memref<40x128xf32, #tpu.memory_space<vmem_shared>>)
      tpu.yield
    }) : () -> ()
    %mul3A_11 = arith.constant 640 : i32
    %mul3A_12 = arith.muli %arg1, %mul3A_11 : i32
    %add3A_13 = arith.constant 80 : i32
    %add3A_14 = arith.addi %mul3A_12, %add3A_13 : i32
    "tpu.region"() ({
      %run_scoped3A = tpu.sem_alloc : memref<!tpu.dma_semaphore, #tpu.memory_space<semaphore_mem>>
      %dma_start3A = arith.constant 0 : i32
      %dma_start3A_76 = tpu.memref_slice %arg9[%add3A_14, %dma_start3A] : memref<10240x128xf32, #tpu.memory_space<vmem_shared>> -> memref<40x128xf32, #tpu.memory_space<vmem_shared>>
      %dma_start3A_77 = arith.constant 0 : i32
      %dma_start3A_78 = tpu.memref_slice %arg9[%add3A_14, %dma_start3A_77] : memref<10240x128xf32, #tpu.memory_space<vmem_shared>> -> memref<40x128xf32, #tpu.memory_space<vmem_shared>>
      tpu.enqueue_dma source(%arg8 : memref<40x128xf32, #tpu.memory_space<vmem>>) target(%dma_start3A_78 : memref<40x128xf32, #tpu.memory_space<vmem_shared>>) target_semaphore(%run_scoped3A : memref<!tpu.dma_semaphore, #tpu.memory_space<semaphore_mem>>)
      %dma_wait3A = arith.constant 0 : i32
      %dma_wait3A_79 = tpu.memref_slice %arg9[%add3A_14, %dma_wait3A] : memref<10240x128xf32, #tpu.memory_space<vmem_shared>> -> memref<40x128xf32, #tpu.memory_space<vmem_shared>>
      %dma_wait3A_80 = arith.constant 0 : i32
      %dma_wait3A_81 = tpu.memref_slice %arg9[%add3A_14, %dma_wait3A_80] : memref<10240x128xf32, #tpu.memory_space<vmem_shared>> -> memref<40x128xf32, #tpu.memory_space<vmem_shared>>
      tpu.wait_dma2 semaphore(%run_scoped3A : memref<!tpu.dma_semaphore, #tpu.memory_space<semaphore_mem>>) src(%arg8 : memref<40x128xf32, #tpu.memory_space<vmem>>) dst(%dma_wait3A_81 : memref<40x128xf32, #tpu.memory_space<vmem_shared>>)
      tpu.yield
    }) : () -> ()
    %mul3A_15 = arith.constant 640 : i32
    %mul3A_16 = arith.muli %arg1, %mul3A_15 : i32
    %add3A_17 = arith.constant 120 : i32
    %add3A_18 = arith.addi %mul3A_16, %add3A_17 : i32
    "tpu.region"() ({
      %run_scoped3A = tpu.sem_alloc : memref<!tpu.dma_semaphore, #tpu.memory_space<semaphore_mem>>
      %dma_start3A = arith.constant 0 : i32
      %dma_start3A_76 = tpu.memref_slice %arg9[%add3A_18, %dma_start3A] : memref<10240x128xf32, #tpu.memory_space<vmem_shared>> -> memref<40x128xf32, #tpu.memory_space<vmem_shared>>
      %dma_start3A_77 = arith.constant 0 : i32
      %dma_start3A_78 = tpu.memref_slice %arg9[%add3A_18, %dma_start3A_77] : memref<10240x128xf32, #tpu.memory_space<vmem_shared>> -> memref<40x128xf32, #tpu.memory_space<vmem_shared>>
      tpu.enqueue_dma source(%arg8 : memref<40x128xf32, #tpu.memory_space<vmem>>) target(%dma_start3A_78 : memref<40x128xf32, #tpu.memory_space<vmem_shared>>) target_semaphore(%run_scoped3A : memref<!tpu.dma_semaphore, #tpu.memory_space<semaphore_mem>>)
      %dma_wait3A = arith.constant 0 : i32
      %dma_wait3A_79 = tpu.memref_slice %arg9[%add3A_18, %dma_wait3A] : memref<10240x128xf32, #tpu.memory_space<vmem_shared>> -> memref<40x128xf32, #tpu.memory_space<vmem_shared>>
      %dma_wait3A_80 = arith.constant 0 : i32
      %dma_wait3A_81 = tpu.memref_slice %arg9[%add3A_18, %dma_wait3A_80] : memref<10240x128xf32, #tpu.memory_space<vmem_shared>> -> memref<40x128xf32, #tpu.memory_space<vmem_shared>>
      tpu.wait_dma2 semaphore(%run_scoped3A : memref<!tpu.dma_semaphore, #tpu.memory_space<semaphore_mem>>) src(%arg8 : memref<40x128xf32, #tpu.memory_space<vmem>>) dst(%dma_wait3A_81 : memref<40x128xf32, #tpu.memory_space<vmem_shared>>)
      tpu.yield
    }) : () -> ()
    %mul3A_19 = arith.constant 640 : i32
    %mul3A_20 = arith.muli %arg1, %mul3A_19 : i32
    %add3A_21 = arith.constant 160 : i32
    %add3A_22 = arith.addi %mul3A_20, %add3A_21 : i32
    "tpu.region"() ({
      %run_scoped3A = tpu.sem_alloc : memref<!tpu.dma_semaphore, #tpu.memory_space<semaphore_mem>>
      %dma_start3A = arith.constant 0 : i32
      %dma_start3A_76 = tpu.memref_slice %arg9[%add3A_22, %dma_start3A] : memref<10240x128xf32, #tpu.memory_space<vmem_shared>> -> memref<40x128xf32, #tpu.memory_space<vmem_shared>>
      %dma_start3A_77 = arith.constant 0 : i32
      %dma_start3A_78 = tpu.memref_slice %arg9[%add3A_22, %dma_start3A_77] : memref<10240x128xf32, #tpu.memory_space<vmem_shared>> -> memref<40x128xf32, #tpu.memory_space<vmem_shared>>
      tpu.enqueue_dma source(%arg8 : memref<40x128xf32, #tpu.memory_space<vmem>>) target(%dma_start3A_78 : memref<40x128xf32, #tpu.memory_space<vmem_shared>>) target_semaphore(%run_scoped3A : memref<!tpu.dma_semaphore, #tpu.memory_space<semaphore_mem>>)
      %dma_wait3A = arith.constant 0 : i32
      %dma_wait3A_79 = tpu.memref_slice %arg9[%add3A_22, %dma_wait3A] : memref<10240x128xf32, #tpu.memory_space<vmem_shared>> -> memref<40x128xf32, #tpu.memory_space<vmem_shared>>
      %dma_wait3A_80 = arith.constant 0 : i32
      %dma_wait3A_81 = tpu.memref_slice %arg9[%add3A_22, %dma_wait3A_80] : memref<10240x128xf32, #tpu.memory_space<vmem_shared>> -> memref<40x128xf32, #tpu.memory_space<vmem_shared>>
      tpu.wait_dma2 semaphore(%run_scoped3A : memref<!tpu.dma_semaphore, #tpu.memory_space<semaphore_mem>>) src(%arg8 : memref<40x128xf32, #tpu.memory_space<vmem>>) dst(%dma_wait3A_81 : memref<40x128xf32, #tpu.memory_space<vmem_shared>>)
      tpu.yield
    }) : () -> ()
    %mul3A_23 = arith.constant 640 : i32
    %mul3A_24 = arith.muli %arg1, %mul3A_23 : i32
    %add3A_25 = arith.constant 200 : i32
    %add3A_26 = arith.addi %mul3A_24, %add3A_25 : i32
    "tpu.region"() ({
      %run_scoped3A = tpu.sem_alloc : memref<!tpu.dma_semaphore, #tpu.memory_space<semaphore_mem>>
      %dma_start3A = arith.constant 0 : i32
      %dma_start3A_76 = tpu.memref_slice %arg9[%add3A_26, %dma_start3A] : memref<10240x128xf32, #tpu.memory_space<vmem_shared>> -> memref<40x128xf32, #tpu.memory_space<vmem_shared>>
      %dma_start3A_77 = arith.constant 0 : i32
      %dma_start3A_78 = tpu.memref_slice %arg9[%add3A_26, %dma_start3A_77] : memref<10240x128xf32, #tpu.memory_space<vmem_shared>> -> memref<40x128xf32, #tpu.memory_space<vmem_shared>>
      tpu.enqueue_dma source(%arg8 : memref<40x128xf32, #tpu.memory_space<vmem>>) target(%dma_start3A_78 : memref<40x128xf32, #tpu.memory_space<vmem_shared>>) target_semaphore(%run_scoped3A : memref<!tpu.dma_semaphore, #tpu.memory_space<semaphore_mem>>)
      %dma_wait3A = arith.constant 0 : i32
      %dma_wait3A_79 = tpu.memref_slice %arg9[%add3A_26, %dma_wait3A] : memref<10240x128xf32, #tpu.memory_space<vmem_shared>> -> memref<40x128xf32, #tpu.memory_space<vmem_shared>>
      %dma_wait3A_80 = arith.constant 0 : i32
      %dma_wait3A_81 = tpu.memref_slice %arg9[%add3A_26, %dma_wait3A_80] : memref<10240x128xf32, #tpu.memory_space<vmem_shared>> -> memref<40x128xf32, #tpu.memory_space<vmem_shared>>
      tpu.wait_dma2 semaphore(%run_scoped3A : memref<!tpu.dma_semaphore, #tpu.memory_space<semaphore_mem>>) src(%arg8 : memref<40x128xf32, #tpu.memory_space<vmem>>) dst(%dma_wait3A_81 : memref<40x128xf32, #tpu.memory_space<vmem_shared>>)
      tpu.yield
    }) : () -> ()
    %mul3A_27 = arith.constant 640 : i32
    %mul3A_28 = arith.muli %arg1, %mul3A_27 : i32
    %add3A_29 = arith.constant 240 : i32
    %add3A_30 = arith.addi %mul3A_28, %add3A_29 : i32
    "tpu.region"() ({
      %run_scoped3A = tpu.sem_alloc : memref<!tpu.dma_semaphore, #tpu.memory_space<semaphore_mem>>
      %dma_start3A = arith.constant 0 : i32
      %dma_start3A_76 = tpu.memref_slice %arg9[%add3A_30, %dma_start3A] : memref<10240x128xf32, #tpu.memory_space<vmem_shared>> -> memref<40x128xf32, #tpu.memory_space<vmem_shared>>
      %dma_start3A_77 = arith.constant 0 : i32
      %dma_start3A_78 = tpu.memref_slice %arg9[%add3A_30, %dma_start3A_77] : memref<10240x128xf32, #tpu.memory_space<vmem_shared>> -> memref<40x128xf32, #tpu.memory_space<vmem_shared>>
      tpu.enqueue_dma source(%arg8 : memref<40x128xf32, #tpu.memory_space<vmem>>) target(%dma_start3A_78 : memref<40x128xf32, #tpu.memory_space<vmem_shared>>) target_semaphore(%run_scoped3A : memref<!tpu.dma_semaphore, #tpu.memory_space<semaphore_mem>>)
      %dma_wait3A = arith.constant 0 : i32
      %dma_wait3A_79 = tpu.memref_slice %arg9[%add3A_30, %dma_wait3A] : memref<10240x128xf32, #tpu.memory_space<vmem_shared>> -> memref<40x128xf32, #tpu.memory_space<vmem_shared>>
      %dma_wait3A_80 = arith.constant 0 : i32
      %dma_wait3A_81 = tpu.memref_slice %arg9[%add3A_30, %dma_wait3A_80] : memref<10240x128xf32, #tpu.memory_space<vmem_shared>> -> memref<40x128xf32, #tpu.memory_space<vmem_shared>>
      tpu.wait_dma2 semaphore(%run_scoped3A : memref<!tpu.dma_semaphore, #tpu.memory_space<semaphore_mem>>) src(%arg8 : memref<40x128xf32, #tpu.memory_space<vmem>>) dst(%dma_wait3A_81 : memref<40x128xf32, #tpu.memory_space<vmem_shared>>)
      tpu.yield
    }) : () -> ()
    %mul3A_31 = arith.constant 640 : i32
    %mul3A_32 = arith.muli %arg1, %mul3A_31 : i32
    %add3A_33 = arith.constant 280 : i32
    %add3A_34 = arith.addi %mul3A_32, %add3A_33 : i32
    "tpu.region"() ({
      %run_scoped3A = tpu.sem_alloc : memref<!tpu.dma_semaphore, #tpu.memory_space<semaphore_mem>>
      %dma_start3A = arith.constant 0 : i32
      %dma_start3A_76 = tpu.memref_slice %arg9[%add3A_34, %dma_start3A] : memref<10240x128xf32, #tpu.memory_space<vmem_shared>> -> memref<40x128xf32, #tpu.memory_space<vmem_shared>>
      %dma_start3A_77 = arith.constant 0 : i32
      %dma_start3A_78 = tpu.memref_slice %arg9[%add3A_34, %dma_start3A_77] : memref<10240x128xf32, #tpu.memory_space<vmem_shared>> -> memref<40x128xf32, #tpu.memory_space<vmem_shared>>
      tpu.enqueue_dma source(%arg8 : memref<40x128xf32, #tpu.memory_space<vmem>>) target(%dma_start3A_78 : memref<40x128xf32, #tpu.memory_space<vmem_shared>>) target_semaphore(%run_scoped3A : memref<!tpu.dma_semaphore, #tpu.memory_space<semaphore_mem>>)
      %dma_wait3A = arith.constant 0 : i32
      %dma_wait3A_79 = tpu.memref_slice %arg9[%add3A_34, %dma_wait3A] : memref<10240x128xf32, #tpu.memory_space<vmem_shared>> -> memref<40x128xf32, #tpu.memory_space<vmem_shared>>
      %dma_wait3A_80 = arith.constant 0 : i32
      %dma_wait3A_81 = tpu.memref_slice %arg9[%add3A_34, %dma_wait3A_80] : memref<10240x128xf32, #tpu.memory_space<vmem_shared>> -> memref<40x128xf32, #tpu.memory_space<vmem_shared>>
      tpu.wait_dma2 semaphore(%run_scoped3A : memref<!tpu.dma_semaphore, #tpu.memory_space<semaphore_mem>>) src(%arg8 : memref<40x128xf32, #tpu.memory_space<vmem>>) dst(%dma_wait3A_81 : memref<40x128xf32, #tpu.memory_space<vmem_shared>>)
      tpu.yield
    }) : () -> ()
    %mul3A_35 = arith.constant 640 : i32
    %mul3A_36 = arith.muli %arg1, %mul3A_35 : i32
    %add3A_37 = arith.constant 320 : i32
    %add3A_38 = arith.addi %mul3A_36, %add3A_37 : i32
    "tpu.region"() ({
      %run_scoped3A = tpu.sem_alloc : memref<!tpu.dma_semaphore, #tpu.memory_space<semaphore_mem>>
      %dma_start3A = arith.constant 0 : i32
      %dma_start3A_76 = tpu.memref_slice %arg9[%add3A_38, %dma_start3A] : memref<10240x128xf32, #tpu.memory_space<vmem_shared>> -> memref<40x128xf32, #tpu.memory_space<vmem_shared>>
      %dma_start3A_77 = arith.constant 0 : i32
      %dma_start3A_78 = tpu.memref_slice %arg9[%add3A_38, %dma_start3A_77] : memref<10240x128xf32, #tpu.memory_space<vmem_shared>> -> memref<40x128xf32, #tpu.memory_space<vmem_shared>>
      tpu.enqueue_dma source(%arg8 : memref<40x128xf32, #tpu.memory_space<vmem>>) target(%dma_start3A_78 : memref<40x128xf32, #tpu.memory_space<vmem_shared>>) target_semaphore(%run_scoped3A : memref<!tpu.dma_semaphore, #tpu.memory_space<semaphore_mem>>)
      %dma_wait3A = arith.constant 0 : i32
      %dma_wait3A_79 = tpu.memref_slice %arg9[%add3A_38, %dma_wait3A] : memref<10240x128xf32, #tpu.memory_space<vmem_shared>> -> memref<40x128xf32, #tpu.memory_space<vmem_shared>>
      %dma_wait3A_80 = arith.constant 0 : i32
      %dma_wait3A_81 = tpu.memref_slice %arg9[%add3A_38, %dma_wait3A_80] : memref<10240x128xf32, #tpu.memory_space<vmem_shared>> -> memref<40x128xf32, #tpu.memory_space<vmem_shared>>
      tpu.wait_dma2 semaphore(%run_scoped3A : memref<!tpu.dma_semaphore, #tpu.memory_space<semaphore_mem>>) src(%arg8 : memref<40x128xf32, #tpu.memory_space<vmem>>) dst(%dma_wait3A_81 : memref<40x128xf32, #tpu.memory_space<vmem_shared>>)
      tpu.yield
    }) : () -> ()
    %mul3A_39 = arith.constant 640 : i32
    %mul3A_40 = arith.muli %arg1, %mul3A_39 : i32
    %add3A_41 = arith.constant 360 : i32
    %add3A_42 = arith.addi %mul3A_40, %add3A_41 : i32
    "tpu.region"() ({
      %run_scoped3A = tpu.sem_alloc : memref<!tpu.dma_semaphore, #tpu.memory_space<semaphore_mem>>
      %dma_start3A = arith.constant 0 : i32
      %dma_start3A_76 = tpu.memref_slice %arg9[%add3A_42, %dma_start3A] : memref<10240x128xf32, #tpu.memory_space<vmem_shared>> -> memref<40x128xf32, #tpu.memory_space<vmem_shared>>
      %dma_start3A_77 = arith.constant 0 : i32
      %dma_start3A_78 = tpu.memref_slice %arg9[%add3A_42, %dma_start3A_77] : memref<10240x128xf32, #tpu.memory_space<vmem_shared>> -> memref<40x128xf32, #tpu.memory_space<vmem_shared>>
      tpu.enqueue_dma source(%arg8 : memref<40x128xf32, #tpu.memory_space<vmem>>) target(%dma_start3A_78 : memref<40x128xf32, #tpu.memory_space<vmem_shared>>) target_semaphore(%run_scoped3A : memref<!tpu.dma_semaphore, #tpu.memory_space<semaphore_mem>>)
      %dma_wait3A = arith.constant 0 : i32
      %dma_wait3A_79 = tpu.memref_slice %arg9[%add3A_42, %dma_wait3A] : memref<10240x128xf32, #tpu.memory_space<vmem_shared>> -> memref<40x128xf32, #tpu.memory_space<vmem_shared>>
      %dma_wait3A_80 = arith.constant 0 : i32
      %dma_wait3A_81 = tpu.memref_slice %arg9[%add3A_42, %dma_wait3A_80] : memref<10240x128xf32, #tpu.memory_space<vmem_shared>> -> memref<40x128xf32, #tpu.memory_space<vmem_shared>>
      tpu.wait_dma2 semaphore(%run_scoped3A : memref<!tpu.dma_semaphore, #tpu.memory_space<semaphore_mem>>) src(%arg8 : memref<40x128xf32, #tpu.memory_space<vmem>>) dst(%dma_wait3A_81 : memref<40x128xf32, #tpu.memory_space<vmem_shared>>)
      tpu.yield
    }) : () -> ()
    %mul3A_43 = arith.constant 640 : i32
    %mul3A_44 = arith.muli %arg1, %mul3A_43 : i32
    %add3A_45 = arith.constant 400 : i32
    %add3A_46 = arith.addi %mul3A_44, %add3A_45 : i32
    "tpu.region"() ({
      %run_scoped3A = tpu.sem_alloc : memref<!tpu.dma_semaphore, #tpu.memory_space<semaphore_mem>>
      %dma_start3A = arith.constant 0 : i32
      %dma_start3A_76 = tpu.memref_slice %arg9[%add3A_46, %dma_start3A] : memref<10240x128xf32, #tpu.memory_space<vmem_shared>> -> memref<40x128xf32, #tpu.memory_space<vmem_shared>>
      %dma_start3A_77 = arith.constant 0 : i32
      %dma_start3A_78 = tpu.memref_slice %arg9[%add3A_46, %dma_start3A_77] : memref<10240x128xf32, #tpu.memory_space<vmem_shared>> -> memref<40x128xf32, #tpu.memory_space<vmem_shared>>
      tpu.enqueue_dma source(%arg8 : memref<40x128xf32, #tpu.memory_space<vmem>>) target(%dma_start3A_78 : memref<40x128xf32, #tpu.memory_space<vmem_shared>>) target_semaphore(%run_scoped3A : memref<!tpu.dma_semaphore, #tpu.memory_space<semaphore_mem>>)
      %dma_wait3A = arith.constant 0 : i32
      %dma_wait3A_79 = tpu.memref_slice %arg9[%add3A_46, %dma_wait3A] : memref<10240x128xf32, #tpu.memory_space<vmem_shared>> -> memref<40x128xf32, #tpu.memory_space<vmem_shared>>
      %dma_wait3A_80 = arith.constant 0 : i32
      %dma_wait3A_81 = tpu.memref_slice %arg9[%add3A_46, %dma_wait3A_80] : memref<10240x128xf32, #tpu.memory_space<vmem_shared>> -> memref<40x128xf32, #tpu.memory_space<vmem_shared>>
      tpu.wait_dma2 semaphore(%run_scoped3A : memref<!tpu.dma_semaphore, #tpu.memory_space<semaphore_mem>>) src(%arg8 : memref<40x128xf32, #tpu.memory_space<vmem>>) dst(%dma_wait3A_81 : memref<40x128xf32, #tpu.memory_space<vmem_shared>>)
      tpu.yield
    }) : () -> ()
    %mul3A_47 = arith.constant 640 : i32
    %mul3A_48 = arith.muli %arg1, %mul3A_47 : i32
    %add3A_49 = arith.constant 440 : i32
    %add3A_50 = arith.addi %mul3A_48, %add3A_49 : i32
    "tpu.region"() ({
      %run_scoped3A = tpu.sem_alloc : memref<!tpu.dma_semaphore, #tpu.memory_space<semaphore_mem>>
      %dma_start3A = arith.constant 0 : i32
      %dma_start3A_76 = tpu.memref_slice %arg9[%add3A_50, %dma_start3A] : memref<10240x128xf32, #tpu.memory_space<vmem_shared>> -> memref<40x128xf32, #tpu.memory_space<vmem_shared>>
      %dma_start3A_77 = arith.constant 0 : i32
      %dma_start3A_78 = tpu.memref_slice %arg9[%add3A_50, %dma_start3A_77] : memref<10240x128xf32, #tpu.memory_space<vmem_shared>> -> memref<40x128xf32, #tpu.memory_space<vmem_shared>>
      tpu.enqueue_dma source(%arg8 : memref<40x128xf32, #tpu.memory_space<vmem>>) target(%dma_start3A_78 : memref<40x128xf32, #tpu.memory_space<vmem_shared>>) target_semaphore(%run_scoped3A : memref<!tpu.dma_semaphore, #tpu.memory_space<semaphore_mem>>)
      %dma_wait3A = arith.constant 0 : i32
      %dma_wait3A_79 = tpu.memref_slice %arg9[%add3A_50, %dma_wait3A] : memref<10240x128xf32, #tpu.memory_space<vmem_shared>> -> memref<40x128xf32, #tpu.memory_space<vmem_shared>>
      %dma_wait3A_80 = arith.constant 0 : i32
      %dma_wait3A_81 = tpu.memref_slice %arg9[%add3A_50, %dma_wait3A_80] : memref<10240x128xf32, #tpu.memory_space<vmem_shared>> -> memref<40x128xf32, #tpu.memory_space<vmem_shared>>
      tpu.wait_dma2 semaphore(%run_scoped3A : memref<!tpu.dma_semaphore, #tpu.memory_space<semaphore_mem>>) src(%arg8 : memref<40x128xf32, #tpu.memory_space<vmem>>) dst(%dma_wait3A_81 : memref<40x128xf32, #tpu.memory_space<vmem_shared>>)
      tpu.yield
    }) : () -> ()
    %mul3A_51 = arith.constant 640 : i32
    %mul3A_52 = arith.muli %arg1, %mul3A_51 : i32
    %add3A_53 = arith.constant 480 : i32
    %add3A_54 = arith.addi %mul3A_52, %add3A_53 : i32
    "tpu.region"() ({
      %run_scoped3A = tpu.sem_alloc : memref<!tpu.dma_semaphore, #tpu.memory_space<semaphore_mem>>
      %dma_start3A = arith.constant 0 : i32
      %dma_start3A_76 = tpu.memref_slice %arg9[%add3A_54, %dma_start3A] : memref<10240x128xf32, #tpu.memory_space<vmem_shared>> -> memref<40x128xf32, #tpu.memory_space<vmem_shared>>
      %dma_start3A_77 = arith.constant 0 : i32
      %dma_start3A_78 = tpu.memref_slice %arg9[%add3A_54, %dma_start3A_77] : memref<10240x128xf32, #tpu.memory_space<vmem_shared>> -> memref<40x128xf32, #tpu.memory_space<vmem_shared>>
      tpu.enqueue_dma source(%arg8 : memref<40x128xf32, #tpu.memory_space<vmem>>) target(%dma_start3A_78 : memref<40x128xf32, #tpu.memory_space<vmem_shared>>) target_semaphore(%run_scoped3A : memref<!tpu.dma_semaphore, #tpu.memory_space<semaphore_mem>>)
      %dma_wait3A = arith.constant 0 : i32
      %dma_wait3A_79 = tpu.memref_slice %arg9[%add3A_54, %dma_wait3A] : memref<10240x128xf32, #tpu.memory_space<vmem_shared>> -> memref<40x128xf32, #tpu.memory_space<vmem_shared>>
      %dma_wait3A_80 = arith.constant 0 : i32
      %dma_wait3A_81 = tpu.memref_slice %arg9[%add3A_54, %dma_wait3A_80] : memref<10240x128xf32, #tpu.memory_space<vmem_shared>> -> memref<40x128xf32, #tpu.memory_space<vmem_shared>>
      tpu.wait_dma2 semaphore(%run_scoped3A : memref<!tpu.dma_semaphore, #tpu.memory_space<semaphore_mem>>) src(%arg8 : memref<40x128xf32, #tpu.memory_space<vmem>>) dst(%dma_wait3A_81 : memref<40x128xf32, #tpu.memory_space<vmem_shared>>)
      tpu.yield
    }) : () -> ()
    %mul3A_55 = arith.constant 640 : i32
    %mul3A_56 = arith.muli %arg1, %mul3A_55 : i32
    %add3A_57 = arith.constant 520 : i32
    %add3A_58 = arith.addi %mul3A_56, %add3A_57 : i32
    "tpu.region"() ({
      %run_scoped3A = tpu.sem_alloc : memref<!tpu.dma_semaphore, #tpu.memory_space<semaphore_mem>>
      %dma_start3A = arith.constant 0 : i32
      %dma_start3A_76 = tpu.memref_slice %arg9[%add3A_58, %dma_start3A] : memref<10240x128xf32, #tpu.memory_space<vmem_shared>> -> memref<40x128xf32, #tpu.memory_space<vmem_shared>>
      %dma_start3A_77 = arith.constant 0 : i32
      %dma_start3A_78 = tpu.memref_slice %arg9[%add3A_58, %dma_start3A_77] : memref<10240x128xf32, #tpu.memory_space<vmem_shared>> -> memref<40x128xf32, #tpu.memory_space<vmem_shared>>
      tpu.enqueue_dma source(%arg8 : memref<40x128xf32, #tpu.memory_space<vmem>>) target(%dma_start3A_78 : memref<40x128xf32, #tpu.memory_space<vmem_shared>>) target_semaphore(%run_scoped3A : memref<!tpu.dma_semaphore, #tpu.memory_space<semaphore_mem>>)
      %dma_wait3A = arith.constant 0 : i32
      %dma_wait3A_79 = tpu.memref_slice %arg9[%add3A_58, %dma_wait3A] : memref<10240x128xf32, #tpu.memory_space<vmem_shared>> -> memref<40x128xf32, #tpu.memory_space<vmem_shared>>
      %dma_wait3A_80 = arith.constant 0 : i32
      %dma_wait3A_81 = tpu.memref_slice %arg9[%add3A_58, %dma_wait3A_80] : memref<10240x128xf32, #tpu.memory_space<vmem_shared>> -> memref<40x128xf32, #tpu.memory_space<vmem_shared>>
      tpu.wait_dma2 semaphore(%run_scoped3A : memref<!tpu.dma_semaphore, #tpu.memory_space<semaphore_mem>>) src(%arg8 : memref<40x128xf32, #tpu.memory_space<vmem>>) dst(%dma_wait3A_81 : memref<40x128xf32, #tpu.memory_space<vmem_shared>>)
      tpu.yield
    }) : () -> ()
    %mul3A_59 = arith.constant 640 : i32
    %mul3A_60 = arith.muli %arg1, %mul3A_59 : i32
    %add3A_61 = arith.constant 560 : i32
    %add3A_62 = arith.addi %mul3A_60, %add3A_61 : i32
    "tpu.region"() ({
      %run_scoped3A = tpu.sem_alloc : memref<!tpu.dma_semaphore, #tpu.memory_space<semaphore_mem>>
      %dma_start3A = arith.constant 0 : i32
      %dma_start3A_76 = tpu.memref_slice %arg9[%add3A_62, %dma_start3A] : memref<10240x128xf32, #tpu.memory_space<vmem_shared>> -> memref<40x128xf32, #tpu.memory_space<vmem_shared>>
      %dma_start3A_77 = arith.constant 0 : i32
      %dma_start3A_78 = tpu.memref_slice %arg9[%add3A_62, %dma_start3A_77] : memref<10240x128xf32, #tpu.memory_space<vmem_shared>> -> memref<40x128xf32, #tpu.memory_space<vmem_shared>>
      tpu.enqueue_dma source(%arg8 : memref<40x128xf32, #tpu.memory_space<vmem>>) target(%dma_start3A_78 : memref<40x128xf32, #tpu.memory_space<vmem_shared>>) target_semaphore(%run_scoped3A : memref<!tpu.dma_semaphore, #tpu.memory_space<semaphore_mem>>)
      %dma_wait3A = arith.constant 0 : i32
      %dma_wait3A_79 = tpu.memref_slice %arg9[%add3A_62, %dma_wait3A] : memref<10240x128xf32, #tpu.memory_space<vmem_shared>> -> memref<40x128xf32, #tpu.memory_space<vmem_shared>>
      %dma_wait3A_80 = arith.constant 0 : i32
      %dma_wait3A_81 = tpu.memref_slice %arg9[%add3A_62, %dma_wait3A_80] : memref<10240x128xf32, #tpu.memory_space<vmem_shared>> -> memref<40x128xf32, #tpu.memory_space<vmem_shared>>
      tpu.wait_dma2 semaphore(%run_scoped3A : memref<!tpu.dma_semaphore, #tpu.memory_space<semaphore_mem>>) src(%arg8 : memref<40x128xf32, #tpu.memory_space<vmem>>) dst(%dma_wait3A_81 : memref<40x128xf32, #tpu.memory_space<vmem_shared>>)
      tpu.yield
    }) : () -> ()
    %mul3A_63 = arith.constant 640 : i32
    %mul3A_64 = arith.muli %arg1, %mul3A_63 : i32
    %add3A_65 = arith.constant 600 : i32
    %add3A_66 = arith.addi %mul3A_64, %add3A_65 : i32
    "tpu.region"() ({
      %run_scoped3A = tpu.sem_alloc : memref<!tpu.dma_semaphore, #tpu.memory_space<semaphore_mem>>
      %dma_start3A = arith.constant 0 : i32
      %dma_start3A_76 = tpu.memref_slice %arg9[%add3A_66, %dma_start3A] : memref<10240x128xf32, #tpu.memory_space<vmem_shared>> -> memref<40x128xf32, #tpu.memory_space<vmem_shared>>
      %dma_start3A_77 = arith.constant 0 : i32
      %dma_start3A_78 = tpu.memref_slice %arg9[%add3A_66, %dma_start3A_77] : memref<10240x128xf32, #tpu.memory_space<vmem_shared>> -> memref<40x128xf32, #tpu.memory_space<vmem_shared>>
      tpu.enqueue_dma source(%arg8 : memref<40x128xf32, #tpu.memory_space<vmem>>) target(%dma_start3A_78 : memref<40x128xf32, #tpu.memory_space<vmem_shared>>) target_semaphore(%run_scoped3A : memref<!tpu.dma_semaphore, #tpu.memory_space<semaphore_mem>>)
      %dma_wait3A = arith.constant 0 : i32
      %dma_wait3A_79 = tpu.memref_slice %arg9[%add3A_66, %dma_wait3A] : memref<10240x128xf32, #tpu.memory_space<vmem_shared>> -> memref<40x128xf32, #tpu.memory_space<vmem_shared>>
      %dma_wait3A_80 = arith.constant 0 : i32
      %dma_wait3A_81 = tpu.memref_slice %arg9[%add3A_66, %dma_wait3A_80] : memref<10240x128xf32, #tpu.memory_space<vmem_shared>> -> memref<40x128xf32, #tpu.memory_space<vmem_shared>>
      tpu.wait_dma2 semaphore(%run_scoped3A : memref<!tpu.dma_semaphore, #tpu.memory_space<semaphore_mem>>) src(%arg8 : memref<40x128xf32, #tpu.memory_space<vmem>>) dst(%dma_wait3A_81 : memref<40x128xf32, #tpu.memory_space<vmem_shared>>)
      tpu.yield
    }) : () -> ()
    %barrier3A = arith.constant 0 : index
    tpu.barrier barrier_id(%barrier3A)
    %scan3A = arith.constant 0 : i32
    %scan3A_67 = arith.constant 79 : i32
    %scan3A_68 = arith.addi %scan3A, %scan3A_67 : i32
    %scan3A_69 = arith.constant 1 : i32
    scf.for %scan3A_76 = %scan3A to %scan3A_68 step %scan3A_69  : i32 {
      %mul3A_77 = arith.constant 1 : i32
      %mul3A_78 = arith.muli %scan3A_76, %mul3A_77 : i32
      %add3A_79 = arith.constant 0 : i32
      %add3A_80 = arith.addi %add3A_79, %mul3A_78 : i32
      %add3A_81 = arith.addi %mul3A_2, %add3A_80 : i32
      "tpu.region"() ({
        %run_scoped3A_94 = tpu.sem_alloc : memref<!tpu.dma_semaphore, #tpu.memory_space<semaphore_mem>>
        %dma_start3A_95 = arith.constant 0 : i32
        %dma_start3A_96 = arith.constant 0 : i32
        %dma_start3A_97 = tpu.memref_slice %arg3[%add3A_81, %dma_start3A_95, %dma_start3A_96] : memref<2528x2x128xi32, #tpu.memory_space<hbm>> -> memref<1x2x128xi32, #tpu.memory_space<hbm>>
        %dma_start3A_98 = tpu.memref_squeeze %dma_start3A_97 : memref<1x2x128xi32, #tpu.memory_space<hbm>> -> memref<2x128xi32, #tpu.memory_space<hbm>>
        %dma_start3A_99 = arith.constant 0 : i32
        %dma_start3A_100 = arith.constant 0 : i32
        %dma_start3A_101 = tpu.memref_slice %arg3[%add3A_81, %dma_start3A_99, %dma_start3A_100] : memref<2528x2x128xi32, #tpu.memory_space<hbm>> -> memref<1x2x128xi32, #tpu.memory_space<hbm>>
        %dma_start3A_102 = tpu.memref_squeeze %dma_start3A_101 : memref<1x2x128xi32, #tpu.memory_space<hbm>> -> memref<2x128xi32, #tpu.memory_space<hbm>>
        tpu.enqueue_dma source(%dma_start3A_102 : memref<2x128xi32, #tpu.memory_space<hbm>>) target(%arg6 : memref<2x128xi32, #tpu.memory_space<vmem>>) target_semaphore(%run_scoped3A_94 : memref<!tpu.dma_semaphore, #tpu.memory_space<semaphore_mem>>)
        %dma_wait3A_103 = arith.constant 0 : i32
        %dma_wait3A_104 = arith.constant 0 : i32
        %dma_wait3A_105 = tpu.memref_slice %arg3[%add3A_81, %dma_wait3A_103, %dma_wait3A_104] : memref<2528x2x128xi32, #tpu.memory_space<hbm>> -> memref<1x2x128xi32, #tpu.memory_space<hbm>>
        %dma_wait3A_106 = tpu.memref_squeeze %dma_wait3A_105 : memref<1x2x128xi32, #tpu.memory_space<hbm>> -> memref<2x128xi32, #tpu.memory_space<hbm>>
        %dma_wait3A_107 = arith.constant 0 : i32
        %dma_wait3A_108 = arith.constant 0 : i32
        %dma_wait3A_109 = tpu.memref_slice %arg3[%add3A_81, %dma_wait3A_107, %dma_wait3A_108] : memref<2528x2x128xi32, #tpu.memory_space<hbm>> -> memref<1x2x128xi32, #tpu.memory_space<hbm>>
        %dma_wait3A_110 = tpu.memref_squeeze %dma_wait3A_109 : memref<1x2x128xi32, #tpu.memory_space<hbm>> -> memref<2x128xi32, #tpu.memory_space<hbm>>
        tpu.wait_dma2 semaphore(%run_scoped3A_94 : memref<!tpu.dma_semaphore, #tpu.memory_space<semaphore_mem>>) src(%dma_wait3A_110 : memref<2x128xi32, #tpu.memory_space<hbm>>) dst(%arg6 : memref<2x128xi32, #tpu.memory_space<vmem>>)
        tpu.yield
      }) : () -> ()
      %dma_start3A = arith.constant 0 : i32
      %dma_start3A_82 = arith.constant 0 : i32
      %dma_start3A_83 = tpu.memref_slice %arg6[%dma_start3A, %dma_start3A_82] : memref<2x128xi32, #tpu.memory_space<vmem>> -> memref<1x128xi32, #tpu.memory_space<vmem>>
      %dma_start3A_84 = tpu.memref_squeeze %dma_start3A_83 : memref<1x128xi32, #tpu.memory_space<vmem>> -> memref<128xi32, #tpu.memory_space<vmem>>
      %dma_start3A_85 = arith.constant 0 : i32
      %dma_start3A_86 = arith.constant 0 : i32
      %dma_start3A_87 = tpu.memref_slice %arg2[%dma_start3A_85, %dma_start3A_86] : memref<10000x128xf32, #tpu.memory_space<hbm>> -> memref<10000x128xf32, #tpu.memory_space<hbm>>
      tpu.enqueue_indirect_dma source(%dma_start3A_87 : memref<10000x128xf32, #tpu.memory_space<hbm>>) target(%arg7 : memref<128x128xf32, #tpu.memory_space<vmem>>) offsets(%dma_start3A_84 : memref<128xi32, #tpu.memory_space<vmem>>) semaphore(%arg10 : memref<!tpu.dma_semaphore, #tpu.memory_space<semaphore_mem>>)
      %dma_wait3A = arith.constant 0 : i32
      %dma_wait3A_88 = arith.constant 0 : i32
      %dma_wait3A_89 = tpu.memref_slice %arg6[%dma_wait3A, %dma_wait3A_88] : memref<2x128xi32, #tpu.memory_space<vmem>> -> memref<1x128xi32, #tpu.memory_space<vmem>>
      %dma_wait3A_90 = tpu.memref_squeeze %dma_wait3A_89 : memref<1x128xi32, #tpu.memory_space<vmem>> -> memref<128xi32, #tpu.memory_space<vmem>>
      %dma_wait3A_91 = arith.constant 0 : i32
      %dma_wait3A_92 = arith.constant 0 : i32
      %dma_wait3A_93 = tpu.memref_slice %arg2[%dma_wait3A_91, %dma_wait3A_92] : memref<10000x128xf32, #tpu.memory_space<hbm>> -> memref<10000x128xf32, #tpu.memory_space<hbm>>
      tpu.wait_indirect_dma semaphore(%arg10 : memref<!tpu.dma_semaphore, #tpu.memory_space<semaphore_mem>>) src(%dma_wait3A_93 : memref<10000x128xf32, #tpu.memory_space<hbm>>) dst(%arg7 : memref<128x128xf32, #tpu.memory_space<vmem>>)
      %run_scoped3A = arith.constant 1 : i32
      "tpu.region"() ({
        %run_scoped3A_94 = tpu.sem_alloc : memref<!tpu.dma_semaphore, #tpu.memory_space<semaphore_mem>>
        %dma_start3A_95 = arith.constant 0 : i32
        %dma_start3A_96 = tpu.memref_slice %arg6[%run_scoped3A, %dma_start3A_95] : memref<2x128xi32, #tpu.memory_space<vmem>> -> memref<1x128xi32, #tpu.memory_space<vmem>>
        %dma_start3A_97 = tpu.memref_squeeze %dma_start3A_96 : memref<1x128xi32, #tpu.memory_space<vmem>> -> memref<128xi32, #tpu.memory_space<vmem>>
        %dma_start3A_98 = arith.constant 0 : i32
        %dma_start3A_99 = arith.constant 0 : i32
        %dma_start3A_100 = tpu.memref_slice %arg9[%dma_start3A_98, %dma_start3A_99] : memref<10240x128xf32, #tpu.memory_space<vmem_shared>> -> memref<10240x128xf32, #tpu.memory_space<vmem_shared>>
        tpu.enqueue_indirect_dma source(%arg7 : memref<128x128xf32, #tpu.memory_space<vmem>>) target(%dma_start3A_100 : memref<10240x128xf32, #tpu.memory_space<vmem_shared>>) offsets(%dma_start3A_97 : memref<128xi32, #tpu.memory_space<vmem>>) semaphore(%run_scoped3A_94 : memref<!tpu.dma_semaphore, #tpu.memory_space<semaphore_mem>>) {add = true}
        %dma_wait3A_101 = arith.constant 0 : i32
        %dma_wait3A_102 = tpu.memref_slice %arg6[%run_scoped3A, %dma_wait3A_101] : memref<2x128xi32, #tpu.memory_space<vmem>> -> memref<1x128xi32, #tpu.memory_space<vmem>>
        %dma_wait3A_103 = tpu.memref_squeeze %dma_wait3A_102 : memref<1x128xi32, #tpu.memory_space<vmem>> -> memref<128xi32, #tpu.memory_space<vmem>>
        %dma_wait3A_104 = arith.constant 0 : i32
        %dma_wait3A_105 = arith.constant 0 : i32
        %dma_wait3A_106 = tpu.memref_slice %arg9[%dma_wait3A_104, %dma_wait3A_105] : memref<10240x128xf32, #tpu.memory_space<vmem_shared>> -> memref<10240x128xf32, #tpu.memory_space<vmem_shared>>
        tpu.wait_indirect_dma semaphore(%run_scoped3A_94 : memref<!tpu.dma_semaphore, #tpu.memory_space<semaphore_mem>>) src(%arg7 : memref<128x128xf32, #tpu.memory_space<vmem>>) dst(%dma_wait3A_106 : memref<10240x128xf32, #tpu.memory_space<vmem_shared>>)
        tpu.yield
      }) : () -> ()
    }
    %scan3A_70 = arith.constant 79 : i32
    %barrier3A_71 = arith.constant 0 : index
    tpu.barrier barrier_id(%barrier3A_71)
    %mul3A_72 = arith.constant 640 : i32
    %mul3A_73 = arith.muli %arg1, %mul3A_72 : i32
    %mul3A_74 = arith.constant 640 : i32
    %mul3A_75 = arith.muli %arg1, %mul3A_74 : i32
    "tpu.region"() ({
      %run_scoped3A = tpu.sem_alloc : memref<!tpu.dma_semaphore, #tpu.memory_space<semaphore_mem>>
      %dma_start3A = arith.constant 0 : i32
      %dma_start3A_76 = tpu.memref_slice %arg5[%arg0, %mul3A_75, %dma_start3A] : memref<2x10240x128xf32, #tpu.memory_space<hbm>> -> memref<1x640x128xf32, #tpu.memory_space<hbm>>
      %dma_start3A_77 = tpu.memref_squeeze %dma_start3A_76 : memref<1x640x128xf32, #tpu.memory_space<hbm>> -> memref<640x128xf32, #tpu.memory_space<hbm>>
      %dma_start3A_78 = arith.constant 0 : i32
      %dma_start3A_79 = tpu.memref_slice %arg9[%mul3A_73, %dma_start3A_78] : memref<10240x128xf32, #tpu.memory_space<vmem_shared>> -> memref<640x128xf32, #tpu.memory_space<vmem_shared>>
      tpu.enqueue_dma source(%dma_start3A_79 : memref<640x128xf32, #tpu.memory_space<vmem_shared>>) target(%dma_start3A_77 : memref<640x128xf32, #tpu.memory_space<hbm>>) target_semaphore(%run_scoped3A : memref<!tpu.dma_semaphore, #tpu.memory_space<semaphore_mem>>)
      %dma_wait3A = arith.constant 0 : i32
      %dma_wait3A_80 = tpu.memref_slice %arg5[%arg0, %mul3A_75, %dma_wait3A] : memref<2x10240x128xf32, #tpu.memory_space<hbm>> -> memref<1x640x128xf32, #tpu.memory_space<hbm>>
      %dma_wait3A_81 = tpu.memref_squeeze %dma_wait3A_80 : memref<1x640x128xf32, #tpu.memory_space<hbm>> -> memref<640x128xf32, #tpu.memory_space<hbm>>
      %dma_wait3A_82 = arith.constant 0 : i32
      %dma_wait3A_83 = tpu.memref_slice %arg9[%mul3A_73, %dma_wait3A_82] : memref<10240x128xf32, #tpu.memory_space<vmem_shared>> -> memref<640x128xf32, #tpu.memory_space<vmem_shared>>
      tpu.wait_dma2 semaphore(%run_scoped3A : memref<!tpu.dma_semaphore, #tpu.memory_space<semaphore_mem>>) src(%dma_wait3A_83 : memref<640x128xf32, #tpu.memory_space<vmem_shared>>) dst(%dma_wait3A_81 : memref<640x128xf32, #tpu.memory_space<hbm>>)
      tpu.yield
    }) : () -> ()
    return
  }
}

module attributes {stable_mosaic.version = 14 : i64} {
  func.func @_mm_body(%arg0: i32, %arg1: memref<400x128xf32, #tpu.memory_space<vmem>>, %arg2: memref<128x128xf32, #tpu.memory_space<vmem>>, %arg3: memref<400x128xf32, #tpu.memory_space<vmem>>) attributes {dimension_semantics = [#tpu.dimension_semantics<arbitrary>], iteration_bounds = array<i64: 25>, scalar_prefetch = 0 : i64, scratch_operands = 0 : i64, tpu.core_type = #tpu.core_type<tc>, window_params = [{transform_indices = @transform_0, window_bounds = array<i64: 400, 128>}, {pipeline_mode = #tpu.pipeline_mode<synchronous>, transform_indices = @transform_1, window_bounds = array<i64: 128, 128>}, {transform_indices = @transform_2, window_bounds = array<i64: 400, 128>}]} {
    %get3A = arith.constant 0 : index
    %get3A_0 = arith.constant 0 : index
    %get3A_1 = vector.load %arg1[%get3A, %get3A_0] : memref<400x128xf32, #tpu.memory_space<vmem>>, vector<400x128xf32>
    %get3A_2 = arith.constant 0 : index
    %get3A_3 = arith.constant 0 : index
    %get3A_4 = vector.load %arg2[%get3A_2, %get3A_3] : memref<128x128xf32, #tpu.memory_space<vmem>>, vector<128x128xf32>
    %dot_general3A = arith.constant dense<0.000000e+00> : vector<400x128xf32>
    %dot_general3A_5 = tpu.matmul %get3A_1, %get3A_4, %dot_general3A {dimension_numbers = #tpu.dot_dimension_numbers<[1], [0], [0], [1], [0, 0, 1, 1], [], []>, transpose_lhs_hint = false} : vector<400x128xf32>, vector<128x128xf32>, vector<400x128xf32> -> vector<400x128xf32>
    %swap3A = arith.constant 0 : index
    %swap3A_6 = arith.constant 0 : index
    %swap3A_7 = vector.load %arg3[%swap3A, %swap3A_6] : memref<400x128xf32, #tpu.memory_space<vmem>>, vector<400x128xf32>
    tpu.vector_store %arg3[%swap3A, %swap3A_6], %dot_general3A_5 {strides = array<i32>} : memref<400x128xf32, #tpu.memory_space<vmem>>, vector<400x128xf32>,
    return
  }
  func.func @transform_0(%arg0: i32) -> (i32, i32) {
    %c0_i32 = arith.constant 0 : i32
    %c0_i32_0 = arith.constant 0 : i32
    return %arg0, %c0_i32 : i32, i32
  }
  func.func @transform_1(%arg0: i32) -> (i32, i32) {
    %c0_i32 = arith.constant 0 : i32
    %c0_i32_0 = arith.constant 0 : i32
    %c0_i32_1 = arith.constant 0 : i32
    return %c0_i32, %c0_i32_0 : i32, i32
  }
  func.func @transform_2(%arg0: i32) -> (i32, i32) {
    %c0_i32 = arith.constant 0 : i32
    %c0_i32_0 = arith.constant 0 : i32
    return %arg0, %c0_i32 : i32, i32
  }
}

module attributes {stable_mosaic.version = 14 : i64} {
  func.func @_scale_body(%arg0: i32, %arg1: memref<2x400x128xf32, #tpu.memory_space<vmem>>, %arg2: memref<400x128xf32, #tpu.memory_space<vmem>>, %arg3: memref<400x128xf32, #tpu.memory_space<vmem>>) attributes {dimension_semantics = [#tpu.dimension_semantics<arbitrary>], iteration_bounds = array<i64: 25>, scalar_prefetch = 0 : i64, scratch_operands = 0 : i64, tpu.core_type = #tpu.core_type<tc>, window_params = [{transform_indices = @transform_0, window_bounds = array<i64: 2, 400, 128>}, {transform_indices = @transform_1, window_bounds = array<i64: 400, 128>}, {transform_indices = @transform_2, window_bounds = array<i64: 400, 128>}]} {
    %get3A = arith.constant 0 : index
    %get3A_0 = arith.constant 0 : index
    %get3A_1 = vector.load %arg2[%get3A, %get3A_0] : memref<400x128xf32, #tpu.memory_space<vmem>>, vector<400x128xf32>
    %get3A_2 = arith.constant 0 : index
    %get3A_3 = arith.constant 0 : index
    %get3A_4 = arith.constant 0 : index
    %get3A_5 = vector.load %arg1[%get3A_2, %get3A_3, %get3A_4] : memref<2x400x128xf32, #tpu.memory_space<vmem>>, vector<1x400x128xf32>
    %get3A_6 = vector.shape_cast %get3A_5 : vector<1x400x128xf32> to vector<400x128xf32>
    %slice3A = vector.extract_strided_slice %get3A_6 {offsets = [0, 0], sizes = [400, 1], strides = [1, 1]} : vector<400x128xf32> to vector<400x1xf32>
    %get3A_7 = arith.constant 1 : index
    %get3A_8 = arith.constant 0 : index
    %get3A_9 = arith.constant 0 : index
    %get3A_10 = vector.load %arg1[%get3A_7, %get3A_8, %get3A_9] : memref<2x400x128xf32, #tpu.memory_space<vmem>>, vector<1x400x128xf32>
    %get3A_11 = vector.shape_cast %get3A_10 : vector<1x400x128xf32> to vector<400x128xf32>
    %slice3A_12 = vector.extract_strided_slice %get3A_11 {offsets = [0, 0], sizes = [400, 1], strides = [1, 1]} : vector<400x128xf32> to vector<400x1xf32>
    %add3A = arith.addf %slice3A, %slice3A_12 : vector<400x1xf32>
    %add3A_13 = arith.constant 1.000000e+00 : f32
    %add3A_14 = vector.broadcast %add3A_13 : f32 to vector<400x1xf32>
    %add3A_15 = arith.addf %add3A, %add3A_14 : vector<400x1xf32>
    %rsqrt3A = math.rsqrt %add3A_15 : vector<400x1xf32>
    %mul3A = vector.broadcast %rsqrt3A : vector<400x1xf32> to vector<400x128xf32>
    %mul3A_16 = arith.mulf %get3A_1, %mul3A : vector<400x128xf32>
    %swap3A = arith.constant 0 : index
    %swap3A_17 = arith.constant 0 : index
    %swap3A_18 = vector.load %arg3[%swap3A, %swap3A_17] : memref<400x128xf32, #tpu.memory_space<vmem>>, vector<400x128xf32>
    tpu.vector_store %arg3[%swap3A, %swap3A_17], %mul3A_16 {strides = array<i32>} : memref<400x128xf32, #tpu.memory_space<vmem>>, vector<400x128xf32>,
    return
  }
  func.func @transform_0(%arg0: i32) -> (i32, i32, i32) {
    %c0_i32 = arith.constant 0 : i32
    %c0_i32_0 = arith.constant 0 : i32
    %c0_i32_1 = arith.constant 0 : i32
    return %c0_i32, %arg0, %c0_i32_0 : i32, i32, i32
  }
  func.func @transform_1(%arg0: i32) -> (i32, i32) {
    %c0_i32 = arith.constant 0 : i32
    %c0_i32_0 = arith.constant 0 : i32
    return %arg0, %c0_i32 : i32, i32
  }
  func.func @transform_2(%arg0: i32) -> (i32, i32) {
    %c0_i32 = arith.constant 0 : i32
    %c0_i32_0 = arith.constant 0 : i32
    return %arg0, %c0_i32 : i32, i32
  }
}

module attributes {stable_mosaic.version = 14 : i64} {
  func.func @_mid_body(%arg0: i32, %arg1: memref<2x400x128xf32, #tpu.memory_space<vmem>>, %arg2: memref<2x400x128xf32, #tpu.memory_space<vmem>>, %arg3: memref<400x128xf32, #tpu.memory_space<vmem>>, %arg4: memref<1x128xf32, #tpu.memory_space<vmem>>, %arg5: memref<128x64xf32, #tpu.memory_space<vmem>>, %arg6: memref<400x64xf32, #tpu.memory_space<vmem>>, %arg7: memref<400x128xf32, #tpu.memory_space<vmem>>) attributes {dimension_semantics = [#tpu.dimension_semantics<arbitrary>], iteration_bounds = array<i64: 25>, scalar_prefetch = 0 : i64, scratch_operands = 0 : i64, tpu.core_type = #tpu.core_type<tc>, window_params = [{transform_indices = @transform_0, window_bounds = array<i64: 2, 400, 128>}, {transform_indices = @transform_1, window_bounds = array<i64: 2, 400, 128>}, {transform_indices = @transform_2, window_bounds = array<i64: 400, 128>}, {pipeline_mode = #tpu.pipeline_mode<synchronous>, transform_indices = @transform_3, window_bounds = array<i64: 1, 128>}, {pipeline_mode = #tpu.pipeline_mode<synchronous>, transform_indices = @transform_4, window_bounds = array<i64: 128, 64>}, {transform_indices = @transform_5, window_bounds = array<i64: 400, 64>}, {transform_indices = @transform_6, window_bounds = array<i64: 400, 128>}]} {
    %get3A = arith.constant 0 : index
    %get3A_0 = arith.constant 0 : index
    %get3A_1 = arith.constant 0 : index
    %get3A_2 = vector.load %arg2[%get3A, %get3A_0, %get3A_1] : memref<2x400x128xf32, #tpu.memory_space<vmem>>, vector<1x400x128xf32>
    %get3A_3 = vector.shape_cast %get3A_2 : vector<1x400x128xf32> to vector<400x128xf32>
    %slice3A = vector.extract_strided_slice %get3A_3 {offsets = [0, 0], sizes = [400, 1], strides = [1, 1]} : vector<400x128xf32> to vector<400x1xf32>
    %get3A_4 = arith.constant 1 : index
    %get3A_5 = arith.constant 0 : index
    %get3A_6 = arith.constant 0 : index
    %get3A_7 = vector.load %arg2[%get3A_4, %get3A_5, %get3A_6] : memref<2x400x128xf32, #tpu.memory_space<vmem>>, vector<1x400x128xf32>
    %get3A_8 = vector.shape_cast %get3A_7 : vector<1x400x128xf32> to vector<400x128xf32>
    %slice3A_9 = vector.extract_strided_slice %get3A_8 {offsets = [0, 0], sizes = [400, 1], strides = [1, 1]} : vector<400x128xf32> to vector<400x1xf32>
    %add3A = arith.addf %slice3A, %slice3A_9 : vector<400x1xf32>
    %add3A_10 = arith.constant 1.000000e+00 : f32
    %add3A_11 = vector.broadcast %add3A_10 : f32 to vector<400x1xf32>
    %add3A_12 = arith.addf %add3A, %add3A_11 : vector<400x1xf32>
    %rsqrt3A = math.rsqrt %add3A_12 : vector<400x1xf32>
    %get3A_13 = arith.constant 0 : index
    %get3A_14 = arith.constant 0 : index
    %get3A_15 = arith.constant 0 : index
    %get3A_16 = vector.load %arg1[%get3A_13, %get3A_14, %get3A_15] : memref<2x400x128xf32, #tpu.memory_space<vmem>>, vector<1x400x128xf32>
    %get3A_17 = vector.shape_cast %get3A_16 : vector<1x400x128xf32> to vector<400x128xf32>
    %get3A_18 = arith.constant 1 : index
    %get3A_19 = arith.constant 0 : index
    %get3A_20 = arith.constant 0 : index
    %get3A_21 = vector.load %arg1[%get3A_18, %get3A_19, %get3A_20] : memref<2x400x128xf32, #tpu.memory_space<vmem>>, vector<1x400x128xf32>
    %get3A_22 = vector.shape_cast %get3A_21 : vector<1x400x128xf32> to vector<400x128xf32>
    %add3A_23 = arith.addf %get3A_17, %get3A_22 : vector<400x128xf32>
    %mul3A = vector.broadcast %rsqrt3A : vector<400x1xf32> to vector<400x128xf32>
    %mul3A_24 = arith.mulf %add3A_23, %mul3A : vector<400x128xf32>
    %get3A_25 = arith.constant 0 : index
    %get3A_26 = arith.constant 0 : index
    %get3A_27 = vector.load %arg3[%get3A_25, %get3A_26] : memref<400x128xf32, #tpu.memory_space<vmem>>, vector<400x128xf32>
    %mul3A_28 = arith.mulf %rsqrt3A, %rsqrt3A : vector<400x1xf32>
    %mul3A_29 = vector.broadcast %mul3A_28 : vector<400x1xf32> to vector<400x128xf32>
    %mul3A_30 = arith.mulf %get3A_27, %mul3A_29 : vector<400x128xf32>
    %add3A_31 = arith.addf %mul3A_24, %mul3A_30 : vector<400x128xf32>
    %get3A_32 = arith.constant 0 : index
    %get3A_33 = arith.constant 0 : index
    %get3A_34 = vector.load %arg4[%get3A_32, %get3A_33] : memref<1x128xf32, #tpu.memory_space<vmem>>, vector<1x128xf32>
    %add3A_35 = vector.broadcast %get3A_34 : vector<1x128xf32> to vector<400x128xf32>
    %add3A_36 = arith.addf %add3A_31, %add3A_35 : vector<400x128xf32>
    %max3A = arith.constant 0.000000e+00 : f32
    %max3A_37 = vector.broadcast %max3A : f32 to vector<400x128xf32>
    %max3A_38 = arith.maximumf %add3A_36, %max3A_37 : vector<400x128xf32>
    %get3A_39 = arith.constant 0 : index
    %get3A_40 = arith.constant 0 : index
    %get3A_41 = vector.load %arg5[%get3A_39, %get3A_40] : memref<128x64xf32, #tpu.memory_space<vmem>>, vector<128x64xf32>
    %dot_general3A = arith.constant dense<0.000000e+00> : vector<400x64xf32>
    %dot_general3A_42 = tpu.matmul %max3A_38, %get3A_41, %dot_general3A {dimension_numbers = #tpu.dot_dimension_numbers<[1], [0], [0], [1], [0, 0, 1, 1], [], []>, transpose_lhs_hint = false} : vector<400x128xf32>, vector<128x64xf32>, vector<400x64xf32> -> vector<400x64xf32>
    %swap3A = arith.constant 0 : index
    %swap3A_43 = arith.constant 0 : index
    %swap3A_44 = vector.load %arg6[%swap3A, %swap3A_43] : memref<400x64xf32, #tpu.memory_space<vmem>>, vector<400x64xf32>
    tpu.vector_store %arg6[%swap3A, %swap3A_43], %dot_general3A_42 {strides = array<i32>} : memref<400x64xf32, #tpu.memory_space<vmem>>, vector<400x64xf32>,
    %mul3A_45 = vector.broadcast %rsqrt3A : vector<400x1xf32> to vector<400x64xf32>
    %mul3A_46 = arith.mulf %dot_general3A_42, %mul3A_45 : vector<400x64xf32>
    %broadcast_in_dim3A = arith.constant 0.000000e+00 : f32
    %broadcast_in_dim3A_47 = vector.broadcast %broadcast_in_dim3A : f32 to vector<400x64xf32>
    %concatenate3A = tpu.concatenate %mul3A_46, %broadcast_in_dim3A_47 in 1 : vector<400x64xf32>, vector<400x64xf32> -> vector<400x128xf32>
    %swap3A_48 = arith.constant 0 : index
    %swap3A_49 = arith.constant 0 : index
    %swap3A_50 = vector.load %arg7[%swap3A_48, %swap3A_49] : memref<400x128xf32, #tpu.memory_space<vmem>>, vector<400x128xf32>
    tpu.vector_store %arg7[%swap3A_48, %swap3A_49], %concatenate3A {strides = array<i32>} : memref<400x128xf32, #tpu.memory_space<vmem>>, vector<400x128xf32>,
    return
  }
  func.func @transform_0(%arg0: i32) -> (i32, i32, i32) {
    %c0_i32 = arith.constant 0 : i32
    %c0_i32_0 = arith.constant 0 : i32
    %c0_i32_1 = arith.constant 0 : i32
    return %c0_i32, %arg0, %c0_i32_0 : i32, i32, i32
  }
  func.func @transform_1(%arg0: i32) -> (i32, i32, i32) {
    %c0_i32 = arith.constant 0 : i32
    %c0_i32_0 = arith.constant 0 : i32
    %c0_i32_1 = arith.constant 0 : i32
    return %c0_i32, %arg0, %c0_i32_0 : i32, i32, i32
  }
  func.func @transform_2(%arg0: i32) -> (i32, i32) {
    %c0_i32 = arith.constant 0 : i32
    %c0_i32_0 = arith.constant 0 : i32
    return %arg0, %c0_i32 : i32, i32
  }
  func.func @transform_3(%arg0: i32) -> (i32, i32) {
    %c0_i32 = arith.constant 0 : i32
    %c0_i32_0 = arith.constant 0 : i32
    %c0_i32_1 = arith.constant 0 : i32
    return %c0_i32, %c0_i32_0 : i32, i32
  }
  func.func @transform_4(%arg0: i32) -> (i32, i32) {
    %c0_i32 = arith.constant 0 : i32
    %c0_i32_0 = arith.constant 0 : i32
    %c0_i32_1 = arith.constant 0 : i32
    return %c0_i32, %c0_i32_0 : i32, i32
  }
  func.func @transform_5(%arg0: i32) -> (i32, i32) {
    %c0_i32 = arith.constant 0 : i32
    %c0_i32_0 = arith.constant 0 : i32
    return %arg0, %c0_i32 : i32, i32
  }
  func.func @transform_6(%arg0: i32) -> (i32, i32) {
    %c0_i32 = arith.constant 0 : i32
    %c0_i32_0 = arith.constant 0 : i32
    return %arg0, %c0_i32 : i32, i32
  }
}

module attributes {stable_mosaic.version = 14 : i64} {
  func.func @_out_body(%arg0: i32, %arg1: memref<2x400x128xf32, #tpu.memory_space<vmem>>, %arg2: memref<2x400x128xf32, #tpu.memory_space<vmem>>, %arg3: memref<400x64xf32, #tpu.memory_space<vmem>>, %arg4: memref<1x64xf32, #tpu.memory_space<vmem>>, %arg5: memref<400x64xf32, #tpu.memory_space<vmem>>) attributes {dimension_semantics = [#tpu.dimension_semantics<arbitrary>], iteration_bounds = array<i64: 25>, scalar_prefetch = 0 : i64, scratch_operands = 0 : i64, tpu.core_type = #tpu.core_type<tc>, window_params = [{transform_indices = @transform_0, window_bounds = array<i64: 2, 400, 128>}, {transform_indices = @transform_1, window_bounds = array<i64: 2, 400, 128>}, {transform_indices = @transform_2, window_bounds = array<i64: 400, 64>}, {pipeline_mode = #tpu.pipeline_mode<synchronous>, transform_indices = @transform_3, window_bounds = array<i64: 1, 64>}, {transform_indices = @transform_4, window_bounds = array<i64: 400, 64>}]} {
    %get3A = arith.constant 0 : index
    %get3A_0 = arith.constant 0 : index
    %get3A_1 = arith.constant 0 : index
    %get3A_2 = vector.load %arg2[%get3A, %get3A_0, %get3A_1] : memref<2x400x128xf32, #tpu.memory_space<vmem>>, vector<1x400x128xf32>
    %get3A_3 = vector.shape_cast %get3A_2 : vector<1x400x128xf32> to vector<400x128xf32>
    %slice3A = vector.extract_strided_slice %get3A_3 {offsets = [0, 0], sizes = [400, 1], strides = [1, 1]} : vector<400x128xf32> to vector<400x1xf32>
    %get3A_4 = arith.constant 1 : index
    %get3A_5 = arith.constant 0 : index
    %get3A_6 = arith.constant 0 : index
    %get3A_7 = vector.load %arg2[%get3A_4, %get3A_5, %get3A_6] : memref<2x400x128xf32, #tpu.memory_space<vmem>>, vector<1x400x128xf32>
    %get3A_8 = vector.shape_cast %get3A_7 : vector<1x400x128xf32> to vector<400x128xf32>
    %slice3A_9 = vector.extract_strided_slice %get3A_8 {offsets = [0, 0], sizes = [400, 1], strides = [1, 1]} : vector<400x128xf32> to vector<400x1xf32>
    %add3A = arith.addf %slice3A, %slice3A_9 : vector<400x1xf32>
    %add3A_10 = arith.constant 1.000000e+00 : f32
    %add3A_11 = vector.broadcast %add3A_10 : f32 to vector<400x1xf32>
    %add3A_12 = arith.addf %add3A, %add3A_11 : vector<400x1xf32>
    %rsqrt3A = math.rsqrt %add3A_12 : vector<400x1xf32>
    %get3A_13 = arith.constant 0 : index
    %get3A_14 = arith.constant 0 : index
    %get3A_15 = arith.constant 0 : index
    %get3A_16 = vector.load %arg1[%get3A_13, %get3A_14, %get3A_15] : memref<2x400x128xf32, #tpu.memory_space<vmem>>, vector<1x400x128xf32>
    %get3A_17 = vector.shape_cast %get3A_16 : vector<1x400x128xf32> to vector<400x128xf32>
    %get3A_18 = arith.constant 1 : index
    %get3A_19 = arith.constant 0 : index
    %get3A_20 = arith.constant 0 : index
    %get3A_21 = vector.load %arg1[%get3A_18, %get3A_19, %get3A_20] : memref<2x400x128xf32, #tpu.memory_space<vmem>>, vector<1x400x128xf32>
    %get3A_22 = vector.shape_cast %get3A_21 : vector<1x400x128xf32> to vector<400x128xf32>
    %add3A_23 = arith.addf %get3A_17, %get3A_22 : vector<400x128xf32>
    %slice3A_24 = vector.extract_strided_slice %add3A_23 {offsets = [0, 0], sizes = [400, 64], strides = [1, 1]} : vector<400x128xf32> to vector<400x64xf32>
    %mul3A = vector.broadcast %rsqrt3A : vector<400x1xf32> to vector<400x64xf32>
    %mul3A_25 = arith.mulf %slice3A_24, %mul3A : vector<400x64xf32>
    %get3A_26 = arith.constant 0 : index
    %get3A_27 = arith.constant 0 : index
    %get3A_28 = vector.load %arg3[%get3A_26, %get3A_27] : memref<400x64xf32, #tpu.memory_space<vmem>>, vector<400x64xf32>
    %mul3A_29 = arith.mulf %rsqrt3A, %rsqrt3A : vector<400x1xf32>
    %mul3A_30 = vector.broadcast %mul3A_29 : vector<400x1xf32> to vector<400x64xf32>
    %mul3A_31 = arith.mulf %get3A_28, %mul3A_30 : vector<400x64xf32>
    %add3A_32 = arith.addf %mul3A_25, %mul3A_31 : vector<400x64xf32>
    %get3A_33 = arith.constant 0 : index
    %get3A_34 = arith.constant 0 : index
    %get3A_35 = vector.load %arg4[%get3A_33, %get3A_34] : memref<1x64xf32, #tpu.memory_space<vmem>>, vector<1x64xf32>
    %add3A_36 = vector.broadcast %get3A_35 : vector<1x64xf32> to vector<400x64xf32>
    %add3A_37 = arith.addf %add3A_32, %add3A_36 : vector<400x64xf32>
    %reduce_max3A = arith.constant dense<0xFF800000> : vector<400xf32>
    %reduce_max3A_38 = vector.multi_reduction <maximumf>, %add3A_37, %reduce_max3A [1] : vector<400x64xf32> to vector<400xf32>
    %broadcast_in_dim3A = vector.shape_cast %reduce_max3A_38 : vector<400xf32> to vector<400x1xf32>
    %sub3A = vector.broadcast %broadcast_in_dim3A : vector<400x1xf32> to vector<400x64xf32>
    %sub3A_39 = arith.subf %add3A_37, %sub3A : vector<400x64xf32>
    %exp3A = math.exp %sub3A_39 : vector<400x64xf32>
    %reduce_sum3A = arith.constant dense<0.000000e+00> : vector<400xf32>
    %reduce_sum3A_40 = vector.multi_reduction <add>, %exp3A, %reduce_sum3A [1] : vector<400x64xf32> to vector<400xf32>
    %broadcast_in_dim3A_41 = vector.shape_cast %reduce_sum3A_40 : vector<400xf32> to vector<400x1xf32>
    %log3A = math.log %broadcast_in_dim3A_41 : vector<400x1xf32>
    %sub3A_42 = vector.broadcast %broadcast_in_dim3A : vector<400x1xf32> to vector<400x64xf32>
    %sub3A_43 = arith.subf %add3A_37, %sub3A_42 : vector<400x64xf32>
    %sub3A_44 = vector.broadcast %log3A : vector<400x1xf32> to vector<400x64xf32>
    %sub3A_45 = arith.subf %sub3A_43, %sub3A_44 : vector<400x64xf32>
    %swap3A = arith.constant 0 : index
    %swap3A_46 = arith.constant 0 : index
    %swap3A_47 = vector.load %arg5[%swap3A, %swap3A_46] : memref<400x64xf32, #tpu.memory_space<vmem>>, vector<400x64xf32>
    tpu.vector_store %arg5[%swap3A, %swap3A_46], %sub3A_45 {strides = array<i32>} : memref<400x64xf32, #tpu.memory_space<vmem>>, vector<400x64xf32>,
    return
  }
  func.func @transform_0(%arg0: i32) -> (i32, i32, i32) {
    %c0_i32 = arith.constant 0 : i32
    %c0_i32_0 = arith.constant 0 : i32
    %c0_i32_1 = arith.constant 0 : i32
    return %c0_i32, %arg0, %c0_i32_0 : i32, i32, i32
  }
  func.func @transform_1(%arg0: i32) -> (i32, i32, i32) {
    %c0_i32 = arith.constant 0 : i32
    %c0_i32_0 = arith.constant 0 : i32
    %c0_i32_1 = arith.constant 0 : i32
    return %c0_i32, %arg0, %c0_i32_0 : i32, i32, i32
  }
  func.func @transform_2(%arg0: i32) -> (i32, i32) {
    %c0_i32 = arith.constant 0 : i32
    %c0_i32_0 = arith.constant 0 : i32
    return %arg0, %c0_i32 : i32, i32
  }
  func.func @transform_3(%arg0: i32) -> (i32, i32) {
    %c0_i32 = arith.constant 0 : i32
    %c0_i32_0 = arith.constant 0 : i32
    %c0_i32_1 = arith.constant 0 : i32
    return %c0_i32, %c0_i32_0 : i32, i32
  }
  func.func @transform_4(%arg0: i32) -> (i32, i32) {
    %c0_i32 = arith.constant 0 : i32
    %c0_i32_0 = arith.constant 0 : i32
    return %arg0, %c0_i32 : i32, i32
  }
}

</mosaic_0001>

<sc_bundles>
// kernel: kernel.12.cloned.1.call-start
scs
__scs_entry_jumppad:
0x0: {  	(pc) =	sbr.rel $0x88, $3  }
0x1: {  	(tag) =	ssettag $0x0;
	lr =	simm.s32 $0x1  }
0x2: {  	[smem:$0x3F9B] =	sst lr;
	_ =	strace $0xD0000000  }
0x3: {  	_ = 	snop  }
0x4: {  	_ = 	snop  }
0x5: {  	_ = 	snop  }
0x6: {  	_ = 	snop  }
0x7: {  	_ = 	snop  }
__scs_overlays_trampoline_lowered:
0x8: {  	[smem:$0x3FAA] =	sst s0  }
0x9: {  	[smem:$0x3FAB] =	sst s1  }
0xa: {  	[smem:$0x3FAC] =	sst s2  }
0xb: {  	[smem:$0x3FAD] =	sst s3  }
0xc: {  	[smem:$0x3FAE] =	sst s4  }
0xd: {  	[smem:$0x3FAF] =	sst s5  }
0xe: {  	[smem:$0x3FB0] =	sst s6  }
0xf: {  	[smem:$0x3FB1] =	sst s7  }
0x10: {  	[smem:$0x3FB2] =	sst s8  }
0x11: {  	[smem:$0x3FB3] =	sst s9;
	s0 =	simm.s32 @!p0 $0x0  }
0x12: {  	s1 =	sld [smem:$0x3F99];
	s0 =	simm.s32 @p0 $0x1  }
0x13: {  	[smem:$0x3FB4] =	sst s0;
	s0 =	simm.s32 @!p1 $0x0  }
0x14: {  	s2 =	sld [smem:$0x3F98];
	s0 =	simm.s32 @p1 $0x1  }
0x15: {  	[smem:$0x3FB5] =	sst s0;
	s0 =	simm.s32 @!p2 $0x0  }
0x16: {  	s3 =	sld [smem:$0x3FDB];
	s0 =	simm.s32 @p2 $0x1  }
0x17: {  	s4 =	simm.s32 $0x1BF5;
	[smem:$0x3FB7] =	sst s0  }
0x18: {  	s0 =	sld [smem:$0x3F9A];
	_ =	swait.ge [sflag:s4], $0x0  }
0x19: {  	s7 =	sld [smem:$0x3F9B]  }
0x1a: {  	s8 =	sadd.s32 $0xFFFFE003, lr  }
0x1b: {  	s9 =	sadd.s32 $0xFFFFFEF7, lr;
	s5 =	simm.s32 $0xFFFFFFFF;
	p2 =	slt.u32 s8, $0xFFFFF086  }
0x1c: {  	p1 =	slt.u32 s9, $0xF7A;
	s5 =	simm.s32 @!p2 $0x0  }
0x1d: {  	s5 =	simm.s32 @p1 $0x1;
	p0 =	seq.s32 s7, s2  }
0x1e: {  	s7 =	smul.u32 @!p0 $0xF7A, s2;
	p2 =	seq.s32 @!p0 s5, $0x0  }
0x1f: {  	s9 =	smul.u32 $0xF7A, s1;
	s8 =	simm.s32 @!p0 $0x1BF5;
	p2 =	por !p2, p0  }
0x20: {  	[sflag:s8] =	ssyncset.s32 @!p0 $0xFFFFF086;
	s6 =	sadd.s32 @!p0 s3, s7;
	s7 =	simm.s32 @!p0 $0x108  }
0x21: {  	s3 =	sadd.s32 s3, s9;
	s6 =	sadd.s32 @!p0 $0x88, s6;
	s7 =	simm.s32 @p2 $0x1082  }
0x22: {  	[simem:s7], [sflag:s8] =	dma.local @!p0 [hbm:s6], $0xF7A  }
0x23: {  	s9 =	sor.u32 $0xD0000000, s2;
	s6 =	simm.s32 $0x108;
	_ =	swait.ge @!p0 [sflag:s8], $0x0  }
0x24: {  	s3 =	sadd.s32 $0x88, s3;
	s6 =	simm.s32 @!p1 $0x1082;
	[sflag:s4] =	ssyncset.s32 $0xFFFFF086  }
0x25: {  	[simem:s6], [sflag:s4] =	dma.local [hbm:s3], $0xF7A  }
0x26: {  	[smem:$0x3F9B] =	sst s1;
	(tag) =	ssettag s2;
	_ =	strace s9  }
0x27: {  	s1 =	sld [smem:$0x3FAB]  }
0x28: {  	s2 =	sld [smem:$0x3FAC]  }
0x29: {  	s4 =	sld [smem:$0x3FAE]  }
0x2a: {  	p0 =	seq.s32 s5, $0x0;
	s5 =	sld [smem:$0x3FAF]  }
0x2b: {  	s6 =	sld [smem:$0x3FB0]  }
0x2c: {  	s7 =	sld [smem:$0x3FB1]  }
0x2d: {  	s3 =	simm.s32 $0x108;
	s8 =	sld [smem:$0x3FB2]  }
0x2e: {  	s3 =	simm.s32 @!p0 $0x1082;
	s9 =	sld [smem:$0x3FB3]  }
0x2f: {  	lr =	sadd.s32 s0, s3;
	s0 =	sld [smem:$0x3FAA]  }
0x30: {  	s3 =	sld [smem:$0x3FAD]  }
0x31: {  	[smem:$0x3FB6] =	sst s10  }
0x32: {  	s10 =	sld [smem:$0x3FB4];
	_ =	sdelay $0x3  }
0x33: {  	p0 =	seq.s32 s10, $0x1;
	s10 =	sld [smem:$0x3FB6];
	_ =	sdelay $0x3  }
0x34: {  	[smem:$0x3FB6] =	sst s10  }
0x35: {  	s10 =	sld [smem:$0x3FB5];
	_ =	sdelay $0x3  }
0x36: {  	p1 =	seq.s32 s10, $0x1;
	s10 =	sld [smem:$0x3FB6];
	_ =	sdelay $0x3  }
0x37: {  	[smem:$0x3FB6] =	sst s10  }
0x38: {  	s10 =	sld [smem:$0x3FB7]  }
0x39: {  	_ = 	snop;
	(pc) =	sbr.ind lr, $3  }
0x3a: {  	_ = 	snop  }
0x3b: {  	_ = 	snop  }
0x3c: {  	p2 =	seq.s32 s10, $0x1;
	s10 =	sld [smem:$0x3FB6]  }
0x3d: {  	_ =	shalt  }
0x3e: {  	_ =	shalt  }
0x3f: {  	_ =	shalt  }
0x40: {  	_ =	shalt  }
0x41: {  	_ =	shalt  }
0x42: {  	_ =	shalt  }
0x43: {  	_ =	shalt  }
0x44: {  	_ =	shalt  }
0x45: {  	_ =	shalt  }
0x46: {  	_ =	shalt  }
0x47: {  	_ =	shalt  }
0x48: {  	_ =	shalt  }
0x49: {  	_ =	shalt  }
0x4a: {  	_ =	shalt  }
0x4b: {  	_ =	shalt  }
0x4c: {  	_ =	shalt  }
0x4d: {  	_ =	shalt  }
0x4e: {  	_ =	shalt  }
0x4f: {  	_ =	shalt  }
0x50: {  	_ =	shalt  }
0x51: {  	_ =	shalt  }
0x52: {  	_ =	shalt  }
0x53: {  	_ =	shalt  }
0x54: {  	_ =	shalt  }
0x55: {  	_ =	shalt  }
0x56: {  	_ =	shalt  }
0x57: {  	_ =	shalt  }
0x58: {  	_ =	shalt  }
0x59: {  	_ =	shalt  }
0x5a: {  	_ =	shalt  }
0x5b: {  	_ =	shalt  }
0x5c: {  	_ =	shalt  }
0x5d: {  	_ =	shalt  }
0x5e: {  	_ =	shalt  }
0x5f: {  	_ =	shalt  }
0x60: {  	_ =	shalt  }
0x61: {  	_ =	shalt  }
0x62: {  	_ =	shalt  }
0x63: {  	_ =	shalt  }
0x64: {  	_ =	shalt  }
0x65: {  	_ =	shalt  }
0x66: {  	_ =	shalt  }
0x67: {  	_ =	shalt  }
0x68: {  	_ =	shalt  }
0x69: {  	_ =	shalt  }
0x6a: {  	_ =	shalt  }
0x6b: {  	_ =	shalt  }
0x6c: {  	_ =	shalt  }
0x6d: {  	_ =	shalt  }
0x6e: {  	_ =	shalt  }
0x6f: {  	_ =	shalt  }
0x70: {  	_ =	shalt  }
0x71: {  	_ =	shalt  }
0x72: {  	_ =	shalt  }
0x73: {  	_ =	shalt  }
0x74: {  	_ =	shalt  }
0x75: {  	_ =	shalt  }
0x76: {  	_ =	shalt  }
0x77: {  	_ =	shalt  }
0x78: {  	_ =	shalt  }
0x79: {  	_ =	shalt  }
0x7a: {  	_ =	shalt  }
0x7b: {  	_ =	shalt  }
0x7c: {  	_ =	shalt  }
0x7d: {  	_ =	shalt  }
0x7e: {  	_ =	shalt  }
0x7f: {  	_ =	shalt  }
0x80: {  	_ =	shalt  }
0x81: {  	_ =	shalt  }
0x82: {  	_ =	shalt  }
0x83: {  	_ =	shalt  }
0x84: {  	_ =	shalt  }
0x85: {  	_ =	shalt  }
0x86: {  	_ =	shalt  }
0x87: {  	_ =	shalt  }
.Lfunc_end0:
.L_simem_size_0:
called_computation.1_lowered:
.L_overlay_start_0:
0x88: {  	s2 =	sld [smem:$0x3FD9]  }
0x89: {  	s3 =	sld [smem:$0x3FFE];
	_ =	sdelay $0x1  }
0x8a: {  	s1 =	srdreg.scid  }
0x8b: {  	s0 =	sand.u32 $0x1, s1  }
0x8c: {  	s17 =	sshll.u32 s0, $0xA;
	s2 =	sadd.s32 s3, s2  }
0x8d: {  	s2 =	sadd.s32 s2, s17  }
0x8e: {  	[smem:$0x3FC2] =	sst s2  }
0x8f: {  	_ = 	snop  }
0x90: {  	s2 =	sld [smem:$0x3FD0];
	(tm) =	ssettm $0x1  }
0x91: {  	s18 =	sld [smem:$0x3FFB];
	_ =	sdelay $0x3  }
0x92: {  	_ =	strace s18  }
0x93: {  	s3 =	sld [smem:$0x3FFC];
	_ =	sdelay $0x3  }
0x94: {  	_ =	strace s3  }
0x95: {  	s3 =	sld [smem:$0x3FFD];
	_ =	sdelay $0x3  }
0x96: {  	_ =	strace s3  }
0x97: {  	_ =	strace $0x8FFFFFFF  }
0x98: {  	s19 =	sld [smem:$0x3FDB];
	_ =	sdelay $0x1  }
0x99: {  	s4 =	simm.s32 $_scs_section_size  }
0x9a: {  	s5 =	simm.s32 $_size__tile_overlayer_lowered;
	s6 =	simm.s32 $_tile_overlayer_lowered  }
0x9b: {  	s22 =	simm.s32 $0x1BFF;
	s21 =	sshll.u32 s6, $0x1;
	s3 =	sadd.s32 s4, s19  }
0x9c: {  	s7 =	simm.s32 $0x0;
	s20 =	sshll.u32 s5, $0x1;
	s5 =	sadd.s32 s21, s3  }
0x9d: {  	[timem:s7], [sflag:s22] =	dma.local [hbm:s5], s20  }
0x9e: {  	_ =	swait.ge [sflag:s22], s20  }
0x9f: {  	s4 =	ssub.s32 $0x0, s20;
	[sflag:s22] =	ssyncset.done $0x0  }
0xa0: {  	[sflag:s22] =	ssyncadd.s32 s4;
	_ =	sdelay $0x1  }
0xa1: {  	s23 =	simm.s32 $0x1B8B  }
0xa2: {  	_ =	swait.ge [sflag:s23], $0x1  }
0xa3: {  	[sflag:s23] =	ssyncset.done $0x0  }
0xa4: {  	s25 =	simm.s32 $0x1B8E;
	s24 =	sld [smem:$0x3FFE];
	[sflag:s23] =	ssyncadd.s32 $0xFFFFFFFF  }
0xa5: {  	s26 =	simm.s32 $execute0_lowered;
	[smem:$0x3FD2] =	sst s25  }
0xa6: {  	s5 =	sshll.u32 s26, $0x1;
	_ =	strace $0x80000049;
	[dreg:$0x1] =	wrdreg $0xFFFFFFFF  }
0xa7: {  	s28 =	simm.s32 $_size_execute0_lowered;
	s3 =	sadd.s32 s3, s5;
	[dreg:$0x0] =	wrdreg $0x0  }
0xa8: {  	s5 =	sshll.u32 s28, $0x1;
	[dreg:$0x2] =	wrdreg s3  }
0xa9: {  	[dreg:$0x3] =	wrdreg s5  }
0xaa: {  	[dreg:$0x4] =	wrdreg $0xC0  }
0xab: {  	_ =	task [dreg:s7], $0x5FFFF  }
0xac: {  	[dreg:$0x1] =	wrdreg $0xFFFFFFFF  }
0xad: {  	[dreg:$0x0] =	wrdreg $0x60  }
0xae: {  	[dreg:$0x2] =	wrdreg s24  }
0xaf: {  	[dreg:$0x3] =	wrdreg s2  }
0xb0: {  	[dreg:$0x4] =	wrdreg $0x55000  }
0xb1: {  	[dreg:$0x5] =	wrdreg $0x9  }
0xb2: {  	_ =	task.clear_ibuf [dreg:s7], $0x6FFFF;
	_ =	strace $0x90000049  }
0xb3: {  	s29 =	simm.s32 $0x9;
	_ =	strace $0x8000004B  }
0xb4: {  	_ =	swait.ge [sflag:s29], $0x1  }
0xb5: {  	[sflag:s29] =	ssyncadd.s32 $0xFFFFFFFF  }
0xb6: {  	_ =	strace $0x9000004B  }
0xb7: {  	_ =	sfence  }
0xb8: {  	s30 =	sld [smem:$0x0];
	_ =	sdelay $0x2  }
0xb9: {  	s31 =	sshll.u32 s1, $0xD;
	s1 =	sshrl.u32 s1, $0x2  }
0xba: {  	s3 =	sand.u32 $0x4000, s31;
	s1 =	sadd.s32 s1, s30  }
0xbb: {  	s0 =	sor.u32 s3, s0;
	s1 =	sshll.u32 s1, $0x11  }
0xbc: {  	s0 =	sor.u32 s1, s0  }
0xbd: {  	s0 =	sadd.s32 $0x8F2B, s0  }
0xbe: {  	[sflag:s0] =	ssyncadd.remote.s32 $0x1  }
0xbf: {  	_ =	sfence.sel $0xFFFF  }
0xc0: {  	[dreg:$0x0] =	wrdreg $0xFFFFFFFF;
	(pc) =	sbr.abs _section_cstart, $3  }
0xc1: {  	[dreg:$0x1] =	wrdreg $0xFFFFFFFF  }
0xc2: {  	_ =	task.clear_ibuf [dreg:s7], $0x2FFFF;
	_ =	strace $0x9FFFFFFF  }
0xc3: {  	(tm) =	ssettm $0x7FFFFFFF  }
tec
execute0_lowered:
.L_overlay_start_1:
0x0: {  	(tag) =	ssettag $0x1  }
0x1: {  	s0 =	rddreg [dreg:$0x0]  }
0x2: {  	s2 =	rddreg [dreg:$0x1]  }
0x3: {  	s1 =	rddreg [dreg:$0x2]  }
0x4: {  	s3 =	srdreg.scid;
	s5 =	stileid.u32;
	s28 =	simm.s32 $0x80  }
0x5: {  	s29 =	simm.s32 $0x100;
	s30 =	simm.s32 $0x1;
	s7 =	smul.u32 $0x14000, s5  }
0x6: {  	s31 =	simm.s32 $0x0;
	s20 =	sand.u32 $0x1, s3;
	s8 =	smul.u32 $0x50000, s5  }
0x7: {  	s3 =	simm.s32 $0x0;
	s4 =	sadd.s32 $0x62800, s0;
	s21 =	smul.u32 $0x13C0, s5  }
0x8: {  	s9 =	sadd.s32 $0x11E00, s0;
	s6 =	smul.u32 $0x140000, s20;
	[smem:$0x7FF] =	sst s3  }
0x9: {  	s24 =	ssub.s32 $0x2, s20;
	_ =	strace $0x8000004A;
	[dreg:$0x4] =	wrdreg s9  }
0xa: {  	s25 =	sshrl.u32 s24, $0x1;
	s8 =	sshrl.u32 s8, $0x2;
	s2 =	sadd.s32 s21, s2  }
0xb: {  	s6 =	sadd.s32 s7, s6;
	s23 =	ssub.s32 s24, s25;
	s24 =	smul.u32 $0x9E0, s20  }
0xc: {  	s25 =	simm.s32 $0x4100;
	s6 =	sshrl.u32 s6, $0x3;
	s23 =	smax.u32 s23, $0x1  }
0xd: {  	s0 =	sadd.s32 s6, s0;
	s6 =	sadd.s32 s8, s1;
	s24 =	sadd.s32 s24, s2  }
0xe: {  	s26 =	sadd.s32 $0x1400, s6;
	s8 =	sadd.s32 $0x2800, s6;
	s9 =	sadd.s32 $0x3C00, s6  }
0xf: {  	s10 =	sadd.s32 $0x5000, s6;
	s11 =	sadd.s32 $0x6400, s6;
	s12 =	sadd.s32 $0x7800, s6  }
0x10: {  	s13 =	sadd.s32 $0x8C00, s6;
	s14 =	sadd.s32 $0xA000, s6;
	s15 =	sadd.s32 $0xB400, s6  }
0x11: {  	s16 =	sadd.s32 $0xC800, s6;
	s17 =	sadd.s32 $0xDC00, s6;
	s18 =	sadd.s32 $0xF000, s6  }
0x12: {  	s19 =	sadd.s32 $0x10400, s6;
	s20 =	sadd.s32 $0x11800, s6;
	s21 =	sadd.s32 $0x12C00, s6  }
0x13: {  	s22 =	sadd.s32 $0x89A00, s0;
	[dreg:$0x5] =	wrdreg s26;
	s26 =	simm.s32 $0x2  }
.LBB2_1:
0x14: {  	s0 =	rddreg [dreg:$0x4]  }
0x15: {  	[tilespmem:s25], [sflag:$0x2] =	stream.linear.gather [hbm4b:s0+s3], $0x1400, $0x38;
	[tilespmem:$0x19500] =	vst v63  }
0x16: {  	_ =	swait.ge [sflag:s26], $0x1400  }
0x17: {  	[sflag:s26] =	ssyncset.done $0x0  }
0x18: {  	[sflag:s26] =	ssyncadd.s32 $0xFFFFEC00  }
0x19: {  	[spmem:s6] =	stream.linear.scatter [tilespmem:s25], [sflag:$0x2], $0x1400, $0x38;
	[tilespmem:$0x19500] =	vst v63  }
0x1a: {  	_ =	swait.ge [sflag:s26], $0x1400  }
0x1b: {  	[sflag:s26] =	ssyncset.done $0x0  }
0x1c: {  	s5 =	rddreg [dreg:$0x5];
	[sflag:s26] =	ssyncadd.s32 $0xFFFFEC00  }
0x1d: {  	[spmem:s5] =	stream.linear.scatter [tilespmem:s25], [sflag:$0x2], $0x1400, $0x38;
	[tilespmem:$0x19500] =	vst v63  }
0x1e: {  	_ =	swait.ge [sflag:s26], $0x1400  }
0x1f: {  	[sflag:s26] =	ssyncset.done $0x0  }
0x20: {  	[sflag:s26] =	ssyncadd.s32 $0xFFFFEC00  }
0x21: {  	[spmem:s8] =	stream.linear.scatter [tilespmem:s25], [sflag:$0x2], $0x1400, $0x38;
	[tilespmem:$0x19500] =	vst v63  }
0x22: {  	_ =	swait.ge [sflag:s26], $0x1400  }
0x23: {  	[sflag:s26] =	ssyncset.done $0x0  }
0x24: {  	[sflag:s26] =	ssyncadd.s32 $0xFFFFEC00  }
0x25: {  	[spmem:s9] =	stream.linear.scatter [tilespmem:s25], [sflag:$0x2], $0x1400, $0x38;
	[tilespmem:$0x19500] =	vst v63  }
0x26: {  	_ =	swait.ge [sflag:s26], $0x1400  }
0x27: {  	[sflag:s26] =	ssyncset.done $0x0  }
0x28: {  	[sflag:s26] =	ssyncadd.s32 $0xFFFFEC00  }
0x29: {  	[spmem:s10] =	stream.linear.scatter [tilespmem:s25], [sflag:$0x2], $0x1400, $0x38;
	[tilespmem:$0x19500] =	vst v63  }
0x2a: {  	_ =	swait.ge [sflag:s26], $0x1400  }
0x2b: {  	[sflag:s26] =	ssyncset.done $0x0  }
0x2c: {  	[sflag:s26] =	ssyncadd.s32 $0xFFFFEC00  }
0x2d: {  	[spmem:s11] =	stream.linear.scatter [tilespmem:s25], [sflag:$0x2], $0x1400, $0x38;
	[tilespmem:$0x19500] =	vst v63  }
0x2e: {  	_ =	swait.ge [sflag:s26], $0x1400  }
0x2f: {  	[sflag:s26] =	ssyncset.done $0x0  }
0x30: {  	[sflag:s26] =	ssyncadd.s32 $0xFFFFEC00  }
0x31: {  	[spmem:s12] =	stream.linear.scatter [tilespmem:s25], [sflag:$0x2], $0x1400, $0x38;
	[tilespmem:$0x19500] =	vst v63  }
0x32: {  	_ =	swait.ge [sflag:s26], $0x1400  }
0x33: {  	[sflag:s26] =	ssyncset.done $0x0  }
0x34: {  	[sflag:s26] =	ssyncadd.s32 $0xFFFFEC00  }
0x35: {  	[spmem:s13] =	stream.linear.scatter [tilespmem:s25], [sflag:$0x2], $0x1400, $0x38;
	[tilespmem:$0x19500] =	vst v63  }
0x36: {  	_ =	swait.ge [sflag:s26], $0x1400  }
0x37: {  	[sflag:s26] =	ssyncset.done $0x0  }
0x38: {  	[sflag:s26] =	ssyncadd.s32 $0xFFFFEC00  }
0x39: {  	[spmem:s14] =	stream.linear.scatter [tilespmem:s25], [sflag:$0x2], $0x1400, $0x38;
	[tilespmem:$0x19500] =	vst v63  }
0x3a: {  	_ =	swait.ge [sflag:s26], $0x1400  }
0x3b: {  	[sflag:s26] =	ssyncset.done $0x0  }
0x3c: {  	[sflag:s26] =	ssyncadd.s32 $0xFFFFEC00  }
0x3d: {  	[spmem:s15] =	stream.linear.scatter [tilespmem:s25], [sflag:$0x2], $0x1400, $0x38;
	[tilespmem:$0x19500] =	vst v63  }
0x3e: {  	_ =	swait.ge [sflag:s26], $0x1400  }
0x3f: {  	[sflag:s26] =	ssyncset.done $0x0  }
0x40: {  	[sflag:s26] =	ssyncadd.s32 $0xFFFFEC00  }
0x41: {  	[spmem:s16] =	stream.linear.scatter [tilespmem:s25], [sflag:$0x2], $0x1400, $0x38;
	[tilespmem:$0x19500] =	vst v63  }
0x42: {  	_ =	swait.ge [sflag:s26], $0x1400  }
0x43: {  	[sflag:s26] =	ssyncset.done $0x0  }
0x44: {  	[sflag:s26] =	ssyncadd.s32 $0xFFFFEC00  }
0x45: {  	[spmem:s17] =	stream.linear.scatter [tilespmem:s25], [sflag:$0x2], $0x1400, $0x38;
	[tilespmem:$0x19500] =	vst v63  }
0x46: {  	_ =	swait.ge [sflag:s26], $0x1400  }
0x47: {  	[sflag:s26] =	ssyncset.done $0x0  }
0x48: {  	[sflag:s26] =	ssyncadd.s32 $0xFFFFEC00  }
0x49: {  	[spmem:s18] =	stream.linear.scatter [tilespmem:s25], [sflag:$0x2], $0x1400, $0x38;
	[tilespmem:$0x19500] =	vst v63  }
0x4a: {  	_ =	swait.ge [sflag:s26], $0x1400  }
0x4b: {  	[sflag:s26] =	ssyncset.done $0x0  }
0x4c: {  	[sflag:s26] =	ssyncadd.s32 $0xFFFFEC00  }
0x4d: {  	[spmem:s19] =	stream.linear.scatter [tilespmem:s25], [sflag:$0x2], $0x1400, $0x38;
	[tilespmem:$0x19500] =	vst v63  }
0x4e: {  	_ =	swait.ge [sflag:s26], $0x1400  }
0x4f: {  	[sflag:s26] =	ssyncset.done $0x0  }
0x50: {  	[sflag:s26] =	ssyncadd.s32 $0xFFFFEC00  }
0x51: {  	[spmem:s20] =	stream.linear.scatter [tilespmem:s25], [sflag:$0x2], $0x1400, $0x38;
	[tilespmem:$0x19500] =	vst v63  }
0x52: {  	_ =	swait.ge [sflag:s26], $0x1400  }
0x53: {  	[sflag:s26] =	ssyncset.done $0x0  }
0x54: {  	[sflag:s26] =	ssyncadd.s32 $0xFFFFEC00  }
0x55: {  	[spmem:s21] =	stream.linear.scatter [tilespmem:s25], [sflag:$0x2], $0x1400, $0x38;
	[tilespmem:$0x19500] =	vst v63  }
0x56: {  	_ =	swait.ge [sflag:s26], $0x1400  }
0x57: {  	[sflag:s26] =	ssyncset.done $0x0  }
0x58: {  	[sflag:s26] =	ssyncadd.s32 $0xFFFFEC00  }
0x59: {  	s7 =	sadd.s32 $0x0, s24;
	[bflag:$0x0] =	sbarrier.arrive $0xFFFF  }
0x5a: {  	[tilespmem:s3], [sflag:$0x2] =	stream.linear.gather [hbm4b:s7+s3], $0x100, $0x38;
	[tilespmem:$0x19500] =	vst v63  }
0x5b: {  	_ =	swait.ge [sflag:s26], $0x100  }
0x5c: {  	[sflag:s26] =	ssyncset.done $0x0  }
0x5d: {  	[sflag:s26] =	ssyncadd.s32 $0xFFFFFF00  }
0x5e: {  	[tilespmem:s29], [sflag:$0x1] =	stream.indirect.gather [hbm4b:s4+s28], $0x80, s3, s28, $0xb8;
	[tilespmem:$0x19500] =	vst v63  }
0x5f: {  	_ =	swait.ge [sflag:s30], $0x4000  }
0x60: {  	[sflag:s30] =	ssyncset.done $0x0  }
0x61: {  	[sflag:s30] =	ssyncadd.s32 $0xFFFFC000  }
0x62: {  	[spmem:s1] =	stream.indirect.scatter.add.f32 [tilespmem:s29], [sflag:$0x2], $0x80, s28, s28, $0xb8;
	[tilespmem:$0x19500] =	vst v63  }
0x63: {  	_ =	swait.ge [sflag:s26], $0x4000  }
0x64: {  	s2 =	simm.s32 $0x40;
	s0 =	simm.s32 $0x20;
	[sflag:s26] =	ssyncset.done $0x0  }
.LBB2_2:
0x65: {  	s5 =	sadd.s32 s0, s24  }
0x66: {  	[sflag:s26] =	ssyncadd.s32 $0xFFFFC000;
	s0 =	smov.u32 s2;
	s7 =	sadd.s32 $0x20, s2  }
0x67: {  	[tilespmem:s3], [sflag:$0x2] =	stream.linear.gather [hbm4b:s5+s3], $0x100, $0x38;
	[tilespmem:$0x19500] =	vst v63  }
0x68: {  	p0 =	sne.s32 s2, $0x9C0;
	_ =	swait.ge [sflag:s26], $0x100  }
0x69: {  	[sflag:s26] =	ssyncset.done $0x0  }
0x6a: {  	[sflag:s26] =	ssyncadd.s32 $0xFFFFFF00  }
0x6b: {  	[tilespmem:s29], [sflag:$0x1] =	stream.indirect.gather [hbm4b:s4+s28], $0x80, s3, s28, $0xb8;
	[tilespmem:$0x19500] =	vst v63  }
0x6c: {  	_ =	swait.ge [sflag:s30], $0x4000  }
.Ltmp0:
0x6d: {  	[sflag:s30] =	ssyncset.done $0x0;
	(pc) =	sbr.rel @p0 .LBB2_2-.Ltmp0, $4  }
0x6e: {  	[sflag:s30] =	ssyncadd.s32 $0xFFFFC000  }
0x6f: {  	[spmem:s1] =	stream.indirect.scatter.add.f32 [tilespmem:s29], [sflag:$0x2], $0x80, s28, s28, $0xb8;
	[tilespmem:$0x19500] =	vst v63  }
0x70: {  	_ =	swait.ge [sflag:s26], $0x4000  }
0x71: {  	s2 =	smov.u32 s7;
	[sflag:s26] =	ssyncset.done $0x0  }
0x72: {  	s0 =	sadd.s32 s0, s24;
	[sflag:s26] =	ssyncadd.s32 $0xFFFFC000  }
0x73: {  	[tilespmem:s3], [sflag:$0x2] =	stream.linear.gather [hbm4b:s0+s3], $0x100, $0x38;
	[tilespmem:$0x19500] =	vst v63  }
0x74: {  	_ =	swait.ge [sflag:s26], $0x100  }
0x75: {  	[sflag:s26] =	ssyncset.done $0x0  }
0x76: {  	[sflag:s26] =	ssyncadd.s32 $0xFFFFFF00  }
0x77: {  	[tilespmem:s29], [sflag:$0x1] =	stream.indirect.gather [hbm4b:s4+s28], $0x80, s3, s28, $0xb8;
	[tilespmem:$0x19500] =	vst v63  }
0x78: {  	_ =	swait.ge [sflag:s30], $0x4000  }
0x79: {  	[sflag:s30] =	ssyncset.done $0x0  }
0x7a: {  	[sflag:s30] =	ssyncadd.s32 $0xFFFFC000  }
0x7b: {  	[spmem:s1] =	stream.indirect.scatter.add.f32 [tilespmem:s29], [sflag:$0x2], $0x80, s28, s28, $0xb8;
	[tilespmem:$0x19500] =	vst v63  }
0x7c: {  	s7 =	stileid.u32;
	_ =	swait.ge [sflag:s26], $0x4000  }
0x7d: {  	s2 =	sshrl.u32 s6, $0x3;
	s31 =	sadd.s32 $0x1, s31;
	[sflag:s26] =	ssyncset.done $0x0  }
0x7e: {  	s0 =	sshll.u32 s7, $0x6;
	p0 =	sne.s32 s31, s23;
	[sflag:s26] =	ssyncadd.s32 $0xFFFFC000  }
.Ltmp1:
0x7f: {  	s0 =	sor.u32 $0x1C02, s0;
	[bflag:$0x0] =	sbarrier.arrive $0xFFFF;
	(pc) =	sbr.rel @p0 .LBB2_1-.Ltmp1, $4  }
0x80: {  	[hbm:s22], [sflag:s0] =	dma.local [spmem:s2], $0x2800  }
0x81: {  	_ =	swait.ge [sflag:s26], $0x2800  }
0x82: {  	[sflag:s26] =	ssyncset.done $0x0  }
0x83: {  	[sflag:s26] =	ssyncadd.s32 $0xFFFFD800  }
0x84: {  	_ =	sfence.sel $0x180000  }
0x85: {  	[bflag:$0x0] =	sbarrier.arrive $0xFFFF  }
0x86: {  	_ =	strace $0x9000004A  }
0x87: {  	s0 =	stileid.u32;
	[bflag:$0x2] =	sbarrier.arrive $0xFFFF  }
0x88: {  	p0 =	sne.s32 s0, $0x0;
	s0 =	rddreg [dreg:$0x3]  }
0x89: {  	s0 =	sadd.s32 @!p0 $0x100000, s0  }
0x8a: {  	[sflag:s0] =	ssyncadd.tile.s32 @!p0 $0x1;
	_ =	shalt  }
.Lfunc_end2:
_tile_overlayer_lowered:
.L_overlay_start_2:
0x8b: {  	(tag) =	ssettag $0x2  }
0x8c: {  	s0 =	rddreg [dreg:$0x0];
	s2 =	stileid.u32  }
0x8d: {  	s1 =	rddreg [dreg:$0x1];
	p0 =	sne.s32 s2, $0x0  }
0x8e: {  	s3 =	rddreg [dreg:$0x2];
	[bflag:$0x3] =	sbarrier.arrive $0xFFFF;
	s2 =	simm.s32 @!p0 $0x1C02  }
0x8f: {  	[timem:s3], [sflag:s2] =	dma.local @!p0 [hbm:s0], s1  }
0x90: {  	s0 =	simm.s32 @!p0 $0x2  }
0x91: {  	_ =	swait.ge @!p0 [sflag:s0], s1  }
0x92: {  	s1 =	ssub.s32 @!p0 $0x0, s1;
	[sflag:s0] =	ssyncset.done @!p0 $0x0  }
0x93: {  	[sflag:s0] =	ssyncadd.s32 @!p0 s1  }
0x94: {  	[bflag:$0x3] =	sbarrier.arrive $0xFFFF  }
0x95: {  	_ =	shalt  }

// kernel: kernel.15.cloned.1.call-start
scs
__scs_entry_jumppad:
0x0: {  	(pc) =	sbr.rel $0x88, $3  }
0x1: {  	(tag) =	ssettag $0x0;
	lr =	simm.s32 $0x1  }
0x2: {  	[smem:$0x3F9B] =	sst lr;
	_ =	strace $0xD0000000  }
0x3: {  	_ = 	snop  }
0x4: {  	_ = 	snop  }
0x5: {  	_ = 	snop  }
0x6: {  	_ = 	snop  }
0x7: {  	_ = 	snop  }
__scs_overlays_trampoline_lowered:
0x8: {  	[smem:$0x3FAA] =	sst s0  }
0x9: {  	[smem:$0x3FAB] =	sst s1  }
0xa: {  	[smem:$0x3FAC] =	sst s2  }
0xb: {  	[smem:$0x3FAD] =	sst s3  }
0xc: {  	[smem:$0x3FAE] =	sst s4  }
0xd: {  	[smem:$0x3FAF] =	sst s5  }
0xe: {  	[smem:$0x3FB0] =	sst s6  }
0xf: {  	[smem:$0x3FB1] =	sst s7  }
0x10: {  	[smem:$0x3FB2] =	sst s8  }
0x11: {  	[smem:$0x3FB3] =	sst s9;
	s0 =	simm.s32 @!p0 $0x0  }
0x12: {  	s1 =	sld [smem:$0x3F99];
	s0 =	simm.s32 @p0 $0x1  }
0x13: {  	[smem:$0x3FB4] =	sst s0;
	s0 =	simm.s32 @!p1 $0x0  }
0x14: {  	s2 =	sld [smem:$0x3F98];
	s0 =	simm.s32 @p1 $0x1  }
0x15: {  	[smem:$0x3FB5] =	sst s0;
	s0 =	simm.s32 @!p2 $0x0  }
0x16: {  	s3 =	sld [smem:$0x3FDB];
	s0 =	simm.s32 @p2 $0x1  }
0x17: {  	s4 =	simm.s32 $0x1BF5;
	[smem:$0x3FB7] =	sst s0  }
0x18: {  	s0 =	sld [smem:$0x3F9A];
	_ =	swait.ge [sflag:s4], $0x0  }
0x19: {  	s7 =	sld [smem:$0x3F9B]  }
0x1a: {  	s8 =	sadd.s32 $0xFFFFE003, lr  }
0x1b: {  	s9 =	sadd.s32 $0xFFFFFEF7, lr;
	s5 =	simm.s32 $0xFFFFFFFF;
	p2 =	slt.u32 s8, $0xFFFFF086  }
0x1c: {  	p1 =	slt.u32 s9, $0xF7A;
	s5 =	simm.s32 @!p2 $0x0  }
0x1d: {  	s5 =	simm.s32 @p1 $0x1;
	p0 =	seq.s32 s7, s2  }
0x1e: {  	s7 =	smul.u32 @!p0 $0xF7A, s2;
	p2 =	seq.s32 @!p0 s5, $0x0  }
0x1f: {  	s9 =	smul.u32 $0xF7A, s1;
	s8 =	simm.s32 @!p0 $0x1BF5;
	p2 =	por !p2, p0  }
0x20: {  	[sflag:s8] =	ssyncset.s32 @!p0 $0xFFFFF086;
	s6 =	sadd.s32 @!p0 s3, s7;
	s7 =	simm.s32 @!p0 $0x108  }
0x21: {  	s3 =	sadd.s32 s3, s9;
	s6 =	sadd.s32 @!p0 $0x88, s6;
	s7 =	simm.s32 @p2 $0x1082  }
0x22: {  	[simem:s7], [sflag:s8] =	dma.local @!p0 [hbm:s6], $0xF7A  }
0x23: {  	s9 =	sor.u32 $0xD0000000, s2;
	s6 =	simm.s32 $0x108;
	_ =	swait.ge @!p0 [sflag:s8], $0x0  }
0x24: {  	s3 =	sadd.s32 $0x88, s3;
	s6 =	simm.s32 @!p1 $0x1082;
	[sflag:s4] =	ssyncset.s32 $0xFFFFF086  }
0x25: {  	[simem:s6], [sflag:s4] =	dma.local [hbm:s3], $0xF7A  }
0x26: {  	[smem:$0x3F9B] =	sst s1;
	(tag) =	ssettag s2;
	_ =	strace s9  }
0x27: {  	s1 =	sld [smem:$0x3FAB]  }
0x28: {  	s2 =	sld [smem:$0x3FAC]  }
0x29: {  	s4 =	sld [smem:$0x3FAE]  }
0x2a: {  	p0 =	seq.s32 s5, $0x0;
	s5 =	sld [smem:$0x3FAF]  }
0x2b: {  	s6 =	sld [smem:$0x3FB0]  }
0x2c: {  	s7 =	sld [smem:$0x3FB1]  }
0x2d: {  	s3 =	simm.s32 $0x108;
	s8 =	sld [smem:$0x3FB2]  }
0x2e: {  	s3 =	simm.s32 @!p0 $0x1082;
	s9 =	sld [smem:$0x3FB3]  }
0x2f: {  	lr =	sadd.s32 s0, s3;
	s0 =	sld [smem:$0x3FAA]  }
0x30: {  	s3 =	sld [smem:$0x3FAD]  }
0x31: {  	[smem:$0x3FB6] =	sst s10  }
0x32: {  	s10 =	sld [smem:$0x3FB4];
	_ =	sdelay $0x3  }
0x33: {  	p0 =	seq.s32 s10, $0x1;
	s10 =	sld [smem:$0x3FB6];
	_ =	sdelay $0x3  }
0x34: {  	[smem:$0x3FB6] =	sst s10  }
0x35: {  	s10 =	sld [smem:$0x3FB5];
	_ =	sdelay $0x3  }
0x36: {  	p1 =	seq.s32 s10, $0x1;
	s10 =	sld [smem:$0x3FB6];
	_ =	sdelay $0x3  }
0x37: {  	[smem:$0x3FB6] =	sst s10  }
0x38: {  	s10 =	sld [smem:$0x3FB7]  }
0x39: {  	_ = 	snop;
	(pc) =	sbr.ind lr, $3  }
0x3a: {  	_ = 	snop  }
0x3b: {  	_ = 	snop  }
0x3c: {  	p2 =	seq.s32 s10, $0x1;
	s10 =	sld [smem:$0x3FB6]  }
0x3d: {  	_ =	shalt  }
0x3e: {  	_ =	shalt  }
0x3f: {  	_ =	shalt  }
0x40: {  	_ =	shalt  }
0x41: {  	_ =	shalt  }
0x42: {  	_ =	shalt  }
0x43: {  	_ =	shalt  }
0x44: {  	_ =	shalt  }
0x45: {  	_ =	shalt  }
0x46: {  	_ =	shalt  }
0x47: {  	_ =	shalt  }
0x48: {  	_ =	shalt  }
0x49: {  	_ =	shalt  }
0x4a: {  	_ =	shalt  }
0x4b: {  	_ =	shalt  }
0x4c: {  	_ =	shalt  }
0x4d: {  	_ =	shalt  }
0x4e: {  	_ =	shalt  }
0x4f: {  	_ =	shalt  }
0x50: {  	_ =	shalt  }
0x51: {  	_ =	shalt  }
0x52: {  	_ =	shalt  }
0x53: {  	_ =	shalt  }
0x54: {  	_ =	shalt  }
0x55: {  	_ =	shalt  }
0x56: {  	_ =	shalt  }
0x57: {  	_ =	shalt  }
0x58: {  	_ =	shalt  }
0x59: {  	_ =	shalt  }
0x5a: {  	_ =	shalt  }
0x5b: {  	_ =	shalt  }
0x5c: {  	_ =	shalt  }
0x5d: {  	_ =	shalt  }
0x5e: {  	_ =	shalt  }
0x5f: {  	_ =	shalt  }
0x60: {  	_ =	shalt  }
0x61: {  	_ =	shalt  }
0x62: {  	_ =	shalt  }
0x63: {  	_ =	shalt  }
0x64: {  	_ =	shalt  }
0x65: {  	_ =	shalt  }
0x66: {  	_ =	shalt  }
0x67: {  	_ =	shalt  }
0x68: {  	_ =	shalt  }
0x69: {  	_ =	shalt  }
0x6a: {  	_ =	shalt  }
0x6b: {  	_ =	shalt  }
0x6c: {  	_ =	shalt  }
0x6d: {  	_ =	shalt  }
0x6e: {  	_ =	shalt  }
0x6f: {  	_ =	shalt  }
0x70: {  	_ =	shalt  }
0x71: {  	_ =	shalt  }
0x72: {  	_ =	shalt  }
0x73: {  	_ =	shalt  }
0x74: {  	_ =	shalt  }
0x75: {  	_ =	shalt  }
0x76: {  	_ =	shalt  }
0x77: {  	_ =	shalt  }
0x78: {  	_ =	shalt  }
0x79: {  	_ =	shalt  }
0x7a: {  	_ =	shalt  }
0x7b: {  	_ =	shalt  }
0x7c: {  	_ =	shalt  }
0x7d: {  	_ =	shalt  }
0x7e: {  	_ =	shalt  }
0x7f: {  	_ =	shalt  }
0x80: {  	_ =	shalt  }
0x81: {  	_ =	shalt  }
0x82: {  	_ =	shalt  }
0x83: {  	_ =	shalt  }
0x84: {  	_ =	shalt  }
0x85: {  	_ =	shalt  }
0x86: {  	_ =	shalt  }
0x87: {  	_ =	shalt  }
.Lfunc_end0:
.L_simem_size_0:
called_computation.2_lowered:
.L_overlay_start_0:
0x88: {  	s2 =	sld [smem:$0x3FD9]  }
0x89: {  	s3 =	sld [smem:$0x3FFE];
	_ =	sdelay $0x1  }
0x8a: {  	s1 =	srdreg.scid  }
0x8b: {  	s0 =	sand.u32 $0x1, s1  }
0x8c: {  	s17 =	sshll.u32 s0, $0xA;
	s2 =	sadd.s32 s3, s2  }
0x8d: {  	s2 =	sadd.s32 s2, s17  }
0x8e: {  	[smem:$0x3FC2] =	sst s2  }
0x8f: {  	_ = 	snop  }
0x90: {  	s2 =	sld [smem:$0x3FD0];
	(tm) =	ssettm $0x1  }
0x91: {  	s18 =	sld [smem:$0x3FFB];
	_ =	sdelay $0x3  }
0x92: {  	_ =	strace s18  }
0x93: {  	s3 =	sld [smem:$0x3FFC];
	_ =	sdelay $0x3  }
0x94: {  	_ =	strace s3  }
0x95: {  	s3 =	sld [smem:$0x3FFD];
	_ =	sdelay $0x3  }
0x96: {  	_ =	strace s3  }
0x97: {  	_ =	strace $0x8FFFFFFF  }
0x98: {  	s19 =	sld [smem:$0x3FDB];
	_ =	sdelay $0x1  }
0x99: {  	s4 =	simm.s32 $_scs_section_size  }
0x9a: {  	s5 =	simm.s32 $_size__tile_overlayer_lowered;
	s6 =	simm.s32 $_tile_overlayer_lowered  }
0x9b: {  	s22 =	simm.s32 $0x1BFF;
	s21 =	sshll.u32 s6, $0x1;
	s3 =	sadd.s32 s4, s19  }
0x9c: {  	s7 =	simm.s32 $0x0;
	s20 =	sshll.u32 s5, $0x1;
	s5 =	sadd.s32 s21, s3  }
0x9d: {  	[timem:s7], [sflag:s22] =	dma.local [hbm:s5], s20  }
0x9e: {  	_ =	swait.ge [sflag:s22], s20  }
0x9f: {  	s4 =	ssub.s32 $0x0, s20;
	[sflag:s22] =	ssyncset.done $0x0  }
0xa0: {  	[sflag:s22] =	ssyncadd.s32 s4;
	_ =	sdelay $0x1  }
0xa1: {  	s23 =	simm.s32 $0x1B8B  }
0xa2: {  	_ =	swait.ge [sflag:s23], $0x1  }
0xa3: {  	[sflag:s23] =	ssyncset.done $0x0  }
0xa4: {  	s25 =	simm.s32 $0x1B8E;
	s24 =	sld [smem:$0x3FFE];
	[sflag:s23] =	ssyncadd.s32 $0xFFFFFFFF  }
0xa5: {  	s26 =	simm.s32 $execute0_lowered;
	[smem:$0x3FD2] =	sst s25  }
0xa6: {  	s5 =	sshll.u32 s26, $0x1;
	_ =	strace $0x8000004C;
	[dreg:$0x1] =	wrdreg $0xFFFFFFFF  }
0xa7: {  	s28 =	simm.s32 $_size_execute0_lowered;
	s3 =	sadd.s32 s3, s5;
	[dreg:$0x0] =	wrdreg $0x0  }
0xa8: {  	s5 =	sshll.u32 s28, $0x1;
	[dreg:$0x2] =	wrdreg s3  }
0xa9: {  	[dreg:$0x3] =	wrdreg s5  }
0xaa: {  	[dreg:$0x4] =	wrdreg $0xC0  }
0xab: {  	_ =	task [dreg:s7], $0x5FFFF  }
0xac: {  	[dreg:$0x1] =	wrdreg $0xFFFFFFFF  }
0xad: {  	[dreg:$0x0] =	wrdreg $0x60  }
0xae: {  	[dreg:$0x2] =	wrdreg s24  }
0xaf: {  	[dreg:$0x3] =	wrdreg s2  }
0xb0: {  	[dreg:$0x4] =	wrdreg $0x55000  }
0xb1: {  	[dreg:$0x5] =	wrdreg $0x9  }
0xb2: {  	_ =	task.clear_ibuf [dreg:s7], $0x6FFFF;
	_ =	strace $0x9000004C  }
0xb3: {  	s29 =	simm.s32 $0x9;
	_ =	strace $0x8000004E  }
0xb4: {  	_ =	swait.ge [sflag:s29], $0x1  }
0xb5: {  	[sflag:s29] =	ssyncadd.s32 $0xFFFFFFFF  }
0xb6: {  	_ =	strace $0x9000004E  }
0xb7: {  	_ =	sfence  }
0xb8: {  	s30 =	sld [smem:$0x0];
	_ =	sdelay $0x2  }
0xb9: {  	s31 =	sshll.u32 s1, $0xD;
	s1 =	sshrl.u32 s1, $0x2  }
0xba: {  	s3 =	sand.u32 $0x4000, s31;
	s1 =	sadd.s32 s1, s30  }
0xbb: {  	s0 =	sor.u32 s3, s0;
	s1 =	sshll.u32 s1, $0x11  }
0xbc: {  	s0 =	sor.u32 s1, s0  }
0xbd: {  	s0 =	sadd.s32 $0x8F2B, s0  }
0xbe: {  	[sflag:s0] =	ssyncadd.remote.s32 $0x1  }
0xbf: {  	_ =	sfence.sel $0xFFFF  }
0xc0: {  	[dreg:$0x0] =	wrdreg $0xFFFFFFFF;
	(pc) =	sbr.abs _section_cstart, $3  }
0xc1: {  	[dreg:$0x1] =	wrdreg $0xFFFFFFFF  }
0xc2: {  	_ =	task.clear_ibuf [dreg:s7], $0x2FFFF;
	_ =	strace $0x9FFFFFFF  }
0xc3: {  	(tm) =	ssettm $0x7FFFFFFF  }
tec
execute0_lowered:
.L_overlay_start_1:
0x0: {  	(tag) =	ssettag $0x1  }
0x1: {  	s0 =	rddreg [dreg:$0x0]  }
0x2: {  	s2 =	rddreg [dreg:$0x1]  }
0x3: {  	s1 =	rddreg [dreg:$0x2]  }
0x4: {  	s3 =	srdreg.scid;
	s5 =	stileid.u32;
	s28 =	simm.s32 $0x80  }
0x5: {  	s29 =	simm.s32 $0x100;
	s30 =	simm.s32 $0x1;
	s7 =	smul.u32 $0x14000, s5  }
0x6: {  	s31 =	simm.s32 $0x0;
	s20 =	sand.u32 $0x1, s3;
	s8 =	smul.u32 $0x50000, s5  }
0x7: {  	s3 =	simm.s32 $0x0;
	s4 =	sadd.s32 $0x62800, s0;
	s21 =	smul.u32 $0x13C0, s5  }
0x8: {  	s9 =	sadd.s32 $0x11E00, s0;
	s6 =	smul.u32 $0x140000, s20;
	[smem:$0x7FF] =	sst s3  }
0x9: {  	s24 =	ssub.s32 $0x2, s20;
	_ =	strace $0x8000004D;
	[dreg:$0x4] =	wrdreg s9  }
0xa: {  	s25 =	sshrl.u32 s24, $0x1;
	s8 =	sshrl.u32 s8, $0x2;
	s2 =	sadd.s32 s21, s2  }
0xb: {  	s6 =	sadd.s32 s7, s6;
	s23 =	ssub.s32 s24, s25;
	s24 =	smul.u32 $0x9E0, s20  }
0xc: {  	s25 =	simm.s32 $0x4100;
	s6 =	sshrl.u32 s6, $0x3;
	s23 =	smax.u32 s23, $0x1  }
0xd: {  	s0 =	sadd.s32 s6, s0;
	s6 =	sadd.s32 s8, s1;
	s24 =	sadd.s32 s24, s2  }
0xe: {  	s26 =	sadd.s32 $0x1400, s6;
	s8 =	sadd.s32 $0x2800, s6;
	s9 =	sadd.s32 $0x3C00, s6  }
0xf: {  	s10 =	sadd.s32 $0x5000, s6;
	s11 =	sadd.s32 $0x6400, s6;
	s12 =	sadd.s32 $0x7800, s6  }
0x10: {  	s13 =	sadd.s32 $0x8C00, s6;
	s14 =	sadd.s32 $0xA000, s6;
	s15 =	sadd.s32 $0xB400, s6  }
0x11: {  	s16 =	sadd.s32 $0xC800, s6;
	s17 =	sadd.s32 $0xDC00, s6;
	s18 =	sadd.s32 $0xF000, s6  }
0x12: {  	s19 =	sadd.s32 $0x10400, s6;
	s20 =	sadd.s32 $0x11800, s6;
	s21 =	sadd.s32 $0x12C00, s6  }
0x13: {  	s22 =	sadd.s32 $0x89A00, s0;
	[dreg:$0x5] =	wrdreg s26;
	s26 =	simm.s32 $0x2  }
.LBB2_1:
0x14: {  	s0 =	rddreg [dreg:$0x4]  }
0x15: {  	[tilespmem:s25], [sflag:$0x2] =	stream.linear.gather [hbm4b:s0+s3], $0x1400, $0x38;
	[tilespmem:$0x19500] =	vst v63  }
0x16: {  	_ =	swait.ge [sflag:s26], $0x1400  }
0x17: {  	[sflag:s26] =	ssyncset.done $0x0  }
0x18: {  	[sflag:s26] =	ssyncadd.s32 $0xFFFFEC00  }
0x19: {  	[spmem:s6] =	stream.linear.scatter [tilespmem:s25], [sflag:$0x2], $0x1400, $0x38;
	[tilespmem:$0x19500] =	vst v63  }
0x1a: {  	_ =	swait.ge [sflag:s26], $0x1400  }
0x1b: {  	[sflag:s26] =	ssyncset.done $0x0  }
0x1c: {  	s5 =	rddreg [dreg:$0x5];
	[sflag:s26] =	ssyncadd.s32 $0xFFFFEC00  }
0x1d: {  	[spmem:s5] =	stream.linear.scatter [tilespmem:s25], [sflag:$0x2], $0x1400, $0x38;
	[tilespmem:$0x19500] =	vst v63  }
0x1e: {  	_ =	swait.ge [sflag:s26], $0x1400  }
0x1f: {  	[sflag:s26] =	ssyncset.done $0x0  }
0x20: {  	[sflag:s26] =	ssyncadd.s32 $0xFFFFEC00  }
0x21: {  	[spmem:s8] =	stream.linear.scatter [tilespmem:s25], [sflag:$0x2], $0x1400, $0x38;
	[tilespmem:$0x19500] =	vst v63  }
0x22: {  	_ =	swait.ge [sflag:s26], $0x1400  }
0x23: {  	[sflag:s26] =	ssyncset.done $0x0  }
0x24: {  	[sflag:s26] =	ssyncadd.s32 $0xFFFFEC00  }
0x25: {  	[spmem:s9] =	stream.linear.scatter [tilespmem:s25], [sflag:$0x2], $0x1400, $0x38;
	[tilespmem:$0x19500] =	vst v63  }
0x26: {  	_ =	swait.ge [sflag:s26], $0x1400  }
0x27: {  	[sflag:s26] =	ssyncset.done $0x0  }
0x28: {  	[sflag:s26] =	ssyncadd.s32 $0xFFFFEC00  }
0x29: {  	[spmem:s10] =	stream.linear.scatter [tilespmem:s25], [sflag:$0x2], $0x1400, $0x38;
	[tilespmem:$0x19500] =	vst v63  }
0x2a: {  	_ =	swait.ge [sflag:s26], $0x1400  }
0x2b: {  	[sflag:s26] =	ssyncset.done $0x0  }
0x2c: {  	[sflag:s26] =	ssyncadd.s32 $0xFFFFEC00  }
0x2d: {  	[spmem:s11] =	stream.linear.scatter [tilespmem:s25], [sflag:$0x2], $0x1400, $0x38;
	[tilespmem:$0x19500] =	vst v63  }
0x2e: {  	_ =	swait.ge [sflag:s26], $0x1400  }
0x2f: {  	[sflag:s26] =	ssyncset.done $0x0  }
0x30: {  	[sflag:s26] =	ssyncadd.s32 $0xFFFFEC00  }
0x31: {  	[spmem:s12] =	stream.linear.scatter [tilespmem:s25], [sflag:$0x2], $0x1400, $0x38;
	[tilespmem:$0x19500] =	vst v63  }
0x32: {  	_ =	swait.ge [sflag:s26], $0x1400  }
0x33: {  	[sflag:s26] =	ssyncset.done $0x0  }
0x34: {  	[sflag:s26] =	ssyncadd.s32 $0xFFFFEC00  }
0x35: {  	[spmem:s13] =	stream.linear.scatter [tilespmem:s25], [sflag:$0x2], $0x1400, $0x38;
	[tilespmem:$0x19500] =	vst v63  }
0x36: {  	_ =	swait.ge [sflag:s26], $0x1400  }
0x37: {  	[sflag:s26] =	ssyncset.done $0x0  }
0x38: {  	[sflag:s26] =	ssyncadd.s32 $0xFFFFEC00  }
0x39: {  	[spmem:s14] =	stream.linear.scatter [tilespmem:s25], [sflag:$0x2], $0x1400, $0x38;
	[tilespmem:$0x19500] =	vst v63  }
0x3a: {  	_ =	swait.ge [sflag:s26], $0x1400  }
0x3b: {  	[sflag:s26] =	ssyncset.done $0x0  }
0x3c: {  	[sflag:s26] =	ssyncadd.s32 $0xFFFFEC00  }
0x3d: {  	[spmem:s15] =	stream.linear.scatter [tilespmem:s25], [sflag:$0x2], $0x1400, $0x38;
	[tilespmem:$0x19500] =	vst v63  }
0x3e: {  	_ =	swait.ge [sflag:s26], $0x1400  }
0x3f: {  	[sflag:s26] =	ssyncset.done $0x0  }
0x40: {  	[sflag:s26] =	ssyncadd.s32 $0xFFFFEC00  }
0x41: {  	[spmem:s16] =	stream.linear.scatter [tilespmem:s25], [sflag:$0x2], $0x1400, $0x38;
	[tilespmem:$0x19500] =	vst v63  }
0x42: {  	_ =	swait.ge [sflag:s26], $0x1400  }
0x43: {  	[sflag:s26] =	ssyncset.done $0x0  }
0x44: {  	[sflag:s26] =	ssyncadd.s32 $0xFFFFEC00  }
0x45: {  	[spmem:s17] =	stream.linear.scatter [tilespmem:s25], [sflag:$0x2], $0x1400, $0x38;
	[tilespmem:$0x19500] =	vst v63  }
0x46: {  	_ =	swait.ge [sflag:s26], $0x1400  }
0x47: {  	[sflag:s26] =	ssyncset.done $0x0  }
0x48: {  	[sflag:s26] =	ssyncadd.s32 $0xFFFFEC00  }
0x49: {  	[spmem:s18] =	stream.linear.scatter [tilespmem:s25], [sflag:$0x2], $0x1400, $0x38;
	[tilespmem:$0x19500] =	vst v63  }
0x4a: {  	_ =	swait.ge [sflag:s26], $0x1400  }
0x4b: {  	[sflag:s26] =	ssyncset.done $0x0  }
0x4c: {  	[sflag:s26] =	ssyncadd.s32 $0xFFFFEC00  }
0x4d: {  	[spmem:s19] =	stream.linear.scatter [tilespmem:s25], [sflag:$0x2], $0x1400, $0x38;
	[tilespmem:$0x19500] =	vst v63  }
0x4e: {  	_ =	swait.ge [sflag:s26], $0x1400  }
0x4f: {  	[sflag:s26] =	ssyncset.done $0x0  }
0x50: {  	[sflag:s26] =	ssyncadd.s32 $0xFFFFEC00  }
0x51: {  	[spmem:s20] =	stream.linear.scatter [tilespmem:s25], [sflag:$0x2], $0x1400, $0x38;
	[tilespmem:$0x19500] =	vst v63  }
0x52: {  	_ =	swait.ge [sflag:s26], $0x1400  }
0x53: {  	[sflag:s26] =	ssyncset.done $0x0  }
0x54: {  	[sflag:s26] =	ssyncadd.s32 $0xFFFFEC00  }
0x55: {  	[spmem:s21] =	stream.linear.scatter [tilespmem:s25], [sflag:$0x2], $0x1400, $0x38;
	[tilespmem:$0x19500] =	vst v63  }
0x56: {  	_ =	swait.ge [sflag:s26], $0x1400  }
0x57: {  	[sflag:s26] =	ssyncset.done $0x0  }
0x58: {  	[sflag:s26] =	ssyncadd.s32 $0xFFFFEC00  }
0x59: {  	s7 =	sadd.s32 $0x0, s24;
	[bflag:$0x0] =	sbarrier.arrive $0xFFFF  }
0x5a: {  	[tilespmem:s3], [sflag:$0x2] =	stream.linear.gather [hbm4b:s7+s3], $0x100, $0x38;
	[tilespmem:$0x19500] =	vst v63  }
0x5b: {  	_ =	swait.ge [sflag:s26], $0x100  }
0x5c: {  	[sflag:s26] =	ssyncset.done $0x0  }
0x5d: {  	[sflag:s26] =	ssyncadd.s32 $0xFFFFFF00  }
0x5e: {  	[tilespmem:s29], [sflag:$0x1] =	stream.indirect.gather [hbm4b:s4+s28], $0x80, s3, s28, $0xb8;
	[tilespmem:$0x19500] =	vst v63  }
0x5f: {  	_ =	swait.ge [sflag:s30], $0x4000  }
0x60: {  	[sflag:s30] =	ssyncset.done $0x0  }
0x61: {  	[sflag:s30] =	ssyncadd.s32 $0xFFFFC000  }
0x62: {  	[spmem:s1] =	stream.indirect.scatter.add.f32 [tilespmem:s29], [sflag:$0x2], $0x80, s28, s28, $0xb8;
	[tilespmem:$0x19500] =	vst v63  }
0x63: {  	_ =	swait.ge [sflag:s26], $0x4000  }
0x64: {  	s2 =	simm.s32 $0x40;
	s0 =	simm.s32 $0x20;
	[sflag:s26] =	ssyncset.done $0x0  }
.LBB2_2:
0x65: {  	s5 =	sadd.s32 s0, s24  }
0x66: {  	[sflag:s26] =	ssyncadd.s32 $0xFFFFC000;
	s0 =	smov.u32 s2;
	s7 =	sadd.s32 $0x20, s2  }
0x67: {  	[tilespmem:s3], [sflag:$0x2] =	stream.linear.gather [hbm4b:s5+s3], $0x100, $0x38;
	[tilespmem:$0x19500] =	vst v63  }
0x68: {  	p0 =	sne.s32 s2, $0x9C0;
	_ =	swait.ge [sflag:s26], $0x100  }
0x69: {  	[sflag:s26] =	ssyncset.done $0x0  }
0x6a: {  	[sflag:s26] =	ssyncadd.s32 $0xFFFFFF00  }
0x6b: {  	[tilespmem:s29], [sflag:$0x1] =	stream.indirect.gather [hbm4b:s4+s28], $0x80, s3, s28, $0xb8;
	[tilespmem:$0x19500] =	vst v63  }
0x6c: {  	_ =	swait.ge [sflag:s30], $0x4000  }
.Ltmp0:
0x6d: {  	[sflag:s30] =	ssyncset.done $0x0;
	(pc) =	sbr.rel @p0 .LBB2_2-.Ltmp0, $4  }
0x6e: {  	[sflag:s30] =	ssyncadd.s32 $0xFFFFC000  }
0x6f: {  	[spmem:s1] =	stream.indirect.scatter.add.f32 [tilespmem:s29], [sflag:$0x2], $0x80, s28, s28, $0xb8;
	[tilespmem:$0x19500] =	vst v63  }
0x70: {  	_ =	swait.ge [sflag:s26], $0x4000  }
0x71: {  	s2 =	smov.u32 s7;
	[sflag:s26] =	ssyncset.done $0x0  }
0x72: {  	s0 =	sadd.s32 s0, s24;
	[sflag:s26] =	ssyncadd.s32 $0xFFFFC000  }
0x73: {  	[tilespmem:s3], [sflag:$0x2] =	stream.linear.gather [hbm4b:s0+s3], $0x100, $0x38;
	[tilespmem:$0x19500] =	vst v63  }
0x74: {  	_ =	swait.ge [sflag:s26], $0x100  }
0x75: {  	[sflag:s26] =	ssyncset.done $0x0  }
0x76: {  	[sflag:s26] =	ssyncadd.s32 $0xFFFFFF00  }
0x77: {  	[tilespmem:s29], [sflag:$0x1] =	stream.indirect.gather [hbm4b:s4+s28], $0x80, s3, s28, $0xb8;
	[tilespmem:$0x19500] =	vst v63  }
0x78: {  	_ =	swait.ge [sflag:s30], $0x4000  }
0x79: {  	[sflag:s30] =	ssyncset.done $0x0  }
0x7a: {  	[sflag:s30] =	ssyncadd.s32 $0xFFFFC000  }
0x7b: {  	[spmem:s1] =	stream.indirect.scatter.add.f32 [tilespmem:s29], [sflag:$0x2], $0x80, s28, s28, $0xb8;
	[tilespmem:$0x19500] =	vst v63  }
0x7c: {  	s7 =	stileid.u32;
	_ =	swait.ge [sflag:s26], $0x4000  }
0x7d: {  	s2 =	sshrl.u32 s6, $0x3;
	s31 =	sadd.s32 $0x1, s31;
	[sflag:s26] =	ssyncset.done $0x0  }
0x7e: {  	s0 =	sshll.u32 s7, $0x6;
	p0 =	sne.s32 s31, s23;
	[sflag:s26] =	ssyncadd.s32 $0xFFFFC000  }
.Ltmp1:
0x7f: {  	s0 =	sor.u32 $0x1C02, s0;
	[bflag:$0x0] =	sbarrier.arrive $0xFFFF;
	(pc) =	sbr.rel @p0 .LBB2_1-.Ltmp1, $4  }
0x80: {  	[hbm:s22], [sflag:s0] =	dma.local [spmem:s2], $0x2800  }
0x81: {  	_ =	swait.ge [sflag:s26], $0x2800  }
0x82: {  	[sflag:s26] =	ssyncset.done $0x0  }
0x83: {  	[sflag:s26] =	ssyncadd.s32 $0xFFFFD800  }
0x84: {  	_ =	sfence.sel $0x180000  }
0x85: {  	[bflag:$0x0] =	sbarrier.arrive $0xFFFF  }
0x86: {  	_ =	strace $0x9000004D  }
0x87: {  	s0 =	stileid.u32;
	[bflag:$0x2] =	sbarrier.arrive $0xFFFF  }
0x88: {  	p0 =	sne.s32 s0, $0x0;
	s0 =	rddreg [dreg:$0x3]  }
0x89: {  	s0 =	sadd.s32 @!p0 $0x100000, s0  }
0x8a: {  	[sflag:s0] =	ssyncadd.tile.s32 @!p0 $0x1;
	_ =	shalt  }
.Lfunc_end2:
_tile_overlayer_lowered:
.L_overlay_start_2:
0x8b: {  	(tag) =	ssettag $0x2  }
0x8c: {  	s0 =	rddreg [dreg:$0x0];
	s2 =	stileid.u32  }
0x8d: {  	s1 =	rddreg [dreg:$0x1];
	p0 =	sne.s32 s2, $0x0  }
0x8e: {  	s3 =	rddreg [dreg:$0x2];
	[bflag:$0x3] =	sbarrier.arrive $0xFFFF;
	s2 =	simm.s32 @!p0 $0x1C02  }
0x8f: {  	[timem:s3], [sflag:s2] =	dma.local @!p0 [hbm:s0], s1  }
0x90: {  	s0 =	simm.s32 @!p0 $0x2  }
0x91: {  	_ =	swait.ge @!p0 [sflag:s0], s1  }
0x92: {  	s1 =	ssub.s32 @!p0 $0x0, s1;
	[sflag:s0] =	ssyncset.done @!p0 $0x0  }
0x93: {  	[sflag:s0] =	ssyncadd.s32 @!p0 s1  }
0x94: {  	[bflag:$0x3] =	sbarrier.arrive $0xFFFF  }
0x95: {  	_ =	shalt  }

// kernel: kernel.9.cloned.1.call-start
scs
__scs_entry_jumppad:
0x0: {  	(pc) =	sbr.rel $0x88, $3  }
0x1: {  	(tag) =	ssettag $0x0;
	lr =	simm.s32 $0x1  }
0x2: {  	[smem:$0x3F9B] =	sst lr;
	_ =	strace $0xD0000000  }
0x3: {  	_ = 	snop  }
0x4: {  	_ = 	snop  }
0x5: {  	_ = 	snop  }
0x6: {  	_ = 	snop  }
0x7: {  	_ = 	snop  }
__scs_overlays_trampoline_lowered:
0x8: {  	[smem:$0x3FAA] =	sst s0  }
0x9: {  	[smem:$0x3FAB] =	sst s1  }
0xa: {  	[smem:$0x3FAC] =	sst s2  }
0xb: {  	[smem:$0x3FAD] =	sst s3  }
0xc: {  	[smem:$0x3FAE] =	sst s4  }
0xd: {  	[smem:$0x3FAF] =	sst s5  }
0xe: {  	[smem:$0x3FB0] =	sst s6  }
0xf: {  	[smem:$0x3FB1] =	sst s7  }
0x10: {  	[smem:$0x3FB2] =	sst s8  }
0x11: {  	[smem:$0x3FB3] =	sst s9;
	s0 =	simm.s32 @!p0 $0x0  }
0x12: {  	s1 =	sld [smem:$0x3F99];
	s0 =	simm.s32 @p0 $0x1  }
0x13: {  	[smem:$0x3FB4] =	sst s0;
	s0 =	simm.s32 @!p1 $0x0  }
0x14: {  	s2 =	sld [smem:$0x3F98];
	s0 =	simm.s32 @p1 $0x1  }
0x15: {  	[smem:$0x3FB5] =	sst s0;
	s0 =	simm.s32 @!p2 $0x0  }
0x16: {  	s3 =	sld [smem:$0x3FDB];
	s0 =	simm.s32 @p2 $0x1  }
0x17: {  	s4 =	simm.s32 $0x1BF5;
	[smem:$0x3FB7] =	sst s0  }
0x18: {  	s0 =	sld [smem:$0x3F9A];
	_ =	swait.ge [sflag:s4], $0x0  }
0x19: {  	s7 =	sld [smem:$0x3F9B]  }
0x1a: {  	s8 =	sadd.s32 $0xFFFFE003, lr  }
0x1b: {  	s9 =	sadd.s32 $0xFFFFFEF7, lr;
	s5 =	simm.s32 $0xFFFFFFFF;
	p2 =	slt.u32 s8, $0xFFFFF086  }
0x1c: {  	p1 =	slt.u32 s9, $0xF7A;
	s5 =	simm.s32 @!p2 $0x0  }
0x1d: {  	s5 =	simm.s32 @p1 $0x1;
	p0 =	seq.s32 s7, s2  }
0x1e: {  	s7 =	smul.u32 @!p0 $0xF7A, s2;
	p2 =	seq.s32 @!p0 s5, $0x0  }
0x1f: {  	s9 =	smul.u32 $0xF7A, s1;
	s8 =	simm.s32 @!p0 $0x1BF5;
	p2 =	por !p2, p0  }
0x20: {  	[sflag:s8] =	ssyncset.s32 @!p0 $0xFFFFF086;
	s6 =	sadd.s32 @!p0 s3, s7;
	s7 =	simm.s32 @!p0 $0x108  }
0x21: {  	s3 =	sadd.s32 s3, s9;
	s6 =	sadd.s32 @!p0 $0x88, s6;
	s7 =	simm.s32 @p2 $0x1082  }
0x22: {  	[simem:s7], [sflag:s8] =	dma.local @!p0 [hbm:s6], $0xF7A  }
0x23: {  	s9 =	sor.u32 $0xD0000000, s2;
	s6 =	simm.s32 $0x108;
	_ =	swait.ge @!p0 [sflag:s8], $0x0  }
0x24: {  	s3 =	sadd.s32 $0x88, s3;
	s6 =	simm.s32 @!p1 $0x1082;
	[sflag:s4] =	ssyncset.s32 $0xFFFFF086  }
0x25: {  	[simem:s6], [sflag:s4] =	dma.local [hbm:s3], $0xF7A  }
0x26: {  	[smem:$0x3F9B] =	sst s1;
	(tag) =	ssettag s2;
	_ =	strace s9  }
0x27: {  	s1 =	sld [smem:$0x3FAB]  }
0x28: {  	s2 =	sld [smem:$0x3FAC]  }
0x29: {  	s4 =	sld [smem:$0x3FAE]  }
0x2a: {  	p0 =	seq.s32 s5, $0x0;
	s5 =	sld [smem:$0x3FAF]  }
0x2b: {  	s6 =	sld [smem:$0x3FB0]  }
0x2c: {  	s7 =	sld [smem:$0x3FB1]  }
0x2d: {  	s3 =	simm.s32 $0x108;
	s8 =	sld [smem:$0x3FB2]  }
0x2e: {  	s3 =	simm.s32 @!p0 $0x1082;
	s9 =	sld [smem:$0x3FB3]  }
0x2f: {  	lr =	sadd.s32 s0, s3;
	s0 =	sld [smem:$0x3FAA]  }
0x30: {  	s3 =	sld [smem:$0x3FAD]  }
0x31: {  	[smem:$0x3FB6] =	sst s10  }
0x32: {  	s10 =	sld [smem:$0x3FB4];
	_ =	sdelay $0x3  }
0x33: {  	p0 =	seq.s32 s10, $0x1;
	s10 =	sld [smem:$0x3FB6];
	_ =	sdelay $0x3  }
0x34: {  	[smem:$0x3FB6] =	sst s10  }
0x35: {  	s10 =	sld [smem:$0x3FB5];
	_ =	sdelay $0x3  }
0x36: {  	p1 =	seq.s32 s10, $0x1;
	s10 =	sld [smem:$0x3FB6];
	_ =	sdelay $0x3  }
0x37: {  	[smem:$0x3FB6] =	sst s10  }
0x38: {  	s10 =	sld [smem:$0x3FB7]  }
0x39: {  	_ = 	snop;
	(pc) =	sbr.ind lr, $3  }
0x3a: {  	_ = 	snop  }
0x3b: {  	_ = 	snop  }
0x3c: {  	p2 =	seq.s32 s10, $0x1;
	s10 =	sld [smem:$0x3FB6]  }
0x3d: {  	_ =	shalt  }
0x3e: {  	_ =	shalt  }
0x3f: {  	_ =	shalt  }
0x40: {  	_ =	shalt  }
0x41: {  	_ =	shalt  }
0x42: {  	_ =	shalt  }
0x43: {  	_ =	shalt  }
0x44: {  	_ =	shalt  }
0x45: {  	_ =	shalt  }
0x46: {  	_ =	shalt  }
0x47: {  	_ =	shalt  }
0x48: {  	_ =	shalt  }
0x49: {  	_ =	shalt  }
0x4a: {  	_ =	shalt  }
0x4b: {  	_ =	shalt  }
0x4c: {  	_ =	shalt  }
0x4d: {  	_ =	shalt  }
0x4e: {  	_ =	shalt  }
0x4f: {  	_ =	shalt  }
0x50: {  	_ =	shalt  }
0x51: {  	_ =	shalt  }
0x52: {  	_ =	shalt  }
0x53: {  	_ =	shalt  }
0x54: {  	_ =	shalt  }
0x55: {  	_ =	shalt  }
0x56: {  	_ =	shalt  }
0x57: {  	_ =	shalt  }
0x58: {  	_ =	shalt  }
0x59: {  	_ =	shalt  }
0x5a: {  	_ =	shalt  }
0x5b: {  	_ =	shalt  }
0x5c: {  	_ =	shalt  }
0x5d: {  	_ =	shalt  }
0x5e: {  	_ =	shalt  }
0x5f: {  	_ =	shalt  }
0x60: {  	_ =	shalt  }
0x61: {  	_ =	shalt  }
0x62: {  	_ =	shalt  }
0x63: {  	_ =	shalt  }
0x64: {  	_ =	shalt  }
0x65: {  	_ =	shalt  }
0x66: {  	_ =	shalt  }
0x67: {  	_ =	shalt  }
0x68: {  	_ =	shalt  }
0x69: {  	_ =	shalt  }
0x6a: {  	_ =	shalt  }
0x6b: {  	_ =	shalt  }
0x6c: {  	_ =	shalt  }
0x6d: {  	_ =	shalt  }
0x6e: {  	_ =	shalt  }
0x6f: {  	_ =	shalt  }
0x70: {  	_ =	shalt  }
0x71: {  	_ =	shalt  }
0x72: {  	_ =	shalt  }
0x73: {  	_ =	shalt  }
0x74: {  	_ =	shalt  }
0x75: {  	_ =	shalt  }
0x76: {  	_ =	shalt  }
0x77: {  	_ =	shalt  }
0x78: {  	_ =	shalt  }
0x79: {  	_ =	shalt  }
0x7a: {  	_ =	shalt  }
0x7b: {  	_ =	shalt  }
0x7c: {  	_ =	shalt  }
0x7d: {  	_ =	shalt  }
0x7e: {  	_ =	shalt  }
0x7f: {  	_ =	shalt  }
0x80: {  	_ =	shalt  }
0x81: {  	_ =	shalt  }
0x82: {  	_ =	shalt  }
0x83: {  	_ =	shalt  }
0x84: {  	_ =	shalt  }
0x85: {  	_ =	shalt  }
0x86: {  	_ =	shalt  }
0x87: {  	_ =	shalt  }
.Lfunc_end0:
.L_simem_size_0:
called_computation_lowered:
.L_overlay_start_0:
0x88: {  	s2 =	sld [smem:$0x3FD9]  }
0x89: {  	s3 =	sld [smem:$0x3FFE];
	_ =	sdelay $0x1  }
0x8a: {  	s1 =	srdreg.scid  }
0x8b: {  	s0 =	sand.u32 $0x1, s1  }
0x8c: {  	s16 =	sshll.u32 s0, $0xA;
	s2 =	sadd.s32 s3, s2  }
0x8d: {  	s2 =	sadd.s32 s2, s16  }
0x8e: {  	[smem:$0x3FC2] =	sst s2  }
0x8f: {  	_ = 	snop  }
0x90: {  	(tm) =	ssettm $0x1  }
0x91: {  	s17 =	sld [smem:$0x3FFB];
	_ =	sdelay $0x3  }
0x92: {  	_ =	strace s17  }
0x93: {  	s2 =	sld [smem:$0x3FFC];
	_ =	sdelay $0x3  }
0x94: {  	_ =	strace s2  }
0x95: {  	s2 =	sld [smem:$0x3FFD];
	_ =	sdelay $0x3  }
0x96: {  	_ =	strace s2  }
0x97: {  	_ =	strace $0x8FFFFFFF  }
0x98: {  	s18 =	sld [smem:$0x3FDB];
	_ =	sdelay $0x1  }
0x99: {  	s19 =	simm.s32 $_scs_section_size  }
0x9a: {  	s4 =	simm.s32 $_size__tile_overlayer_lowered;
	s5 =	simm.s32 $_tile_overlayer_lowered  }
0x9b: {  	s22 =	simm.s32 $0x1BFF;
	s21 =	sshll.u32 s5, $0x1;
	s2 =	sadd.s32 s19, s18  }
0x9c: {  	s6 =	simm.s32 $0x0;
	s20 =	sshll.u32 s4, $0x1;
	s4 =	sadd.s32 s21, s2  }
0x9d: {  	[timem:s6], [sflag:s22] =	dma.local [hbm:s4], s20  }
0x9e: {  	_ =	swait.ge [sflag:s22], s20  }
0x9f: {  	s3 =	ssub.s32 $0x0, s20;
	[sflag:s22] =	ssyncset.done $0x0  }
0xa0: {  	[sflag:s22] =	ssyncadd.s32 s3;
	_ =	sdelay $0x1  }
0xa1: {  	s23 =	simm.s32 $0x1B8B  }
0xa2: {  	_ =	swait.ge [sflag:s23], $0x1  }
0xa3: {  	[sflag:s23] =	ssyncset.done $0x0  }
0xa4: {  	s25 =	simm.s32 $0x1B8E;
	s24 =	sld [smem:$0x3FFE];
	[sflag:s23] =	ssyncadd.s32 $0xFFFFFFFF  }
0xa5: {  	s26 =	simm.s32 $execute0_lowered;
	[smem:$0x3FD2] =	sst s25  }
0xa6: {  	s4 =	sshll.u32 s26, $0x1;
	_ =	strace $0x80000046;
	[dreg:$0x1] =	wrdreg $0xFFFFFFFF  }
0xa7: {  	s28 =	simm.s32 $_size_execute0_lowered;
	s2 =	sadd.s32 s2, s4;
	[dreg:$0x0] =	wrdreg $0x0  }
0xa8: {  	s4 =	sshll.u32 s28, $0x1;
	[dreg:$0x2] =	wrdreg s2  }
0xa9: {  	[dreg:$0x3] =	wrdreg s4  }
0xaa: {  	[dreg:$0x4] =	wrdreg $0xC0  }
0xab: {  	_ =	task [dreg:s6], $0x5FFFF  }
0xac: {  	[dreg:$0x1] =	wrdreg $0xFFFFFFFF  }
0xad: {  	[dreg:$0x0] =	wrdreg $0x60  }
0xae: {  	[dreg:$0x2] =	wrdreg s24  }
0xaf: {  	[dreg:$0x3] =	wrdreg $0x7C000  }
0xb0: {  	[dreg:$0x4] =	wrdreg $0x9  }
0xb1: {  	_ =	task.clear_ibuf [dreg:s6], $0x5FFFF;
	_ =	strace $0x90000046  }
0xb2: {  	s29 =	simm.s32 $0x9;
	_ =	strace $0x80000048  }
0xb3: {  	_ =	swait.ge [sflag:s29], $0x1  }
0xb4: {  	[sflag:s29] =	ssyncadd.s32 $0xFFFFFFFF  }
0xb5: {  	_ =	strace $0x90000048  }
0xb6: {  	_ =	sfence  }
0xb7: {  	s30 =	sld [smem:$0x0];
	_ =	sdelay $0x2  }
0xb8: {  	s31 =	sshll.u32 s1, $0xD;
	s1 =	sshrl.u32 s1, $0x2  }
0xb9: {  	s3 =	sand.u32 $0x4000, s31;
	s1 =	sadd.s32 s1, s30  }
0xba: {  	s0 =	sor.u32 s3, s0;
	s1 =	sshll.u32 s1, $0x11  }
0xbb: {  	s0 =	sor.u32 s1, s0  }
0xbc: {  	s0 =	sadd.s32 $0x8F2B, s0  }
0xbd: {  	[sflag:s0] =	ssyncadd.remote.s32 $0x1  }
0xbe: {  	_ =	sfence.sel $0xFFFF  }
0xbf: {  	[dreg:$0x0] =	wrdreg $0xFFFFFFFF;
	(pc) =	sbr.abs _section_cstart, $3  }
0xc0: {  	[dreg:$0x1] =	wrdreg $0xFFFFFFFF  }
0xc1: {  	_ =	task.clear_ibuf [dreg:s6], $0x2FFFF;
	_ =	strace $0x9FFFFFFF  }
0xc2: {  	(tm) =	ssettm $0x7FFFFFFF  }
0xc3: {  	_ =	shalt  }
tec
execute0_lowered:
.L_overlay_start_1:
0x0: {  	(tag) =	ssettag $0x1  }
0x1: {  	s6 =	rddreg [dreg:$0x0]  }
0x2: {  	s0 =	srdreg.scid;
	s2 =	rddreg [dreg:$0x1]  }
0x3: {  	s1 =	stileid.u32;
	s3 =	simm.s32 $0x0;
	s28 =	simm.s32 $0x6800  }
0x4: {  	s29 =	simm.s32 $0x50;
	s30 =	simm.s32 $0x0;
	s5 =	smul.u32 $0x14000, s1  }
0x5: {  	s7 =	sand.u32 $0x1, s0;
	[smem:$0x7FF] =	sst s3;
	s10 =	smul.u32 $0x50000, s1  }
0x6: {  	s25 =	sshll.u32 s1, $0xC;
	s4 =	smul.u32 $0x140000, s7;
	s8 =	sshll.u32 s7, $0xB  }
0x7: {  	_ =	strace $0x80000047;
	s7 =	ssub.s32 $0x2, s7;
	s8 =	sadd.s32 s8, s6  }
0x8: {  	s26 =	sshrl.u32 s10, $0x2;
	s31 =	sshrl.u32 s7, $0x1;
	s4 =	sadd.s32 s5, s4  }
0x9: {  	s5 =	sadd.s32 $0x11E00, s6;
	s8 =	sadd.s32 s25, s8;
	s24 =	ssub.s32 s7, s31  }
0xa: {  	s25 =	simm.s32 $0x1;
	s9 =	sshrl.u32 s4, $0x3;
	s4 =	sadd.s32 $0x12200, s6  }
0xb: {  	s7 =	sadd.s32 $0x1E00, s8;
	s23 =	sadd.s32 s9, s6;
	s6 =	sadd.s32 s26, s2  }
0xc: {  	s24 =	smax.u32 s24, $0x1;
	s26 =	simm.s32 $0x4000;
	s8 =	sadd.s32 $0x1400, s6  }
0xd: {  	s9 =	sadd.s32 $0x2800, s6;
	s10 =	sadd.s32 $0x3C00, s6;
	s11 =	sadd.s32 $0x5000, s6  }
0xe: {  	s12 =	sadd.s32 $0x6400, s6;
	s13 =	sadd.s32 $0x7800, s6;
	s14 =	sadd.s32 $0x8C00, s6  }
0xf: {  	s15 =	sadd.s32 $0xA000, s6;
	s16 =	sadd.s32 $0xB400, s6;
	s17 =	sadd.s32 $0xC800, s6  }
0x10: {  	s18 =	sadd.s32 $0xDC00, s6;
	s19 =	sadd.s32 $0xF000, s6;
	s20 =	sadd.s32 $0x10400, s6  }
0x11: {  	s21 =	sadd.s32 $0x11800, s6;
	s22 =	sadd.s32 $0x12C00, s6;
	s23 =	sadd.s32 $0x12800, s23  }
.LBB2_1:
0x12: {  	[tilespmem:s3], [sflag:$0x1] =	stream.linear.gather [hbm4b:s7+s3], $0x3E80, $0x38;
	[tilespmem:$0x1BC00] =	vst v63  }
0x13: {  	_ =	swait.ge [sflag:s25], $0x3E80  }
0x14: {  	[sflag:s25] =	ssyncset.done $0x0  }
0x15: {  	[sflag:s25] =	ssyncadd.s32 $0xFFFFC180  }
0x16: {  	[tilespmem:s26], [sflag:$0x1] =	stream.linear.gather [hbm4b:s4+s3], $0x2800, $0x38;
	[tilespmem:$0x1BC00] =	vst v63  }
0x17: {  	_ =	swait.ge [sflag:s25], $0x2800  }
0x18: {  	[sflag:s25] =	ssyncset.done $0x0  }
0x19: {  	[sflag:s25] =	ssyncadd.s32 $0xFFFFD800  }
0x1a: {  	[tilespmem:s28], [sflag:$0x1] =	stream.linear.gather [hbm4b:s5+s3], $0x1400, $0x38;
	[tilespmem:$0x1BC00] =	vst v63  }
0x1b: {  	_ =	swait.ge [sflag:s25], $0x1400  }
0x1c: {  	[sflag:s25] =	ssyncset.done $0x0  }
0x1d: {  	[sflag:s25] =	ssyncadd.s32 $0xFFFFEC00  }
0x1e: {  	[spmem:s6] =	stream.linear.scatter [tilespmem:s28], [sflag:$0x1], $0x1400, $0x38;
	[tilespmem:$0x1BC00] =	vst v63  }
0x1f: {  	_ =	swait.ge [sflag:s25], $0x1400  }
0x20: {  	[sflag:s25] =	ssyncset.done $0x0  }
0x21: {  	[sflag:s25] =	ssyncadd.s32 $0xFFFFEC00  }
0x22: {  	[spmem:s8] =	stream.linear.scatter [tilespmem:s28], [sflag:$0x1], $0x1400, $0x38;
	[tilespmem:$0x1BC00] =	vst v63  }
0x23: {  	_ =	swait.ge [sflag:s25], $0x1400  }
0x24: {  	[sflag:s25] =	ssyncset.done $0x0  }
0x25: {  	[sflag:s25] =	ssyncadd.s32 $0xFFFFEC00  }
0x26: {  	[spmem:s9] =	stream.linear.scatter [tilespmem:s28], [sflag:$0x1], $0x1400, $0x38;
	[tilespmem:$0x1BC00] =	vst v63  }
0x27: {  	_ =	swait.ge [sflag:s25], $0x1400  }
0x28: {  	[sflag:s25] =	ssyncset.done $0x0  }
0x29: {  	[sflag:s25] =	ssyncadd.s32 $0xFFFFEC00  }
0x2a: {  	[spmem:s10] =	stream.linear.scatter [tilespmem:s28], [sflag:$0x1], $0x1400, $0x38;
	[tilespmem:$0x1BC00] =	vst v63  }
0x2b: {  	_ =	swait.ge [sflag:s25], $0x1400  }
0x2c: {  	[sflag:s25] =	ssyncset.done $0x0  }
0x2d: {  	[sflag:s25] =	ssyncadd.s32 $0xFFFFEC00  }
0x2e: {  	[spmem:s11] =	stream.linear.scatter [tilespmem:s28], [sflag:$0x1], $0x1400, $0x38;
	[tilespmem:$0x1BC00] =	vst v63  }
0x2f: {  	_ =	swait.ge [sflag:s25], $0x1400  }
0x30: {  	[sflag:s25] =	ssyncset.done $0x0  }
0x31: {  	[sflag:s25] =	ssyncadd.s32 $0xFFFFEC00  }
0x32: {  	[spmem:s12] =	stream.linear.scatter [tilespmem:s28], [sflag:$0x1], $0x1400, $0x38;
	[tilespmem:$0x1BC00] =	vst v63  }
0x33: {  	_ =	swait.ge [sflag:s25], $0x1400  }
0x34: {  	[sflag:s25] =	ssyncset.done $0x0  }
0x35: {  	[sflag:s25] =	ssyncadd.s32 $0xFFFFEC00  }
0x36: {  	[spmem:s13] =	stream.linear.scatter [tilespmem:s28], [sflag:$0x1], $0x1400, $0x38;
	[tilespmem:$0x1BC00] =	vst v63  }
0x37: {  	_ =	swait.ge [sflag:s25], $0x1400  }
0x38: {  	[sflag:s25] =	ssyncset.done $0x0  }
0x39: {  	[sflag:s25] =	ssyncadd.s32 $0xFFFFEC00  }
0x3a: {  	[spmem:s14] =	stream.linear.scatter [tilespmem:s28], [sflag:$0x1], $0x1400, $0x38;
	[tilespmem:$0x1BC00] =	vst v63  }
0x3b: {  	_ =	swait.ge [sflag:s25], $0x1400  }
0x3c: {  	[sflag:s25] =	ssyncset.done $0x0  }
0x3d: {  	[sflag:s25] =	ssyncadd.s32 $0xFFFFEC00  }
0x3e: {  	[spmem:s15] =	stream.linear.scatter [tilespmem:s28], [sflag:$0x1], $0x1400, $0x38;
	[tilespmem:$0x1BC00] =	vst v63  }
0x3f: {  	_ =	swait.ge [sflag:s25], $0x1400  }
0x40: {  	[sflag:s25] =	ssyncset.done $0x0  }
0x41: {  	[sflag:s25] =	ssyncadd.s32 $0xFFFFEC00  }
0x42: {  	[spmem:s16] =	stream.linear.scatter [tilespmem:s28], [sflag:$0x1], $0x1400, $0x38;
	[tilespmem:$0x1BC00] =	vst v63  }
0x43: {  	_ =	swait.ge [sflag:s25], $0x1400  }
0x44: {  	[sflag:s25] =	ssyncset.done $0x0  }
0x45: {  	[sflag:s25] =	ssyncadd.s32 $0xFFFFEC00  }
0x46: {  	[spmem:s17] =	stream.linear.scatter [tilespmem:s28], [sflag:$0x1], $0x1400, $0x38;
	[tilespmem:$0x1BC00] =	vst v63  }
0x47: {  	_ =	swait.ge [sflag:s25], $0x1400  }
0x48: {  	[sflag:s25] =	ssyncset.done $0x0  }
0x49: {  	[sflag:s25] =	ssyncadd.s32 $0xFFFFEC00  }
0x4a: {  	[spmem:s18] =	stream.linear.scatter [tilespmem:s28], [sflag:$0x1], $0x1400, $0x38;
	[tilespmem:$0x1BC00] =	vst v63  }
0x4b: {  	_ =	swait.ge [sflag:s25], $0x1400  }
0x4c: {  	[sflag:s25] =	ssyncset.done $0x0  }
0x4d: {  	[sflag:s25] =	ssyncadd.s32 $0xFFFFEC00  }
0x4e: {  	[spmem:s19] =	stream.linear.scatter [tilespmem:s28], [sflag:$0x1], $0x1400, $0x38;
	[tilespmem:$0x1BC00] =	vst v63  }
0x4f: {  	_ =	swait.ge [sflag:s25], $0x1400  }
0x50: {  	[sflag:s25] =	ssyncset.done $0x0  }
0x51: {  	[sflag:s25] =	ssyncadd.s32 $0xFFFFEC00  }
0x52: {  	[spmem:s20] =	stream.linear.scatter [tilespmem:s28], [sflag:$0x1], $0x1400, $0x38;
	[tilespmem:$0x1BC00] =	vst v63  }
0x53: {  	_ =	swait.ge [sflag:s25], $0x1400  }
0x54: {  	[sflag:s25] =	ssyncset.done $0x0  }
0x55: {  	[sflag:s25] =	ssyncadd.s32 $0xFFFFEC00  }
0x56: {  	[spmem:s21] =	stream.linear.scatter [tilespmem:s28], [sflag:$0x1], $0x1400, $0x38;
	[tilespmem:$0x1BC00] =	vst v63  }
0x57: {  	_ =	swait.ge [sflag:s25], $0x1400  }
0x58: {  	[sflag:s25] =	ssyncset.done $0x0  }
0x59: {  	[sflag:s25] =	ssyncadd.s32 $0xFFFFEC00  }
0x5a: {  	[spmem:s22] =	stream.linear.scatter [tilespmem:s28], [sflag:$0x1], $0x1400, $0x38;
	[tilespmem:$0x1BC00] =	vst v63  }
0x5b: {  	_ =	swait.ge [sflag:s25], $0x1400  }
0x5c: {  	[sflag:s25] =	ssyncset.done $0x0  }
0x5d: {  	[sflag:s25] =	ssyncadd.s32 $0xFFFFEC00  }
0x5e: {  	s31 =	simm.s32 $0x0;
	[bflag:$0x0] =	sbarrier.arrive $0xFFFF  }
0x5f: {  	[spmem:s2] =	stream.indirect.scatter.add.f32 [tilespmem:s26], [sflag:$0x1], $0x80, s31, s29, $0xb8;
	[tilespmem:$0x1BC00] =	vst v63  }
0x60: {  	_ =	swait.ge [sflag:s25], $0x2800  }
0x61: {  	s31 =	simm.s32 $0x200;
	[sflag:s25] =	ssyncset.done $0x0  }
.LBB2_2:
0x62: {  	s0 =	sshra.s32 s31, $0x2;
	[sflag:s25] =	ssyncadd.s32 $0xFFFFD800;
	p0 =	sne.s32 s31, $0xF800  }
0x63: {  	[spmem:s2] =	stream.indirect.scatter.add.f32 [tilespmem:s26], [sflag:$0x1], $0x80, s0, s29, $0xb8;
	[tilespmem:$0x1BC00] =	vst v63  }
.Ltmp0:
0x64: {  	_ = 	snop;
	(pc) =	sbr.rel @p0 .LBB2_2-.Ltmp0, $4  }
0x65: {  	_ = 	snop  }
0x66: {  	s31 =	sadd.s32 $0x200, s31  }
0x67: {  	_ =	swait.ge [sflag:s25], $0x2800  }
0x68: {  	[sflag:s25] =	ssyncset.done $0x0  }
0x69: {  	[sflag:s25] =	ssyncadd.s32 $0xFFFFD800;
	s30 =	sadd.s32 $0x1, s30  }
0x6a: {  	s0 =	sshll.u32 s1, $0x6;
	s31 =	sshrl.u32 s6, $0x3;
	p0 =	sne.s32 s30, s24  }
.Ltmp1:
0x6b: {  	[bflag:$0x0] =	sbarrier.arrive $0xFFFF;
	s0 =	sor.u32 $0x1C01, s0;
	(pc) =	sbr.rel @p0 .LBB2_1-.Ltmp1, $4  }
0x6c: {  	[hbm:s23], [sflag:s0] =	dma.local [spmem:s31], $0x2800  }
0x6d: {  	_ =	swait.ge [sflag:s25], $0x2800  }
0x6e: {  	[sflag:s25] =	ssyncset.done $0x0  }
0x6f: {  	[sflag:s25] =	ssyncadd.s32 $0xFFFFD800  }
0x70: {  	_ =	sfence.sel $0x180000  }
0x71: {  	[bflag:$0x0] =	sbarrier.arrive $0xFFFF  }
0x72: {  	_ =	strace $0x90000047  }
0x73: {  	[bflag:$0x2] =	sbarrier.arrive $0xFFFF  }
0x74: {  	p0 =	sne.s32 s1, $0x0;
	s0 =	rddreg [dreg:$0x2]  }
0x75: {  	s0 =	sadd.s32 @!p0 $0x100000, s0  }
0x76: {  	[sflag:s0] =	ssyncadd.tile.s32 @!p0 $0x1;
	_ =	shalt  }
.Lfunc_end2:
_tile_overlayer_lowered:
.L_overlay_start_2:
0x77: {  	(tag) =	ssettag $0x2  }
0x78: {  	s0 =	rddreg [dreg:$0x0];
	s2 =	stileid.u32  }
0x79: {  	s1 =	rddreg [dreg:$0x1];
	p0 =	sne.s32 s2, $0x0  }
0x7a: {  	s3 =	rddreg [dreg:$0x2];
	[bflag:$0x3] =	sbarrier.arrive $0xFFFF;
	s2 =	simm.s32 @!p0 $0x1C01  }
0x7b: {  	[timem:s3], [sflag:s2] =	dma.local @!p0 [hbm:s0], s1  }
0x7c: {  	s0 =	simm.s32 @!p0 $0x1  }
0x7d: {  	_ =	swait.ge @!p0 [sflag:s0], s1  }
0x7e: {  	s1 =	ssub.s32 @!p0 $0x0, s1;
	[sflag:s0] =	ssyncset.done @!p0 $0x0  }
0x7f: {  	[sflag:s0] =	ssyncadd.s32 @!p0 s1  }
0x80: {  	[bflag:$0x3] =	sbarrier.arrive $0xFFFF  }
0x81: {  	_ =	shalt  }

</sc_bundles>
